<compile_context>
chip_gen: v7x
topology: tpu7x:2x2x1
jax: 0.10.2.dev20260603
libtpu: 0.0.44.dev20260713+nightly
codegen_flags: <defaults>
</compile_context>

<pallas_src>
import functools

import jax
import jax.numpy as jnp
from jax import lax
from jax.experimental import pallas as pl
from jax.experimental.pallas import tpu as pltpu
from jax.experimental.pallas import tpu_sc as plsc

N = 10000
E = 320000
D = 128
D_OUT = 16
NP = 10240

NC = 2
NS = 16
NW = NC * NS
CH = 128
RPT = 80
EPAD = NW * RPT * CH
ROWS_T = NP // NS


IBC = 40
NCH = RPT // IBC


def _sc_kernel(src2d, dst2d, x_hbm,
               agg_out, w_out, invcnt_out,
               sidxc, didxc, rows0, rows1, ones, invs,
               agg_sp, cnt_sp, w_sp,
               semg0, semg1, sems0, sems1, semc):
    c = lax.axis_index("c")
    s = lax.axis_index("s")
    wid = c * NS + s

    r0 = s * ROWS_T

    def z_body(i, _):
        for k in range(D // 16):
            rows0[i, pl.ds(k * 16, 16)] = jnp.zeros((16,), jnp.float32)
        return 0
    lax.fori_loop(0, CH, z_body, 0)

    def z1_body(i, _):
        invs[pl.ds(i * 16, 16)] = jnp.zeros((16,), jnp.float32)
        return 0
    lax.fori_loop(0, ROWS_T // 16, z1_body, 0)

    for t in range(ROWS_T // CH):
        pltpu.sync_copy(rows0, agg_sp.at[pl.ds(r0 + t * CH, CH)])
    pltpu.sync_copy(invs, cnt_sp.at[pl.ds(r0, ROWS_T)])
    pltpu.sync_copy(invs, w_sp.at[pl.ds(r0, ROWS_T)])
    for i in range(CH // 16):
        ones[pl.ds(i * 16, 16)] = jnp.ones((16,), jnp.float32)

    plsc.subcore_barrier()

    cbufs = (didxc, sidxc)

    def cnt_drain1(r, _):
        pltpu.make_async_copy(ones, cnt_sp.at[didxc.at[r]], semc).wait()
        return 0

    for q in range(NC * NCH):
        buf = cbufs[q % 2]
        plane = s * NC + q // NCH
        off = (q % NCH) * IBC
        if q >= 2:
            lax.fori_loop(0, IBC, cnt_drain1, 0)
        pltpu.sync_copy(dst2d.at[plane, pl.ds(off, IBC)], buf)

        def cnt_fire(r, _, buf=buf):
            pltpu.async_copy(ones, cnt_sp.at[buf.at[r]], semc, add=True)
            return 0
        lax.fori_loop(0, IBC, cnt_fire, 0)
    lax.fori_loop(0, 2 * IBC, cnt_drain1, 0)

    def g_start(r, buf, sem):
        pltpu.async_copy(x_hbm.at[sidxc.at[r]], buf, sem)

    def g_wait(r, buf, sem):
        pltpu.make_async_copy(x_hbm.at[sidxc.at[r]], buf, sem).wait()

    def s_start(r, buf, sem):
        pltpu.async_copy(buf, agg_sp.at[didxc.at[r]], sem, add=True)

    def s_wait(r, buf, sem):
        pltpu.make_async_copy(buf, agg_sp.at[didxc.at[r]], sem).wait()

    def agg_chunk(q, _):
        off = pl.multiple_of(q * IBC, IBC)
        pltpu.sync_copy(src2d.at[wid, pl.ds(off, IBC)], sidxc)
        pltpu.sync_copy(dst2d.at[wid, pl.ds(off, IBC)], didxc)
        g_start(0, rows0, semg0)
        g_start(1, rows1, semg1)

        def pair(p, _):
            ra = 2 * p
            rb = 2 * p + 1
            g_wait(ra, rows0, semg0)
            s_start(ra, rows0, sems0)
            g_wait(rb, rows1, semg1)
            s_start(rb, rows1, sems1)
            s_wait(ra, rows0, sems0)

            @pl.when(ra + 2 < IBC)
            def _():
                g_start(ra + 2, rows0, semg0)
            s_wait(rb, rows1, sems1)

            @pl.when(rb + 2 < IBC)
            def _():
                g_start(rb + 2, rows1, semg1)
            return 0
        lax.fori_loop(0, IBC // 2, pair, 0)
        return 0
    lax.fori_loop(0, NCH, agg_chunk, 0)

    plsc.subcore_barrier()

    pltpu.sync_copy(cnt_sp.at[pl.ds(r0, ROWS_T)], invs)

    def inv_body(i, _):
        v = invs[pl.ds(i * 16, 16)]
        invs[pl.ds(i * 16, 16)] = 1.0 / jnp.maximum(v, 1.0)
        return 0
    lax.fori_loop(0, ROWS_T // 16, inv_body, 0)
    pltpu.sync_copy(invs, cnt_sp.at[pl.ds(r0, ROWS_T)])

    @pl.when(c == 0)
    def _():
        pltpu.sync_copy(invs, invcnt_out.at[pl.ds(r0, ROWS_T)])

    plsc.subcore_barrier()

    def w_chunk(q, _):
        off = pl.multiple_of(q * IBC, IBC)
        pltpu.sync_copy(src2d.at[wid, pl.ds(off, IBC)], sidxc)
        pltpu.sync_copy(dst2d.at[wid, pl.ds(off, IBC)], didxc)

        def gfire(r, _):
            pltpu.async_copy(cnt_sp.at[didxc.at[r]], rows0.at[r], semc)
            return 0
        lax.fori_loop(0, IBC, gfire, 0)

        def gdrain_sfire(r, _):
            pltpu.make_async_copy(cnt_sp.at[didxc.at[r]], rows0.at[r],
                                  semc).wait()
            pltpu.async_copy(rows0.at[r], w_sp.at[sidxc.at[r]], sems0,
                             add=True)
            return 0
        lax.fori_loop(0, IBC, gdrain_sfire, 0)

        def sdrain(r, _):
            pltpu.make_async_copy(rows0.at[r], w_sp.at[sidxc.at[r]],
                                  sems0).wait()
            return 0
        lax.fori_loop(0, IBC, sdrain, 0)
        return 0
    lax.fori_loop(0, NCH, w_chunk, 0)

    plsc.subcore_barrier()

    pltpu.sync_copy(agg_sp.at[pl.ds(r0, ROWS_T)],
                    agg_out.at[pl.ds(c * NP + r0, ROWS_T)])
    pltpu.sync_copy(w_sp.at[pl.ds(r0, ROWS_T)],
                    w_out.at[pl.ds(c * NP + r0, ROWS_T)])


def _sc_aggregate(x_pad, src2d, dst2d):
    kfn = pl.kernel(
        _sc_kernel,
        mesh=plsc.VectorSubcoreMesh(core_axis_name="c", subcore_axis_name="s"),
        out_type=[
            pltpu.HBM((NC * NP, D), jnp.float32),
            pltpu.HBM((NC * NP,), jnp.float32),
            pltpu.HBM((NP,), jnp.float32),
        ],
        scratch_types=[
            pltpu.VMEM((IBC, CH), jnp.int32),
            pltpu.VMEM((IBC, CH), jnp.int32),
            pltpu.VMEM((CH, D), jnp.float32),
            pltpu.VMEM((CH, D), jnp.float32),
            pltpu.VMEM((CH,), jnp.float32),
            pltpu.VMEM((ROWS_T,), jnp.float32),
            pltpu.VMEM_SHARED((NP, D), jnp.float32),
            pltpu.VMEM_SHARED((NP,), jnp.float32),
            pltpu.VMEM_SHARED((NP,), jnp.float32),
        ] + [pltpu.SemaphoreType.DMA] * 5,
    )
    return kfn(src2d, dst2d, x_pad)


ROWS_B = 1024
GRID = NP // ROWS_B


def _tc_kernel(x_ref, a0_ref, a1_ref, inv_ref, w0_ref, w1_ref,
               wl1_ref, bl1_ref, wr1_ref, wl2_ref, bl2_ref, wr2_ref,
               out_ref, sh_acc, s2_acc):
    i = pl.program_id(0)

    @pl.when(i == 0)
    def _():
        sh_acc[...] = jnp.zeros((1, D), jnp.float32)
        s2_acc[...] = jnp.zeros((1, D), jnp.float32)
        out_ref[...] = jnp.zeros((1, D_OUT), jnp.float32)

    mm = functools.partial(lax.dot_general,
                           preferred_element_type=jnp.float32,
                           precision=lax.Precision.HIGHEST)
    eye = (lax.broadcasted_iota(jnp.int32, (D, D), 0) ==
           lax.broadcasted_iota(jnp.int32, (D, D), 1)).astype(jnp.float32)
    sh_l = jnp.zeros((1, D), jnp.float32)
    s2_l = jnp.zeros((1, D), jnp.float32)
    for a in range(ROWS_B // D):
        sl = pl.ds(a * D, D)
        agg = a0_ref[0, sl, :] + a1_ref[0, sl, :]
        inv_row = inv_ref[pl.ds(a, 1), :]
        mean = mm(eye * inv_row, agg, (((1,), (0,)), ((), ())))
        hp = mm(mean, wl1_ref[...], (((1,), (1,)), ((), ())))
        hp += mm(x_ref[sl, :], wr1_ref[...], (((1,), (1,)), ((), ())))
        h = jnp.maximum(hp + bl1_ref[...], 0.0)
        row = i * ROWS_B + a * D + lax.broadcasted_iota(jnp.int32, (D, 1), 0)
        h = jnp.where(row < N, h, 0.0)
        w_row = w0_ref[0, pl.ds(a, 1), :] + w1_ref[0, pl.ds(a, 1), :]
        sh_l += jnp.sum(h, axis=0, keepdims=True)
        s2_l += mm(w_row, h, (((1,), (0,)), ((), ())))
    sh_acc[...] += sh_l
    s2_acc[...] += s2_l

    @pl.when(i == GRID - 1)
    def _():
        invn = 1.0 / float(N)
        pooled = lax.dot_general(s2_acc[...] * invn, wl2_ref[...],
                                 (((1,), (1,)), ((), ())),
                                 preferred_element_type=jnp.float32,
                                 precision=lax.Precision.HIGHEST)
        pooled += lax.dot_general(sh_acc[...] * invn, wr2_ref[...],
                                  (((1,), (1,)), ((), ())),
                                  preferred_element_type=jnp.float32,
                                  precision=lax.Precision.HIGHEST)
        pooled += bl2_ref[...]
        m = jnp.max(pooled, axis=-1, keepdims=True)
        e = jnp.exp(pooled - m)
        out_ref[...] = e / jnp.sum(e, axis=-1, keepdims=True)


def _tc_finish(x_pad, agg_parts, w_parts, invcnt,
               W_l1, b_l1, W_r1, W_l2, b_l2, W_r2):
    inv2d = invcnt.reshape(NP // D, D)
    w2d = w_parts.reshape(NC, NP // D, D)
    a3d = agg_parts.reshape(NC, NP, D)
    full = lambda shape: pl.BlockSpec(shape, lambda i: (0,) * len(shape))
    return pl.pallas_call(
        _tc_kernel,
        grid=(GRID,),
        in_specs=[
            pl.BlockSpec((ROWS_B, D), lambda i: (i, 0)),
            pl.BlockSpec((1, ROWS_B, D), lambda i: (0, i, 0)),
            pl.BlockSpec((1, ROWS_B, D), lambda i: (1, i, 0)),
            pl.BlockSpec((ROWS_B // D, D), lambda i: (i, 0)),
            pl.BlockSpec((1, ROWS_B // D, D), lambda i: (0, i, 0)),
            pl.BlockSpec((1, ROWS_B // D, D), lambda i: (1, i, 0)),
            full((D, D)), full((1, D)), full((D, D)),
            full((D_OUT, D)), full((1, D_OUT)), full((D_OUT, D)),
        ],
        out_specs=pl.BlockSpec((1, D_OUT), lambda i: (0, 0)),
        out_shape=jax.ShapeDtypeStruct((1, D_OUT), jnp.float32),
        scratch_shapes=[pltpu.VMEM((1, D), jnp.float32),
                        pltpu.VMEM((1, D), jnp.float32)],
    )(x_pad, a3d, a3d, inv2d, w2d, w2d,
      W_l1, b_l1.reshape(1, D), W_r1, W_l2, b_l2.reshape(1, D_OUT), W_r2)


def kernel(x, edge_index, W_l1, b_l1, W_r1, W_l2, b_l2, W_r2):
    x_pad = jnp.pad(x, ((0, NP - N), (0, 0)))
    spread = N + (jnp.arange(EPAD - E, dtype=jnp.int32) % (NP - N))
    ei = jnp.concatenate([edge_index, jnp.stack([spread, spread])], axis=1)
    src2d = ei[0].reshape(NW, RPT, CH)
    dst2d = ei[1].reshape(NW, RPT, CH)
    agg_parts, w_parts, invcnt = _sc_aggregate(x_pad, src2d, dst2d)
    return _tc_finish(x_pad, agg_parts, w_parts, invcnt,
                      W_l1, b_l1, W_r1, W_l2, b_l2, W_r2)

# --- scband reference (transcript-rebuilt; emitter-appended) ---
"""Pipeline reference for scband-graph-sagemodel-29618094473354 (READ-ONLY COPY).

The authoritative reference and input builder live on the scoring server;
editing this copy changes nothing except your own understanding.
"""

import jax, jax.numpy as jnp
import numpy as np

N = 10000
E = 320000
D_IN = 128
D_HID = 128
D_OUT = 16


def setup_inputs(seed: int = 0) -> dict:
    key = jax.random.key(seed)
    ks = jax.random.split(key, 9)
    x = jax.random.normal(ks[0], (N, D_IN), dtype=jnp.float32)
    edge_index = jax.random.randint(ks[1], (2, E), 0, N, dtype=jnp.int32)
    s1 = 1.0 / np.sqrt(D_IN)
    s2 = 1.0 / np.sqrt(D_HID)
    W_l1 = jax.random.normal(ks[2], (D_HID, D_IN), dtype=jnp.float32) * s1
    b_l1 = jnp.zeros((D_HID,), dtype=jnp.float32)
    W_r1 = jax.random.normal(ks[3], (D_HID, D_IN), dtype=jnp.float32) * s1
    W_l2 = jax.random.normal(ks[4], (D_OUT, D_HID), dtype=jnp.float32) * s2
    b_l2 = jnp.zeros((D_OUT,), dtype=jnp.float32)
    W_r2 = jax.random.normal(ks[5], (D_OUT, D_HID), dtype=jnp.float32) * s2
    return {"x": x, "edge_index": edge_index, "W_l1": W_l1, "b_l1": b_l1,
            "W_r1": W_r1, "W_l2": W_l2, "b_l2": b_l2, "W_r2": W_r2}


def _sage_conv(h, edge_index, Wl, bl, Wr):
    # PyG SAGEConv with mean aggregation: out = lin_l(mean_agg(x_src -> dst)) + lin_r(x)
    src = edge_index[0]
    dst = edge_index[1]
    msg = h[src]  # gather: [E, d]
    agg = jax.ops.segment_sum(msg, dst, num_segments=N)
    cnt = jax.ops.segment_sum(jnp.ones((E,), dtype=h.dtype), dst, num_segments=N)
    mean = agg / jnp.clip(cnt, 1.0)[:, None]
    return mean @ Wl.T + bl + h @ Wr.T


def reference(x, edge_index, W_l1, b_l1, W_r1, W_l2, b_l2, W_r2):
    h = _sage_conv(x, edge_index, W_l1, b_l1, W_r1)
    h = jax.nn.relu(h)
    z = _sage_conv(h, edge_index, W_l2, b_l2, W_r2)
    # global_mean_pool(z, None): mean over all nodes -> [1, D_OUT]
    pooled = jnp.mean(z, axis=0, keepdims=True)
    # torch F.softmax with no dim defaults to last dim for 2D input
    return jax.nn.softmax(pooled, axis=-1)

if __name__ == "__main__":
    import jax
    _d = setup_inputs()
    print(jax.jit(kernel)(*tuple(_d.values())))

</pallas_src>

<mosaic_0001>
#map = affine_map<(d0, d1) -> (0, 0, 0)>
#map1 = affine_map<(d0, d1) -> (0, 0)>
#map2 = affine_map<(d0, d1) -> (0)>
module attributes {stable_mosaic.version = 14 : i64} {
  func.func @_sc_kernel(%arg0: i32, %arg1: i32, %arg2: memref<32x80x128xi32, #tpu.memory_space<hbm>>, %arg3: memref<32x80x128xi32, #tpu.memory_space<hbm>>, %arg4: memref<10240x128xf32, #tpu.memory_space<hbm>>, %arg5: memref<20480x128xf32, #tpu.memory_space<hbm>>, %arg6: memref<20480xf32, #tpu.memory_space<hbm>>, %arg7: memref<10240xf32, #tpu.memory_space<hbm>>, %arg8: memref<40x128xi32, #tpu.memory_space<vmem>>, %arg9: memref<40x128xi32, #tpu.memory_space<vmem>>, %arg10: memref<128x128xf32, #tpu.memory_space<vmem>>, %arg11: memref<128x128xf32, #tpu.memory_space<vmem>>, %arg12: memref<128xf32, #tpu.memory_space<vmem>>, %arg13: memref<640xf32, #tpu.memory_space<vmem>>, %arg14: memref<10240x128xf32, #tpu.memory_space<vmem_shared>>, %arg15: memref<10240xf32, #tpu.memory_space<vmem_shared>>, %arg16: memref<10240xf32, #tpu.memory_space<vmem_shared>>, %arg17: memref<!tpu.dma_semaphore, #tpu.memory_space<semaphore_mem>>, %arg18: memref<!tpu.dma_semaphore, #tpu.memory_space<semaphore_mem>>, %arg19: memref<!tpu.dma_semaphore, #tpu.memory_space<semaphore_mem>>, %arg20: memref<!tpu.dma_semaphore, #tpu.memory_space<semaphore_mem>>, %arg21: memref<!tpu.dma_semaphore, #tpu.memory_space<semaphore_mem>>) attributes {dimension_semantics = [#tpu.dimension_semantics<core_parallel>, #tpu.dimension_semantics<subcore_parallel>], iteration_bounds = array<i64: 2, 16>, scalar_prefetch = 0 : i64, scratch_operands = 14 : i64, tpu.core_type = #tpu.core_type<sc_vector_subcore>, window_params = [{transform_indices = #map}, {transform_indices = #map}, {transform_indices = #map1}, {transform_indices = #map1}, {transform_indices = #map2}, {transform_indices = #map2}]} {
    %mul3A = arith.constant 16 : i32
    %mul3A_0 = arith.muli %arg0, %mul3A : i32
    %add3A = arith.addi %mul3A_0, %arg1 : i32
    %mul3A_1 = arith.constant 640 : i32
    %mul3A_2 = arith.muli %arg1, %mul3A_1 : i32
    %scan3A = arith.constant 0 : i32
    %scan3A_3 = arith.constant 0 : i32
    %scan3A_4 = arith.constant 128 : i32
    %scan3A_5 = arith.addi %scan3A_3, %scan3A_4 : i32
    %scan3A_6 = arith.constant 1 : i32
    %scan3A_7 = scf.for %scan3A_169 = %scan3A_3 to %scan3A_5 step %scan3A_6 iter_args(%scan3A_170 = %scan3A) -> (i32)  : i32 {
      %broadcast_in_dim3A_171 = arith.constant 0.000000e+00 : f32
      %broadcast_in_dim3A_172 = vector.broadcast %broadcast_in_dim3A_171 : f32 to vector<16xf32>
      %swap3A_173 = arith.index_cast %scan3A_169 : i32 to index
      %swap3A_174 = arith.constant 0 : index
      %swap3A_175 = tpu.vector_load %arg10[%swap3A_173, %swap3A_174] {strides = array<i32>} : memref<128x128xf32, #tpu.memory_space<vmem>>, vector<1x16xf32>,
      %swap3A_176 = vector.shape_cast %swap3A_175 : vector<1x16xf32> to vector<16xf32>
      %swap3A_177 = vector.shape_cast %broadcast_in_dim3A_172 : vector<16xf32> to vector<1x16xf32>
      tpu.vector_store %arg10[%swap3A_173, %swap3A_174], %swap3A_177 {strides = array<i32>} : memref<128x128xf32, #tpu.memory_space<vmem>>, vector<1x16xf32>,
      %broadcast_in_dim3A_178 = arith.constant 0.000000e+00 : f32
      %broadcast_in_dim3A_179 = vector.broadcast %broadcast_in_dim3A_178 : f32 to vector<16xf32>
      %swap3A_180 = arith.index_cast %scan3A_169 : i32 to index
      %swap3A_181 = arith.constant 16 : index
      %swap3A_182 = tpu.vector_load %arg10[%swap3A_180, %swap3A_181] {strides = array<i32>} : memref<128x128xf32, #tpu.memory_space<vmem>>, vector<1x16xf32>,
      %swap3A_183 = vector.shape_cast %swap3A_182 : vector<1x16xf32> to vector<16xf32>
      %swap3A_184 = vector.shape_cast %broadcast_in_dim3A_179 : vector<16xf32> to vector<1x16xf32>
      tpu.vector_store %arg10[%swap3A_180, %swap3A_181], %swap3A_184 {strides = array<i32>} : memref<128x128xf32, #tpu.memory_space<vmem>>, vector<1x16xf32>,
      %broadcast_in_dim3A_185 = arith.constant 0.000000e+00 : f32
      %broadcast_in_dim3A_186 = vector.broadcast %broadcast_in_dim3A_185 : f32 to vector<16xf32>
      %swap3A_187 = arith.index_cast %scan3A_169 : i32 to index
      %swap3A_188 = arith.constant 32 : index
      %swap3A_189 = tpu.vector_load %arg10[%swap3A_187, %swap3A_188] {strides = array<i32>} : memref<128x128xf32, #tpu.memory_space<vmem>>, vector<1x16xf32>,
      %swap3A_190 = vector.shape_cast %swap3A_189 : vector<1x16xf32> to vector<16xf32>
      %swap3A_191 = vector.shape_cast %broadcast_in_dim3A_186 : vector<16xf32> to vector<1x16xf32>
      tpu.vector_store %arg10[%swap3A_187, %swap3A_188], %swap3A_191 {strides = array<i32>} : memref<128x128xf32, #tpu.memory_space<vmem>>, vector<1x16xf32>,
      %broadcast_in_dim3A_192 = arith.constant 0.000000e+00 : f32
      %broadcast_in_dim3A_193 = vector.broadcast %broadcast_in_dim3A_192 : f32 to vector<16xf32>
      %swap3A_194 = arith.index_cast %scan3A_169 : i32 to index
      %swap3A_195 = arith.constant 48 : index
      %swap3A_196 = tpu.vector_load %arg10[%swap3A_194, %swap3A_195] {strides = array<i32>} : memref<128x128xf32, #tpu.memory_space<vmem>>, vector<1x16xf32>,
      %swap3A_197 = vector.shape_cast %swap3A_196 : vector<1x16xf32> to vector<16xf32>
      %swap3A_198 = vector.shape_cast %broadcast_in_dim3A_193 : vector<16xf32> to vector<1x16xf32>
      tpu.vector_store %arg10[%swap3A_194, %swap3A_195], %swap3A_198 {strides = array<i32>} : memref<128x128xf32, #tpu.memory_space<vmem>>, vector<1x16xf32>,
      %broadcast_in_dim3A_199 = arith.constant 0.000000e+00 : f32
      %broadcast_in_dim3A_200 = vector.broadcast %broadcast_in_dim3A_199 : f32 to vector<16xf32>
      %swap3A_201 = arith.index_cast %scan3A_169 : i32 to index
      %swap3A_202 = arith.constant 64 : index
      %swap3A_203 = tpu.vector_load %arg10[%swap3A_201, %swap3A_202] {strides = array<i32>} : memref<128x128xf32, #tpu.memory_space<vmem>>, vector<1x16xf32>,
      %swap3A_204 = vector.shape_cast %swap3A_203 : vector<1x16xf32> to vector<16xf32>
      %swap3A_205 = vector.shape_cast %broadcast_in_dim3A_200 : vector<16xf32> to vector<1x16xf32>
      tpu.vector_store %arg10[%swap3A_201, %swap3A_202], %swap3A_205 {strides = array<i32>} : memref<128x128xf32, #tpu.memory_space<vmem>>, vector<1x16xf32>,
      %broadcast_in_dim3A_206 = arith.constant 0.000000e+00 : f32
      %broadcast_in_dim3A_207 = vector.broadcast %broadcast_in_dim3A_206 : f32 to vector<16xf32>
      %swap3A_208 = arith.index_cast %scan3A_169 : i32 to index
      %swap3A_209 = arith.constant 80 : index
      %swap3A_210 = tpu.vector_load %arg10[%swap3A_208, %swap3A_209] {strides = array<i32>} : memref<128x128xf32, #tpu.memory_space<vmem>>, vector<1x16xf32>,
      %swap3A_211 = vector.shape_cast %swap3A_210 : vector<1x16xf32> to vector<16xf32>
      %swap3A_212 = vector.shape_cast %broadcast_in_dim3A_207 : vector<16xf32> to vector<1x16xf32>
      tpu.vector_store %arg10[%swap3A_208, %swap3A_209], %swap3A_212 {strides = array<i32>} : memref<128x128xf32, #tpu.memory_space<vmem>>, vector<1x16xf32>,
      %broadcast_in_dim3A_213 = arith.constant 0.000000e+00 : f32
      %broadcast_in_dim3A_214 = vector.broadcast %broadcast_in_dim3A_213 : f32 to vector<16xf32>
      %swap3A_215 = arith.index_cast %scan3A_169 : i32 to index
      %swap3A_216 = arith.constant 96 : index
      %swap3A_217 = tpu.vector_load %arg10[%swap3A_215, %swap3A_216] {strides = array<i32>} : memref<128x128xf32, #tpu.memory_space<vmem>>, vector<1x16xf32>,
      %swap3A_218 = vector.shape_cast %swap3A_217 : vector<1x16xf32> to vector<16xf32>
      %swap3A_219 = vector.shape_cast %broadcast_in_dim3A_214 : vector<16xf32> to vector<1x16xf32>
      tpu.vector_store %arg10[%swap3A_215, %swap3A_216], %swap3A_219 {strides = array<i32>} : memref<128x128xf32, #tpu.memory_space<vmem>>, vector<1x16xf32>,
      %broadcast_in_dim3A_220 = arith.constant 0.000000e+00 : f32
      %broadcast_in_dim3A_221 = vector.broadcast %broadcast_in_dim3A_220 : f32 to vector<16xf32>
      %swap3A_222 = arith.index_cast %scan3A_169 : i32 to index
      %swap3A_223 = arith.constant 112 : index
      %swap3A_224 = tpu.vector_load %arg10[%swap3A_222, %swap3A_223] {strides = array<i32>} : memref<128x128xf32, #tpu.memory_space<vmem>>, vector<1x16xf32>,
      %swap3A_225 = vector.shape_cast %swap3A_224 : vector<1x16xf32> to vector<16xf32>
      %swap3A_226 = vector.shape_cast %broadcast_in_dim3A_221 : vector<16xf32> to vector<1x16xf32>
      tpu.vector_store %arg10[%swap3A_222, %swap3A_223], %swap3A_226 {strides = array<i32>} : memref<128x128xf32, #tpu.memory_space<vmem>>, vector<1x16xf32>,
      %scan3A_227 = arith.constant 0 : i32
      scf.yield %scan3A_227 : i32
    }
    %scan3A_8 = arith.constant 128 : i32
    %scan3A_9 = arith.constant 0 : i32
    %scan3A_10 = arith.constant 0 : i32
    %scan3A_11 = arith.constant 40 : i32
    %scan3A_12 = arith.addi %scan3A_10, %scan3A_11 : i32
    %scan3A_13 = arith.constant 1 : i32
    %scan3A_14 = scf.for %scan3A_169 = %scan3A_10 to %scan3A_12 step %scan3A_13 iter_args(%scan3A_170 = %scan3A_9) -> (i32)  : i32 {
      %broadcast_in_dim3A_171 = arith.constant 0.000000e+00 : f32
      %broadcast_in_dim3A_172 = vector.broadcast %broadcast_in_dim3A_171 : f32 to vector<16xf32>
      %mul3A_173 = arith.constant 16 : i32
      %mul3A_174 = arith.muli %scan3A_169, %mul3A_173 : i32
      %swap3A_175 = arith.index_cast %mul3A_174 : i32 to index
      %swap3A_176 = tpu.vector_load %arg13[%swap3A_175] {strides = array<i32>} : memref<640xf32, #tpu.memory_space<vmem>>, vector<16xf32>,
      %swap3A_177 = vector.shape_cast %swap3A_176 : vector<16xf32> to vector<16xf32>
      %swap3A_178 = vector.shape_cast %broadcast_in_dim3A_172 : vector<16xf32> to vector<16xf32>
      tpu.vector_store %arg13[%swap3A_175], %swap3A_178 {strides = array<i32>} : memref<640xf32, #tpu.memory_space<vmem>>, vector<16xf32>,
      %scan3A_179 = arith.constant 0 : i32
      scf.yield %scan3A_179 : i32
    }
    %scan3A_15 = arith.constant 40 : i32
    %add3A_16 = arith.constant 0 : i32
    %add3A_17 = arith.addi %mul3A_2, %add3A_16 : i32
    "tpu.region"() ({
      %run_scoped3A = tpu.sem_alloc : memref<!tpu.dma_semaphore, #tpu.memory_space<semaphore_mem>>
      %dma_start3A = arith.constant 0 : i32
      %dma_start3A_169 = tpu.memref_slice %arg14[%add3A_17, %dma_start3A] : memref<10240x128xf32, #tpu.memory_space<vmem_shared>> -> memref<128x128xf32, #tpu.memory_space<vmem_shared>>
      %dma_start3A_170 = arith.constant 0 : i32
      %dma_start3A_171 = tpu.memref_slice %arg14[%add3A_17, %dma_start3A_170] : memref<10240x128xf32, #tpu.memory_space<vmem_shared>> -> memref<128x128xf32, #tpu.memory_space<vmem_shared>>
      tpu.enqueue_dma source(%arg10 : memref<128x128xf32, #tpu.memory_space<vmem>>) target(%dma_start3A_171 : memref<128x128xf32, #tpu.memory_space<vmem_shared>>) target_semaphore(%run_scoped3A : memref<!tpu.dma_semaphore, #tpu.memory_space<semaphore_mem>>)
      %dma_wait3A = arith.constant 0 : i32
      %dma_wait3A_172 = tpu.memref_slice %arg14[%add3A_17, %dma_wait3A] : memref<10240x128xf32, #tpu.memory_space<vmem_shared>> -> memref<128x128xf32, #tpu.memory_space<vmem_shared>>
      %dma_wait3A_173 = arith.constant 0 : i32
      %dma_wait3A_174 = tpu.memref_slice %arg14[%add3A_17, %dma_wait3A_173] : memref<10240x128xf32, #tpu.memory_space<vmem_shared>> -> memref<128x128xf32, #tpu.memory_space<vmem_shared>>
      tpu.wait_dma2 semaphore(%run_scoped3A : memref<!tpu.dma_semaphore, #tpu.memory_space<semaphore_mem>>) src(%arg10 : memref<128x128xf32, #tpu.memory_space<vmem>>) dst(%dma_wait3A_174 : memref<128x128xf32, #tpu.memory_space<vmem_shared>>)
      tpu.yield
    }) : () -> ()
    %add3A_18 = arith.constant 128 : i32
    %add3A_19 = arith.addi %mul3A_2, %add3A_18 : i32
    "tpu.region"() ({
      %run_scoped3A = tpu.sem_alloc : memref<!tpu.dma_semaphore, #tpu.memory_space<semaphore_mem>>
      %dma_start3A = arith.constant 0 : i32
      %dma_start3A_169 = tpu.memref_slice %arg14[%add3A_19, %dma_start3A] : memref<10240x128xf32, #tpu.memory_space<vmem_shared>> -> memref<128x128xf32, #tpu.memory_space<vmem_shared>>
      %dma_start3A_170 = arith.constant 0 : i32
      %dma_start3A_171 = tpu.memref_slice %arg14[%add3A_19, %dma_start3A_170] : memref<10240x128xf32, #tpu.memory_space<vmem_shared>> -> memref<128x128xf32, #tpu.memory_space<vmem_shared>>
      tpu.enqueue_dma source(%arg10 : memref<128x128xf32, #tpu.memory_space<vmem>>) target(%dma_start3A_171 : memref<128x128xf32, #tpu.memory_space<vmem_shared>>) target_semaphore(%run_scoped3A : memref<!tpu.dma_semaphore, #tpu.memory_space<semaphore_mem>>)
      %dma_wait3A = arith.constant 0 : i32
      %dma_wait3A_172 = tpu.memref_slice %arg14[%add3A_19, %dma_wait3A] : memref<10240x128xf32, #tpu.memory_space<vmem_shared>> -> memref<128x128xf32, #tpu.memory_space<vmem_shared>>
      %dma_wait3A_173 = arith.constant 0 : i32
      %dma_wait3A_174 = tpu.memref_slice %arg14[%add3A_19, %dma_wait3A_173] : memref<10240x128xf32, #tpu.memory_space<vmem_shared>> -> memref<128x128xf32, #tpu.memory_space<vmem_shared>>
      tpu.wait_dma2 semaphore(%run_scoped3A : memref<!tpu.dma_semaphore, #tpu.memory_space<semaphore_mem>>) src(%arg10 : memref<128x128xf32, #tpu.memory_space<vmem>>) dst(%dma_wait3A_174 : memref<128x128xf32, #tpu.memory_space<vmem_shared>>)
      tpu.yield
    }) : () -> ()
    %add3A_20 = arith.constant 256 : i32
    %add3A_21 = arith.addi %mul3A_2, %add3A_20 : i32
    "tpu.region"() ({
      %run_scoped3A = tpu.sem_alloc : memref<!tpu.dma_semaphore, #tpu.memory_space<semaphore_mem>>
      %dma_start3A = arith.constant 0 : i32
      %dma_start3A_169 = tpu.memref_slice %arg14[%add3A_21, %dma_start3A] : memref<10240x128xf32, #tpu.memory_space<vmem_shared>> -> memref<128x128xf32, #tpu.memory_space<vmem_shared>>
      %dma_start3A_170 = arith.constant 0 : i32
      %dma_start3A_171 = tpu.memref_slice %arg14[%add3A_21, %dma_start3A_170] : memref<10240x128xf32, #tpu.memory_space<vmem_shared>> -> memref<128x128xf32, #tpu.memory_space<vmem_shared>>
      tpu.enqueue_dma source(%arg10 : memref<128x128xf32, #tpu.memory_space<vmem>>) target(%dma_start3A_171 : memref<128x128xf32, #tpu.memory_space<vmem_shared>>) target_semaphore(%run_scoped3A : memref<!tpu.dma_semaphore, #tpu.memory_space<semaphore_mem>>)
      %dma_wait3A = arith.constant 0 : i32
      %dma_wait3A_172 = tpu.memref_slice %arg14[%add3A_21, %dma_wait3A] : memref<10240x128xf32, #tpu.memory_space<vmem_shared>> -> memref<128x128xf32, #tpu.memory_space<vmem_shared>>
      %dma_wait3A_173 = arith.constant 0 : i32
      %dma_wait3A_174 = tpu.memref_slice %arg14[%add3A_21, %dma_wait3A_173] : memref<10240x128xf32, #tpu.memory_space<vmem_shared>> -> memref<128x128xf32, #tpu.memory_space<vmem_shared>>
      tpu.wait_dma2 semaphore(%run_scoped3A : memref<!tpu.dma_semaphore, #tpu.memory_space<semaphore_mem>>) src(%arg10 : memref<128x128xf32, #tpu.memory_space<vmem>>) dst(%dma_wait3A_174 : memref<128x128xf32, #tpu.memory_space<vmem_shared>>)
      tpu.yield
    }) : () -> ()
    %add3A_22 = arith.constant 384 : i32
    %add3A_23 = arith.addi %mul3A_2, %add3A_22 : i32
    "tpu.region"() ({
      %run_scoped3A = tpu.sem_alloc : memref<!tpu.dma_semaphore, #tpu.memory_space<semaphore_mem>>
      %dma_start3A = arith.constant 0 : i32
      %dma_start3A_169 = tpu.memref_slice %arg14[%add3A_23, %dma_start3A] : memref<10240x128xf32, #tpu.memory_space<vmem_shared>> -> memref<128x128xf32, #tpu.memory_space<vmem_shared>>
      %dma_start3A_170 = arith.constant 0 : i32
      %dma_start3A_171 = tpu.memref_slice %arg14[%add3A_23, %dma_start3A_170] : memref<10240x128xf32, #tpu.memory_space<vmem_shared>> -> memref<128x128xf32, #tpu.memory_space<vmem_shared>>
      tpu.enqueue_dma source(%arg10 : memref<128x128xf32, #tpu.memory_space<vmem>>) target(%dma_start3A_171 : memref<128x128xf32, #tpu.memory_space<vmem_shared>>) target_semaphore(%run_scoped3A : memref<!tpu.dma_semaphore, #tpu.memory_space<semaphore_mem>>)
      %dma_wait3A = arith.constant 0 : i32
      %dma_wait3A_172 = tpu.memref_slice %arg14[%add3A_23, %dma_wait3A] : memref<10240x128xf32, #tpu.memory_space<vmem_shared>> -> memref<128x128xf32, #tpu.memory_space<vmem_shared>>
      %dma_wait3A_173 = arith.constant 0 : i32
      %dma_wait3A_174 = tpu.memref_slice %arg14[%add3A_23, %dma_wait3A_173] : memref<10240x128xf32, #tpu.memory_space<vmem_shared>> -> memref<128x128xf32, #tpu.memory_space<vmem_shared>>
      tpu.wait_dma2 semaphore(%run_scoped3A : memref<!tpu.dma_semaphore, #tpu.memory_space<semaphore_mem>>) src(%arg10 : memref<128x128xf32, #tpu.memory_space<vmem>>) dst(%dma_wait3A_174 : memref<128x128xf32, #tpu.memory_space<vmem_shared>>)
      tpu.yield
    }) : () -> ()
    %add3A_24 = arith.constant 512 : i32
    %add3A_25 = arith.addi %mul3A_2, %add3A_24 : i32
    "tpu.region"() ({
      %run_scoped3A = tpu.sem_alloc : memref<!tpu.dma_semaphore, #tpu.memory_space<semaphore_mem>>
      %dma_start3A = arith.constant 0 : i32
      %dma_start3A_169 = tpu.memref_slice %arg14[%add3A_25, %dma_start3A] : memref<10240x128xf32, #tpu.memory_space<vmem_shared>> -> memref<128x128xf32, #tpu.memory_space<vmem_shared>>
      %dma_start3A_170 = arith.constant 0 : i32
      %dma_start3A_171 = tpu.memref_slice %arg14[%add3A_25, %dma_start3A_170] : memref<10240x128xf32, #tpu.memory_space<vmem_shared>> -> memref<128x128xf32, #tpu.memory_space<vmem_shared>>
      tpu.enqueue_dma source(%arg10 : memref<128x128xf32, #tpu.memory_space<vmem>>) target(%dma_start3A_171 : memref<128x128xf32, #tpu.memory_space<vmem_shared>>) target_semaphore(%run_scoped3A : memref<!tpu.dma_semaphore, #tpu.memory_space<semaphore_mem>>)
      %dma_wait3A = arith.constant 0 : i32
      %dma_wait3A_172 = tpu.memref_slice %arg14[%add3A_25, %dma_wait3A] : memref<10240x128xf32, #tpu.memory_space<vmem_shared>> -> memref<128x128xf32, #tpu.memory_space<vmem_shared>>
      %dma_wait3A_173 = arith.constant 0 : i32
      %dma_wait3A_174 = tpu.memref_slice %arg14[%add3A_25, %dma_wait3A_173] : memref<10240x128xf32, #tpu.memory_space<vmem_shared>> -> memref<128x128xf32, #tpu.memory_space<vmem_shared>>
      tpu.wait_dma2 semaphore(%run_scoped3A : memref<!tpu.dma_semaphore, #tpu.memory_space<semaphore_mem>>) src(%arg10 : memref<128x128xf32, #tpu.memory_space<vmem>>) dst(%dma_wait3A_174 : memref<128x128xf32, #tpu.memory_space<vmem_shared>>)
      tpu.yield
    }) : () -> ()
    "tpu.region"() ({
      %run_scoped3A = tpu.sem_alloc : memref<!tpu.dma_semaphore, #tpu.memory_space<semaphore_mem>>
      %dma_start3A = tpu.memref_slice %arg15[%mul3A_2] : memref<10240xf32, #tpu.memory_space<vmem_shared>> -> memref<640xf32, #tpu.memory_space<vmem_shared>>
      %dma_start3A_169 = tpu.memref_slice %arg15[%mul3A_2] : memref<10240xf32, #tpu.memory_space<vmem_shared>> -> memref<640xf32, #tpu.memory_space<vmem_shared>>
      tpu.enqueue_dma source(%arg13 : memref<640xf32, #tpu.memory_space<vmem>>) target(%dma_start3A_169 : memref<640xf32, #tpu.memory_space<vmem_shared>>) target_semaphore(%run_scoped3A : memref<!tpu.dma_semaphore, #tpu.memory_space<semaphore_mem>>)
      %dma_wait3A = tpu.memref_slice %arg15[%mul3A_2] : memref<10240xf32, #tpu.memory_space<vmem_shared>> -> memref<640xf32, #tpu.memory_space<vmem_shared>>
      %dma_wait3A_170 = tpu.memref_slice %arg15[%mul3A_2] : memref<10240xf32, #tpu.memory_space<vmem_shared>> -> memref<640xf32, #tpu.memory_space<vmem_shared>>
      tpu.wait_dma2 semaphore(%run_scoped3A : memref<!tpu.dma_semaphore, #tpu.memory_space<semaphore_mem>>) src(%arg13 : memref<640xf32, #tpu.memory_space<vmem>>) dst(%dma_wait3A_170 : memref<640xf32, #tpu.memory_space<vmem_shared>>)
      tpu.yield
    }) : () -> ()
    "tpu.region"() ({
      %run_scoped3A = tpu.sem_alloc : memref<!tpu.dma_semaphore, #tpu.memory_space<semaphore_mem>>
      %dma_start3A = tpu.memref_slice %arg16[%mul3A_2] : memref<10240xf32, #tpu.memory_space<vmem_shared>> -> memref<640xf32, #tpu.memory_space<vmem_shared>>
      %dma_start3A_169 = tpu.memref_slice %arg16[%mul3A_2] : memref<10240xf32, #tpu.memory_space<vmem_shared>> -> memref<640xf32, #tpu.memory_space<vmem_shared>>
      tpu.enqueue_dma source(%arg13 : memref<640xf32, #tpu.memory_space<vmem>>) target(%dma_start3A_169 : memref<640xf32, #tpu.memory_space<vmem_shared>>) target_semaphore(%run_scoped3A : memref<!tpu.dma_semaphore, #tpu.memory_space<semaphore_mem>>)
      %dma_wait3A = tpu.memref_slice %arg16[%mul3A_2] : memref<10240xf32, #tpu.memory_space<vmem_shared>> -> memref<640xf32, #tpu.memory_space<vmem_shared>>
      %dma_wait3A_170 = tpu.memref_slice %arg16[%mul3A_2] : memref<10240xf32, #tpu.memory_space<vmem_shared>> -> memref<640xf32, #tpu.memory_space<vmem_shared>>
      tpu.wait_dma2 semaphore(%run_scoped3A : memref<!tpu.dma_semaphore, #tpu.memory_space<semaphore_mem>>) src(%arg13 : memref<640xf32, #tpu.memory_space<vmem>>) dst(%dma_wait3A_170 : memref<640xf32, #tpu.memory_space<vmem_shared>>)
      tpu.yield
    }) : () -> ()
    %broadcast_in_dim3A = arith.constant 1.000000e+00 : f32
    %broadcast_in_dim3A_26 = vector.broadcast %broadcast_in_dim3A : f32 to vector<16xf32>
    %swap3A = arith.constant 0 : index
    %swap3A_27 = tpu.vector_load %arg12[%swap3A] {strides = array<i32>} : memref<128xf32, #tpu.memory_space<vmem>>, vector<16xf32>,
    %swap3A_28 = vector.shape_cast %swap3A_27 : vector<16xf32> to vector<16xf32>
    %swap3A_29 = vector.shape_cast %broadcast_in_dim3A_26 : vector<16xf32> to vector<16xf32>
    tpu.vector_store %arg12[%swap3A], %swap3A_29 {strides = array<i32>} : memref<128xf32, #tpu.memory_space<vmem>>, vector<16xf32>,
    %broadcast_in_dim3A_30 = arith.constant 1.000000e+00 : f32
    %broadcast_in_dim3A_31 = vector.broadcast %broadcast_in_dim3A_30 : f32 to vector<16xf32>
    %swap3A_32 = arith.constant 16 : index
    %swap3A_33 = tpu.vector_load %arg12[%swap3A_32] {strides = array<i32>} : memref<128xf32, #tpu.memory_space<vmem>>, vector<16xf32>,
    %swap3A_34 = vector.shape_cast %swap3A_33 : vector<16xf32> to vector<16xf32>
    %swap3A_35 = vector.shape_cast %broadcast_in_dim3A_31 : vector<16xf32> to vector<16xf32>
    tpu.vector_store %arg12[%swap3A_32], %swap3A_35 {strides = array<i32>} : memref<128xf32, #tpu.memory_space<vmem>>, vector<16xf32>,
    %broadcast_in_dim3A_36 = arith.constant 1.000000e+00 : f32
    %broadcast_in_dim3A_37 = vector.broadcast %broadcast_in_dim3A_36 : f32 to vector<16xf32>
    %swap3A_38 = arith.constant 32 : index
    %swap3A_39 = tpu.vector_load %arg12[%swap3A_38] {strides = array<i32>} : memref<128xf32, #tpu.memory_space<vmem>>, vector<16xf32>,
    %swap3A_40 = vector.shape_cast %swap3A_39 : vector<16xf32> to vector<16xf32>
    %swap3A_41 = vector.shape_cast %broadcast_in_dim3A_37 : vector<16xf32> to vector<16xf32>
    tpu.vector_store %arg12[%swap3A_38], %swap3A_41 {strides = array<i32>} : memref<128xf32, #tpu.memory_space<vmem>>, vector<16xf32>,
    %broadcast_in_dim3A_42 = arith.constant 1.000000e+00 : f32
    %broadcast_in_dim3A_43 = vector.broadcast %broadcast_in_dim3A_42 : f32 to vector<16xf32>
    %swap3A_44 = arith.constant 48 : index
    %swap3A_45 = tpu.vector_load %arg12[%swap3A_44] {strides = array<i32>} : memref<128xf32, #tpu.memory_space<vmem>>, vector<16xf32>,
    %swap3A_46 = vector.shape_cast %swap3A_45 : vector<16xf32> to vector<16xf32>
    %swap3A_47 = vector.shape_cast %broadcast_in_dim3A_43 : vector<16xf32> to vector<16xf32>
    tpu.vector_store %arg12[%swap3A_44], %swap3A_47 {strides = array<i32>} : memref<128xf32, #tpu.memory_space<vmem>>, vector<16xf32>,
    %broadcast_in_dim3A_48 = arith.constant 1.000000e+00 : f32
    %broadcast_in_dim3A_49 = vector.broadcast %broadcast_in_dim3A_48 : f32 to vector<16xf32>
    %swap3A_50 = arith.constant 64 : index
    %swap3A_51 = tpu.vector_load %arg12[%swap3A_50] {strides = array<i32>} : memref<128xf32, #tpu.memory_space<vmem>>, vector<16xf32>,
    %swap3A_52 = vector.shape_cast %swap3A_51 : vector<16xf32> to vector<16xf32>
    %swap3A_53 = vector.shape_cast %broadcast_in_dim3A_49 : vector<16xf32> to vector<16xf32>
    tpu.vector_store %arg12[%swap3A_50], %swap3A_53 {strides = array<i32>} : memref<128xf32, #tpu.memory_space<vmem>>, vector<16xf32>,
    %broadcast_in_dim3A_54 = arith.constant 1.000000e+00 : f32
    %broadcast_in_dim3A_55 = vector.broadcast %broadcast_in_dim3A_54 : f32 to vector<16xf32>
    %swap3A_56 = arith.constant 80 : index
    %swap3A_57 = tpu.vector_load %arg12[%swap3A_56] {strides = array<i32>} : memref<128xf32, #tpu.memory_space<vmem>>, vector<16xf32>,
    %swap3A_58 = vector.shape_cast %swap3A_57 : vector<16xf32> to vector<16xf32>
    %swap3A_59 = vector.shape_cast %broadcast_in_dim3A_55 : vector<16xf32> to vector<16xf32>
    tpu.vector_store %arg12[%swap3A_56], %swap3A_59 {strides = array<i32>} : memref<128xf32, #tpu.memory_space<vmem>>, vector<16xf32>,
    %broadcast_in_dim3A_60 = arith.constant 1.000000e+00 : f32
    %broadcast_in_dim3A_61 = vector.broadcast %broadcast_in_dim3A_60 : f32 to vector<16xf32>
    %swap3A_62 = arith.constant 96 : index
    %swap3A_63 = tpu.vector_load %arg12[%swap3A_62] {strides = array<i32>} : memref<128xf32, #tpu.memory_space<vmem>>, vector<16xf32>,
    %swap3A_64 = vector.shape_cast %swap3A_63 : vector<16xf32> to vector<16xf32>
    %swap3A_65 = vector.shape_cast %broadcast_in_dim3A_61 : vector<16xf32> to vector<16xf32>
    tpu.vector_store %arg12[%swap3A_62], %swap3A_65 {strides = array<i32>} : memref<128xf32, #tpu.memory_space<vmem>>, vector<16xf32>,
    %broadcast_in_dim3A_66 = arith.constant 1.000000e+00 : f32
    %broadcast_in_dim3A_67 = vector.broadcast %broadcast_in_dim3A_66 : f32 to vector<16xf32>
    %swap3A_68 = arith.constant 112 : index
    %swap3A_69 = tpu.vector_load %arg12[%swap3A_68] {strides = array<i32>} : memref<128xf32, #tpu.memory_space<vmem>>, vector<16xf32>,
    %swap3A_70 = vector.shape_cast %swap3A_69 : vector<16xf32> to vector<16xf32>
    %swap3A_71 = vector.shape_cast %broadcast_in_dim3A_67 : vector<16xf32> to vector<16xf32>
    tpu.vector_store %arg12[%swap3A_68], %swap3A_71 {strides = array<i32>} : memref<128xf32, #tpu.memory_space<vmem>>, vector<16xf32>,
    %barrier3A = arith.constant 0 : index
    tpu.barrier barrier_id(%barrier3A)
    %mul3A_72 = arith.constant 2 : i32
    %mul3A_73 = arith.muli %arg1, %mul3A_72 : i32
    %add3A_74 = arith.constant 0 : i32
    %add3A_75 = arith.addi %mul3A_73, %add3A_74 : i32
    "tpu.region"() ({
      %run_scoped3A = tpu.sem_alloc : memref<!tpu.dma_semaphore, #tpu.memory_space<semaphore_mem>>
      %dma_start3A = arith.constant 0 : i32
      %dma_start3A_169 = arith.constant 0 : i32
      %dma_start3A_170 = tpu.memref_slice %arg3[%add3A_75, %dma_start3A, %dma_start3A_169] : memref<32x80x128xi32, #tpu.memory_space<hbm>> -> memref<1x40x128xi32, #tpu.memory_space<hbm>>
      %dma_start3A_171 = tpu.memref_squeeze %dma_start3A_170 : memref<1x40x128xi32, #tpu.memory_space<hbm>> -> memref<40x128xi32, #tpu.memory_space<hbm>>
      %dma_start3A_172 = arith.constant 0 : i32
      %dma_start3A_173 = arith.constant 0 : i32
      %dma_start3A_174 = tpu.memref_slice %arg3[%add3A_75, %dma_start3A_172, %dma_start3A_173] : memref<32x80x128xi32, #tpu.memory_space<hbm>> -> memref<1x40x128xi32, #tpu.memory_space<hbm>>
      %dma_start3A_175 = tpu.memref_squeeze %dma_start3A_174 : memref<1x40x128xi32, #tpu.memory_space<hbm>> -> memref<40x128xi32, #tpu.memory_space<hbm>>
      tpu.enqueue_dma source(%dma_start3A_175 : memref<40x128xi32, #tpu.memory_space<hbm>>) target(%arg9 : memref<40x128xi32, #tpu.memory_space<vmem>>) target_semaphore(%run_scoped3A : memref<!tpu.dma_semaphore, #tpu.memory_space<semaphore_mem>>)
      %dma_wait3A = arith.constant 0 : i32
      %dma_wait3A_176 = arith.constant 0 : i32
      %dma_wait3A_177 = tpu.memref_slice %arg3[%add3A_75, %dma_wait3A, %dma_wait3A_176] : memref<32x80x128xi32, #tpu.memory_space<hbm>> -> memref<1x40x128xi32, #tpu.memory_space<hbm>>
      %dma_wait3A_178 = tpu.memref_squeeze %dma_wait3A_177 : memref<1x40x128xi32, #tpu.memory_space<hbm>> -> memref<40x128xi32, #tpu.memory_space<hbm>>
      %dma_wait3A_179 = arith.constant 0 : i32
      %dma_wait3A_180 = arith.constant 0 : i32
      %dma_wait3A_181 = tpu.memref_slice %arg3[%add3A_75, %dma_wait3A_179, %dma_wait3A_180] : memref<32x80x128xi32, #tpu.memory_space<hbm>> -> memref<1x40x128xi32, #tpu.memory_space<hbm>>
      %dma_wait3A_182 = tpu.memref_squeeze %dma_wait3A_181 : memref<1x40x128xi32, #tpu.memory_space<hbm>> -> memref<40x128xi32, #tpu.memory_space<hbm>>
      tpu.wait_dma2 semaphore(%run_scoped3A : memref<!tpu.dma_semaphore, #tpu.memory_space<semaphore_mem>>) src(%dma_wait3A_182 : memref<40x128xi32, #tpu.memory_space<hbm>>) dst(%arg9 : memref<40x128xi32, #tpu.memory_space<vmem>>)
      tpu.yield
    }) : () -> ()
    %scan3A_76 = arith.constant 0 : i32
    %scan3A_77 = arith.constant 0 : i32
    %scan3A_78 = arith.constant 40 : i32
    %scan3A_79 = arith.addi %scan3A_77, %scan3A_78 : i32
    %scan3A_80 = arith.constant 1 : i32
    %scan3A_81 = scf.for %scan3A_169 = %scan3A_77 to %scan3A_79 step %scan3A_80 iter_args(%scan3A_170 = %scan3A_76) -> (i32)  : i32 {
      %dma_start3A = arith.constant 0 : i32
      %dma_start3A_171 = tpu.memref_slice %arg9[%scan3A_169, %dma_start3A] : memref<40x128xi32, #tpu.memory_space<vmem>> -> memref<1x128xi32, #tpu.memory_space<vmem>>
      %dma_start3A_172 = tpu.memref_squeeze %dma_start3A_171 : memref<1x128xi32, #tpu.memory_space<vmem>> -> memref<128xi32, #tpu.memory_space<vmem>>
      %dma_start3A_173 = arith.constant 0 : i32
      %dma_start3A_174 = tpu.memref_slice %arg15[%dma_start3A_173] : memref<10240xf32, #tpu.memory_space<vmem_shared>> -> memref<10240xf32, #tpu.memory_space<vmem_shared>>
      tpu.enqueue_indirect_dma source(%arg12 : memref<128xf32, #tpu.memory_space<vmem>>) target(%dma_start3A_174 : memref<10240xf32, #tpu.memory_space<vmem_shared>>) offsets(%dma_start3A_172 : memref<128xi32, #tpu.memory_space<vmem>>) semaphore(%arg21 : memref<!tpu.dma_semaphore, #tpu.memory_space<semaphore_mem>>) {add = true}
      %scan3A_175 = arith.constant 0 : i32
      scf.yield %scan3A_175 : i32
    }
    %scan3A_82 = arith.constant 40 : i32
    %mul3A_83 = arith.constant 2 : i32
    %mul3A_84 = arith.muli %arg1, %mul3A_83 : i32
    %add3A_85 = arith.constant 0 : i32
    %add3A_86 = arith.addi %mul3A_84, %add3A_85 : i32
    "tpu.region"() ({
      %run_scoped3A = tpu.sem_alloc : memref<!tpu.dma_semaphore, #tpu.memory_space<semaphore_mem>>
      %dma_start3A = arith.constant 40 : i32
      %dma_start3A_169 = arith.constant 0 : i32
      %dma_start3A_170 = tpu.memref_slice %arg3[%add3A_86, %dma_start3A, %dma_start3A_169] : memref<32x80x128xi32, #tpu.memory_space<hbm>> -> memref<1x40x128xi32, #tpu.memory_space<hbm>>
      %dma_start3A_171 = tpu.memref_squeeze %dma_start3A_170 : memref<1x40x128xi32, #tpu.memory_space<hbm>> -> memref<40x128xi32, #tpu.memory_space<hbm>>
      %dma_start3A_172 = arith.constant 40 : i32
      %dma_start3A_173 = arith.constant 0 : i32
      %dma_start3A_174 = tpu.memref_slice %arg3[%add3A_86, %dma_start3A_172, %dma_start3A_173] : memref<32x80x128xi32, #tpu.memory_space<hbm>> -> memref<1x40x128xi32, #tpu.memory_space<hbm>>
      %dma_start3A_175 = tpu.memref_squeeze %dma_start3A_174 : memref<1x40x128xi32, #tpu.memory_space<hbm>> -> memref<40x128xi32, #tpu.memory_space<hbm>>
      tpu.enqueue_dma source(%dma_start3A_175 : memref<40x128xi32, #tpu.memory_space<hbm>>) target(%arg8 : memref<40x128xi32, #tpu.memory_space<vmem>>) target_semaphore(%run_scoped3A : memref<!tpu.dma_semaphore, #tpu.memory_space<semaphore_mem>>)
      %dma_wait3A = arith.constant 40 : i32
      %dma_wait3A_176 = arith.constant 0 : i32
      %dma_wait3A_177 = tpu.memref_slice %arg3[%add3A_86, %dma_wait3A, %dma_wait3A_176] : memref<32x80x128xi32, #tpu.memory_space<hbm>> -> memref<1x40x128xi32, #tpu.memory_space<hbm>>
      %dma_wait3A_178 = tpu.memref_squeeze %dma_wait3A_177 : memref<1x40x128xi32, #tpu.memory_space<hbm>> -> memref<40x128xi32, #tpu.memory_space<hbm>>
      %dma_wait3A_179 = arith.constant 40 : i32
      %dma_wait3A_180 = arith.constant 0 : i32
      %dma_wait3A_181 = tpu.memref_slice %arg3[%add3A_86, %dma_wait3A_179, %dma_wait3A_180] : memref<32x80x128xi32, #tpu.memory_space<hbm>> -> memref<1x40x128xi32, #tpu.memory_space<hbm>>
      %dma_wait3A_182 = tpu.memref_squeeze %dma_wait3A_181 : memref<1x40x128xi32, #tpu.memory_space<hbm>> -> memref<40x128xi32, #tpu.memory_space<hbm>>
      tpu.wait_dma2 semaphore(%run_scoped3A : memref<!tpu.dma_semaphore, #tpu.memory_space<semaphore_mem>>) src(%dma_wait3A_182 : memref<40x128xi32, #tpu.memory_space<hbm>>) dst(%arg8 : memref<40x128xi32, #tpu.memory_space<vmem>>)
      tpu.yield
    }) : () -> ()
    %scan3A_87 = arith.constant 0 : i32
    %scan3A_88 = arith.constant 0 : i32
    %scan3A_89 = arith.constant 40 : i32
    %scan3A_90 = arith.addi %scan3A_88, %scan3A_89 : i32
    %scan3A_91 = arith.constant 1 : i32
    %scan3A_92 = scf.for %scan3A_169 = %scan3A_88 to %scan3A_90 step %scan3A_91 iter_args(%scan3A_170 = %scan3A_87) -> (i32)  : i32 {
      %dma_start3A = arith.constant 0 : i32
      %dma_start3A_171 = tpu.memref_slice %arg8[%scan3A_169, %dma_start3A] : memref<40x128xi32, #tpu.memory_space<vmem>> -> memref<1x128xi32, #tpu.memory_space<vmem>>
      %dma_start3A_172 = tpu.memref_squeeze %dma_start3A_171 : memref<1x128xi32, #tpu.memory_space<vmem>> -> memref<128xi32, #tpu.memory_space<vmem>>
      %dma_start3A_173 = arith.constant 0 : i32
      %dma_start3A_174 = tpu.memref_slice %arg15[%dma_start3A_173] : memref<10240xf32, #tpu.memory_space<vmem_shared>> -> memref<10240xf32, #tpu.memory_space<vmem_shared>>
      tpu.enqueue_indirect_dma source(%arg12 : memref<128xf32, #tpu.memory_space<vmem>>) target(%dma_start3A_174 : memref<10240xf32, #tpu.memory_space<vmem_shared>>) offsets(%dma_start3A_172 : memref<128xi32, #tpu.memory_space<vmem>>) semaphore(%arg21 : memref<!tpu.dma_semaphore, #tpu.memory_space<semaphore_mem>>) {add = true}
      %scan3A_175 = arith.constant 0 : i32
      scf.yield %scan3A_175 : i32
    }
    %scan3A_93 = arith.constant 40 : i32
    %mul3A_94 = arith.constant 2 : i32
    %mul3A_95 = arith.muli %arg1, %mul3A_94 : i32
    %add3A_96 = arith.constant 1 : i32
    %add3A_97 = arith.addi %mul3A_95, %add3A_96 : i32
    %scan3A_98 = arith.constant 0 : i32
    %scan3A_99 = arith.constant 0 : i32
    %scan3A_100 = arith.constant 40 : i32
    %scan3A_101 = arith.addi %scan3A_99, %scan3A_100 : i32
    %scan3A_102 = arith.constant 1 : i32
    %scan3A_103 = scf.for %scan3A_169 = %scan3A_99 to %scan3A_101 step %scan3A_102 iter_args(%scan3A_170 = %scan3A_98) -> (i32)  : i32 {
      %dma_wait3A = arith.constant 0 : i32
      %dma_wait3A_171 = tpu.memref_slice %arg9[%scan3A_169, %dma_wait3A] : memref<40x128xi32, #tpu.memory_space<vmem>> -> memref<1x128xi32, #tpu.memory_space<vmem>>
      %dma_wait3A_172 = tpu.memref_squeeze %dma_wait3A_171 : memref<1x128xi32, #tpu.memory_space<vmem>> -> memref<128xi32, #tpu.memory_space<vmem>>
      %dma_wait3A_173 = arith.constant 0 : i32
      %dma_wait3A_174 = tpu.memref_slice %arg15[%dma_wait3A_173] : memref<10240xf32, #tpu.memory_space<vmem_shared>> -> memref<10240xf32, #tpu.memory_space<vmem_shared>>
      tpu.wait_indirect_dma semaphore(%arg21 : memref<!tpu.dma_semaphore, #tpu.memory_space<semaphore_mem>>) src(%arg12 : memref<128xf32, #tpu.memory_space<vmem>>) dst(%dma_wait3A_174 : memref<10240xf32, #tpu.memory_space<vmem_shared>>)
      %scan3A_175 = arith.constant 0 : i32
      scf.yield %scan3A_175 : i32
    }
    %scan3A_104 = arith.constant 40 : i32
    "tpu.region"() ({
      %run_scoped3A = tpu.sem_alloc : memref<!tpu.dma_semaphore, #tpu.memory_space<semaphore_mem>>
      %dma_start3A = arith.constant 0 : i32
      %dma_start3A_169 = arith.constant 0 : i32
      %dma_start3A_170 = tpu.memref_slice %arg3[%add3A_97, %dma_start3A, %dma_start3A_169] : memref<32x80x128xi32, #tpu.memory_space<hbm>> -> memref<1x40x128xi32, #tpu.memory_space<hbm>>
      %dma_start3A_171 = tpu.memref_squeeze %dma_start3A_170 : memref<1x40x128xi32, #tpu.memory_space<hbm>> -> memref<40x128xi32, #tpu.memory_space<hbm>>
      %dma_start3A_172 = arith.constant 0 : i32
      %dma_start3A_173 = arith.constant 0 : i32
      %dma_start3A_174 = tpu.memref_slice %arg3[%add3A_97, %dma_start3A_172, %dma_start3A_173] : memref<32x80x128xi32, #tpu.memory_space<hbm>> -> memref<1x40x128xi32, #tpu.memory_space<hbm>>
      %dma_start3A_175 = tpu.memref_squeeze %dma_start3A_174 : memref<1x40x128xi32, #tpu.memory_space<hbm>> -> memref<40x128xi32, #tpu.memory_space<hbm>>
      tpu.enqueue_dma source(%dma_start3A_175 : memref<40x128xi32, #tpu.memory_space<hbm>>) target(%arg9 : memref<40x128xi32, #tpu.memory_space<vmem>>) target_semaphore(%run_scoped3A : memref<!tpu.dma_semaphore, #tpu.memory_space<semaphore_mem>>)
      %dma_wait3A = arith.constant 0 : i32
      %dma_wait3A_176 = arith.constant 0 : i32
      %dma_wait3A_177 = tpu.memref_slice %arg3[%add3A_97, %dma_wait3A, %dma_wait3A_176] : memref<32x80x128xi32, #tpu.memory_space<hbm>> -> memref<1x40x128xi32, #tpu.memory_space<hbm>>
      %dma_wait3A_178 = tpu.memref_squeeze %dma_wait3A_177 : memref<1x40x128xi32, #tpu.memory_space<hbm>> -> memref<40x128xi32, #tpu.memory_space<hbm>>
      %dma_wait3A_179 = arith.constant 0 : i32
      %dma_wait3A_180 = arith.constant 0 : i32
      %dma_wait3A_181 = tpu.memref_slice %arg3[%add3A_97, %dma_wait3A_179, %dma_wait3A_180] : memref<32x80x128xi32, #tpu.memory_space<hbm>> -> memref<1x40x128xi32, #tpu.memory_space<hbm>>
      %dma_wait3A_182 = tpu.memref_squeeze %dma_wait3A_181 : memref<1x40x128xi32, #tpu.memory_space<hbm>> -> memref<40x128xi32, #tpu.memory_space<hbm>>
      tpu.wait_dma2 semaphore(%run_scoped3A : memref<!tpu.dma_semaphore, #tpu.memory_space<semaphore_mem>>) src(%dma_wait3A_182 : memref<40x128xi32, #tpu.memory_space<hbm>>) dst(%arg9 : memref<40x128xi32, #tpu.memory_space<vmem>>)
      tpu.yield
    }) : () -> ()
    %scan3A_105 = arith.constant 0 : i32
    %scan3A_106 = arith.constant 0 : i32
    %scan3A_107 = arith.constant 40 : i32
    %scan3A_108 = arith.addi %scan3A_106, %scan3A_107 : i32
    %scan3A_109 = arith.constant 1 : i32
    %scan3A_110 = scf.for %scan3A_169 = %scan3A_106 to %scan3A_108 step %scan3A_109 iter_args(%scan3A_170 = %scan3A_105) -> (i32)  : i32 {
      %dma_start3A = arith.constant 0 : i32
      %dma_start3A_171 = tpu.memref_slice %arg9[%scan3A_169, %dma_start3A] : memref<40x128xi32, #tpu.memory_space<vmem>> -> memref<1x128xi32, #tpu.memory_space<vmem>>
      %dma_start3A_172 = tpu.memref_squeeze %dma_start3A_171 : memref<1x128xi32, #tpu.memory_space<vmem>> -> memref<128xi32, #tpu.memory_space<vmem>>
      %dma_start3A_173 = arith.constant 0 : i32
      %dma_start3A_174 = tpu.memref_slice %arg15[%dma_start3A_173] : memref<10240xf32, #tpu.memory_space<vmem_shared>> -> memref<10240xf32, #tpu.memory_space<vmem_shared>>
      tpu.enqueue_indirect_dma source(%arg12 : memref<128xf32, #tpu.memory_space<vmem>>) target(%dma_start3A_174 : memref<10240xf32, #tpu.memory_space<vmem_shared>>) offsets(%dma_start3A_172 : memref<128xi32, #tpu.memory_space<vmem>>) semaphore(%arg21 : memref<!tpu.dma_semaphore, #tpu.memory_space<semaphore_mem>>) {add = true}
      %scan3A_175 = arith.constant 0 : i32
      scf.yield %scan3A_175 : i32
    }
    %scan3A_111 = arith.constant 40 : i32
    %mul3A_112 = arith.constant 2 : i32
    %mul3A_113 = arith.muli %arg1, %mul3A_112 : i32
    %add3A_114 = arith.constant 1 : i32
    %add3A_115 = arith.addi %mul3A_113, %add3A_114 : i32
    %scan3A_116 = arith.constant 0 : i32
    %scan3A_117 = arith.constant 0 : i32
    %scan3A_118 = arith.constant 40 : i32
    %scan3A_119 = arith.addi %scan3A_117, %scan3A_118 : i32
    %scan3A_120 = arith.constant 1 : i32
    %scan3A_121 = scf.for %scan3A_169 = %scan3A_117 to %scan3A_119 step %scan3A_120 iter_args(%scan3A_170 = %scan3A_116) -> (i32)  : i32 {
      %dma_wait3A = arith.constant 0 : i32
      %dma_wait3A_171 = tpu.memref_slice %arg9[%scan3A_169, %dma_wait3A] : memref<40x128xi32, #tpu.memory_space<vmem>> -> memref<1x128xi32, #tpu.memory_space<vmem>>
      %dma_wait3A_172 = tpu.memref_squeeze %dma_wait3A_171 : memref<1x128xi32, #tpu.memory_space<vmem>> -> memref<128xi32, #tpu.memory_space<vmem>>
      %dma_wait3A_173 = arith.constant 0 : i32
      %dma_wait3A_174 = tpu.memref_slice %arg15[%dma_wait3A_173] : memref<10240xf32, #tpu.memory_space<vmem_shared>> -> memref<10240xf32, #tpu.memory_space<vmem_shared>>
      tpu.wait_indirect_dma semaphore(%arg21 : memref<!tpu.dma_semaphore, #tpu.memory_space<semaphore_mem>>) src(%arg12 : memref<128xf32, #tpu.memory_space<vmem>>) dst(%dma_wait3A_174 : memref<10240xf32, #tpu.memory_space<vmem_shared>>)
      %scan3A_175 = arith.constant 0 : i32
      scf.yield %scan3A_175 : i32
    }
    %scan3A_122 = arith.constant 40 : i32
    "tpu.region"() ({
      %run_scoped3A = tpu.sem_alloc : memref<!tpu.dma_semaphore, #tpu.memory_space<semaphore_mem>>
      %dma_start3A = arith.constant 40 : i32
      %dma_start3A_169 = arith.constant 0 : i32
      %dma_start3A_170 = tpu.memref_slice %arg3[%add3A_115, %dma_start3A, %dma_start3A_169] : memref<32x80x128xi32, #tpu.memory_space<hbm>> -> memref<1x40x128xi32, #tpu.memory_space<hbm>>
      %dma_start3A_171 = tpu.memref_squeeze %dma_start3A_170 : memref<1x40x128xi32, #tpu.memory_space<hbm>> -> memref<40x128xi32, #tpu.memory_space<hbm>>
      %dma_start3A_172 = arith.constant 40 : i32
      %dma_start3A_173 = arith.constant 0 : i32
      %dma_start3A_174 = tpu.memref_slice %arg3[%add3A_115, %dma_start3A_172, %dma_start3A_173] : memref<32x80x128xi32, #tpu.memory_space<hbm>> -> memref<1x40x128xi32, #tpu.memory_space<hbm>>
      %dma_start3A_175 = tpu.memref_squeeze %dma_start3A_174 : memref<1x40x128xi32, #tpu.memory_space<hbm>> -> memref<40x128xi32, #tpu.memory_space<hbm>>
      tpu.enqueue_dma source(%dma_start3A_175 : memref<40x128xi32, #tpu.memory_space<hbm>>) target(%arg8 : memref<40x128xi32, #tpu.memory_space<vmem>>) target_semaphore(%run_scoped3A : memref<!tpu.dma_semaphore, #tpu.memory_space<semaphore_mem>>)
      %dma_wait3A = arith.constant 40 : i32
      %dma_wait3A_176 = arith.constant 0 : i32
      %dma_wait3A_177 = tpu.memref_slice %arg3[%add3A_115, %dma_wait3A, %dma_wait3A_176] : memref<32x80x128xi32, #tpu.memory_space<hbm>> -> memref<1x40x128xi32, #tpu.memory_space<hbm>>
      %dma_wait3A_178 = tpu.memref_squeeze %dma_wait3A_177 : memref<1x40x128xi32, #tpu.memory_space<hbm>> -> memref<40x128xi32, #tpu.memory_space<hbm>>
      %dma_wait3A_179 = arith.constant 40 : i32
      %dma_wait3A_180 = arith.constant 0 : i32
      %dma_wait3A_181 = tpu.memref_slice %arg3[%add3A_115, %dma_wait3A_179, %dma_wait3A_180] : memref<32x80x128xi32, #tpu.memory_space<hbm>> -> memref<1x40x128xi32, #tpu.memory_space<hbm>>
      %dma_wait3A_182 = tpu.memref_squeeze %dma_wait3A_181 : memref<1x40x128xi32, #tpu.memory_space<hbm>> -> memref<40x128xi32, #tpu.memory_space<hbm>>
      tpu.wait_dma2 semaphore(%run_scoped3A : memref<!tpu.dma_semaphore, #tpu.memory_space<semaphore_mem>>) src(%dma_wait3A_182 : memref<40x128xi32, #tpu.memory_space<hbm>>) dst(%arg8 : memref<40x128xi32, #tpu.memory_space<vmem>>)
      tpu.yield
    }) : () -> ()
    %scan3A_123 = arith.constant 0 : i32
    %scan3A_124 = arith.constant 0 : i32
    %scan3A_125 = arith.constant 40 : i32
    %scan3A_126 = arith.addi %scan3A_124, %scan3A_125 : i32
    %scan3A_127 = arith.constant 1 : i32
    %scan3A_128 = scf.for %scan3A_169 = %scan3A_124 to %scan3A_126 step %scan3A_127 iter_args(%scan3A_170 = %scan3A_123) -> (i32)  : i32 {
      %dma_start3A = arith.constant 0 : i32
      %dma_start3A_171 = tpu.memref_slice %arg8[%scan3A_169, %dma_start3A] : memref<40x128xi32, #tpu.memory_space<vmem>> -> memref<1x128xi32, #tpu.memory_space<vmem>>
      %dma_start3A_172 = tpu.memref_squeeze %dma_start3A_171 : memref<1x128xi32, #tpu.memory_space<vmem>> -> memref<128xi32, #tpu.memory_space<vmem>>
      %dma_start3A_173 = arith.constant 0 : i32
      %dma_start3A_174 = tpu.memref_slice %arg15[%dma_start3A_173] : memref<10240xf32, #tpu.memory_space<vmem_shared>> -> memref<10240xf32, #tpu.memory_space<vmem_shared>>
      tpu.enqueue_indirect_dma source(%arg12 : memref<128xf32, #tpu.memory_space<vmem>>) target(%dma_start3A_174 : memref<10240xf32, #tpu.memory_space<vmem_shared>>) offsets(%dma_start3A_172 : memref<128xi32, #tpu.memory_space<vmem>>) semaphore(%arg21 : memref<!tpu.dma_semaphore, #tpu.memory_space<semaphore_mem>>) {add = true}
      %scan3A_175 = arith.constant 0 : i32
      scf.yield %scan3A_175 : i32
    }
    %scan3A_129 = arith.constant 40 : i32
    %scan3A_130 = arith.constant 0 : i32
    %scan3A_131 = arith.constant 0 : i32
    %scan3A_132 = arith.constant 80 : i32
    %scan3A_133 = arith.addi %scan3A_131, %scan3A_132 : i32
    %scan3A_134 = arith.constant 1 : i32
    %scan3A_135 = scf.for %scan3A_169 = %scan3A_131 to %scan3A_133 step %scan3A_134 iter_args(%scan3A_170 = %scan3A_130) -> (i32)  : i32 {
      %dma_wait3A = arith.constant 0 : i32
      %dma_wait3A_171 = tpu.memref_slice %arg9[%scan3A_169, %dma_wait3A] : memref<40x128xi32, #tpu.memory_space<vmem>> -> memref<1x128xi32, #tpu.memory_space<vmem>>
      %dma_wait3A_172 = tpu.memref_squeeze %dma_wait3A_171 : memref<1x128xi32, #tpu.memory_space<vmem>> -> memref<128xi32, #tpu.memory_space<vmem>>
      %dma_wait3A_173 = arith.constant 0 : i32
      %dma_wait3A_174 = tpu.memref_slice %arg15[%dma_wait3A_173] : memref<10240xf32, #tpu.memory_space<vmem_shared>> -> memref<10240xf32, #tpu.memory_space<vmem_shared>>
      tpu.wait_indirect_dma semaphore(%arg21 : memref<!tpu.dma_semaphore, #tpu.memory_space<semaphore_mem>>) src(%arg12 : memref<128xf32, #tpu.memory_space<vmem>>) dst(%dma_wait3A_174 : memref<10240xf32, #tpu.memory_space<vmem_shared>>)
      %scan3A_175 = arith.constant 0 : i32
      scf.yield %scan3A_175 : i32
    }
    %scan3A_136 = arith.constant 80 : i32
    %scan3A_137 = arith.constant 0 : i32
    %scan3A_138 = arith.constant 0 : i32
    %scan3A_139 = arith.constant 2 : i32
    %scan3A_140 = arith.addi %scan3A_138, %scan3A_139 : i32
    %scan3A_141 = arith.constant 1 : i32
    %scan3A_142 = scf.for %scan3A_169 = %scan3A_138 to %scan3A_140 step %scan3A_141 iter_args(%scan3A_170 = %scan3A_137) -> (i32)  : i32 {
      %mul3A_171 = arith.constant 40 : i32
      %mul3A_172 = arith.muli %scan3A_169, %mul3A_171 : i32
      %multiple_of3A = tpu.assume_multiple %mul3A_172, 40 : i32
      "tpu.region"() ({
        %run_scoped3A = tpu.sem_alloc : memref<!tpu.dma_semaphore, #tpu.memory_space<semaphore_mem>>
        %dma_start3A_194 = arith.constant 0 : i32
        %dma_start3A_195 = tpu.memref_slice %arg2[%add3A, %multiple_of3A, %dma_start3A_194] : memref<32x80x128xi32, #tpu.memory_space<hbm>> -> memref<1x40x128xi32, #tpu.memory_space<hbm>>
        %dma_start3A_196 = tpu.memref_squeeze %dma_start3A_195 : memref<1x40x128xi32, #tpu.memory_space<hbm>> -> memref<40x128xi32, #tpu.memory_space<hbm>>
        %dma_start3A_197 = arith.constant 0 : i32
        %dma_start3A_198 = tpu.memref_slice %arg2[%add3A, %multiple_of3A, %dma_start3A_197] : memref<32x80x128xi32, #tpu.memory_space<hbm>> -> memref<1x40x128xi32, #tpu.memory_space<hbm>>
        %dma_start3A_199 = tpu.memref_squeeze %dma_start3A_198 : memref<1x40x128xi32, #tpu.memory_space<hbm>> -> memref<40x128xi32, #tpu.memory_space<hbm>>
        tpu.enqueue_dma source(%dma_start3A_199 : memref<40x128xi32, #tpu.memory_space<hbm>>) target(%arg8 : memref<40x128xi32, #tpu.memory_space<vmem>>) target_semaphore(%run_scoped3A : memref<!tpu.dma_semaphore, #tpu.memory_space<semaphore_mem>>)
        %dma_wait3A = arith.constant 0 : i32
        %dma_wait3A_200 = tpu.memref_slice %arg2[%add3A, %multiple_of3A, %dma_wait3A] : memref<32x80x128xi32, #tpu.memory_space<hbm>> -> memref<1x40x128xi32, #tpu.memory_space<hbm>>
        %dma_wait3A_201 = tpu.memref_squeeze %dma_wait3A_200 : memref<1x40x128xi32, #tpu.memory_space<hbm>> -> memref<40x128xi32, #tpu.memory_space<hbm>>
        %dma_wait3A_202 = arith.constant 0 : i32
        %dma_wait3A_203 = tpu.memref_slice %arg2[%add3A, %multiple_of3A, %dma_wait3A_202] : memref<32x80x128xi32, #tpu.memory_space<hbm>> -> memref<1x40x128xi32, #tpu.memory_space<hbm>>
        %dma_wait3A_204 = tpu.memref_squeeze %dma_wait3A_203 : memref<1x40x128xi32, #tpu.memory_space<hbm>> -> memref<40x128xi32, #tpu.memory_space<hbm>>
        tpu.wait_dma2 semaphore(%run_scoped3A : memref<!tpu.dma_semaphore, #tpu.memory_space<semaphore_mem>>) src(%dma_wait3A_204 : memref<40x128xi32, #tpu.memory_space<hbm>>) dst(%arg8 : memref<40x128xi32, #tpu.memory_space<vmem>>)
        tpu.yield
      }) : () -> ()
      "tpu.region"() ({
        %run_scoped3A = tpu.sem_alloc : memref<!tpu.dma_semaphore, #tpu.memory_space<semaphore_mem>>
        %dma_start3A_194 = arith.constant 0 : i32
        %dma_start3A_195 = tpu.memref_slice %arg3[%add3A, %multiple_of3A, %dma_start3A_194] : memref<32x80x128xi32, #tpu.memory_space<hbm>> -> memref<1x40x128xi32, #tpu.memory_space<hbm>>
        %dma_start3A_196 = tpu.memref_squeeze %dma_start3A_195 : memref<1x40x128xi32, #tpu.memory_space<hbm>> -> memref<40x128xi32, #tpu.memory_space<hbm>>
        %dma_start3A_197 = arith.constant 0 : i32
        %dma_start3A_198 = tpu.memref_slice %arg3[%add3A, %multiple_of3A, %dma_start3A_197] : memref<32x80x128xi32, #tpu.memory_space<hbm>> -> memref<1x40x128xi32, #tpu.memory_space<hbm>>
        %dma_start3A_199 = tpu.memref_squeeze %dma_start3A_198 : memref<1x40x128xi32, #tpu.memory_space<hbm>> -> memref<40x128xi32, #tpu.memory_space<hbm>>
        tpu.enqueue_dma source(%dma_start3A_199 : memref<40x128xi32, #tpu.memory_space<hbm>>) target(%arg9 : memref<40x128xi32, #tpu.memory_space<vmem>>) target_semaphore(%run_scoped3A : memref<!tpu.dma_semaphore, #tpu.memory_space<semaphore_mem>>)
        %dma_wait3A = arith.constant 0 : i32
        %dma_wait3A_200 = tpu.memref_slice %arg3[%add3A, %multiple_of3A, %dma_wait3A] : memref<32x80x128xi32, #tpu.memory_space<hbm>> -> memref<1x40x128xi32, #tpu.memory_space<hbm>>
        %dma_wait3A_201 = tpu.memref_squeeze %dma_wait3A_200 : memref<1x40x128xi32, #tpu.memory_space<hbm>> -> memref<40x128xi32, #tpu.memory_space<hbm>>
        %dma_wait3A_202 = arith.constant 0 : i32
        %dma_wait3A_203 = tpu.memref_slice %arg3[%add3A, %multiple_of3A, %dma_wait3A_202] : memref<32x80x128xi32, #tpu.memory_space<hbm>> -> memref<1x40x128xi32, #tpu.memory_space<hbm>>
        %dma_wait3A_204 = tpu.memref_squeeze %dma_wait3A_203 : memref<1x40x128xi32, #tpu.memory_space<hbm>> -> memref<40x128xi32, #tpu.memory_space<hbm>>
        tpu.wait_dma2 semaphore(%run_scoped3A : memref<!tpu.dma_semaphore, #tpu.memory_space<semaphore_mem>>) src(%dma_wait3A_204 : memref<40x128xi32, #tpu.memory_space<hbm>>) dst(%arg9 : memref<40x128xi32, #tpu.memory_space<vmem>>)
        tpu.yield
      }) : () -> ()
      %dma_start3A = arith.constant 0 : i32
      %dma_start3A_173 = arith.constant 0 : i32
      %dma_start3A_174 = tpu.memref_slice %arg8[%dma_start3A, %dma_start3A_173] : memref<40x128xi32, #tpu.memory_space<vmem>> -> memref<1x128xi32, #tpu.memory_space<vmem>>
      %dma_start3A_175 = tpu.memref_squeeze %dma_start3A_174 : memref<1x128xi32, #tpu.memory_space<vmem>> -> memref<128xi32, #tpu.memory_space<vmem>>
      %dma_start3A_176 = arith.constant 0 : i32
      %dma_start3A_177 = arith.constant 0 : i32
      %dma_start3A_178 = tpu.memref_slice %arg4[%dma_start3A_176, %dma_start3A_177] : memref<10240x128xf32, #tpu.memory_space<hbm>> -> memref<10240x128xf32, #tpu.memory_space<hbm>>
      tpu.enqueue_indirect_dma source(%dma_start3A_178 : memref<10240x128xf32, #tpu.memory_space<hbm>>) target(%arg10 : memref<128x128xf32, #tpu.memory_space<vmem>>) offsets(%dma_start3A_175 : memref<128xi32, #tpu.memory_space<vmem>>) semaphore(%arg17 : memref<!tpu.dma_semaphore, #tpu.memory_space<semaphore_mem>>)
      %dma_start3A_179 = arith.constant 1 : i32
      %dma_start3A_180 = arith.constant 0 : i32
      %dma_start3A_181 = tpu.memref_slice %arg8[%dma_start3A_179, %dma_start3A_180] : memref<40x128xi32, #tpu.memory_space<vmem>> -> memref<1x128xi32, #tpu.memory_space<vmem>>
      %dma_start3A_182 = tpu.memref_squeeze %dma_start3A_181 : memref<1x128xi32, #tpu.memory_space<vmem>> -> memref<128xi32, #tpu.memory_space<vmem>>
      %dma_start3A_183 = arith.constant 0 : i32
      %dma_start3A_184 = arith.constant 0 : i32
      %dma_start3A_185 = tpu.memref_slice %arg4[%dma_start3A_183, %dma_start3A_184] : memref<10240x128xf32, #tpu.memory_space<hbm>> -> memref<10240x128xf32, #tpu.memory_space<hbm>>
      tpu.enqueue_indirect_dma source(%dma_start3A_185 : memref<10240x128xf32, #tpu.memory_space<hbm>>) target(%arg11 : memref<128x128xf32, #tpu.memory_space<vmem>>) offsets(%dma_start3A_182 : memref<128xi32, #tpu.memory_space<vmem>>) semaphore(%arg18 : memref<!tpu.dma_semaphore, #tpu.memory_space<semaphore_mem>>)
      %scan3A_186 = arith.constant 0 : i32
      %scan3A_187 = arith.constant 0 : i32
      %scan3A_188 = arith.constant 20 : i32
      %scan3A_189 = arith.addi %scan3A_187, %scan3A_188 : i32
      %scan3A_190 = arith.constant 1 : i32
      %scan3A_191 = scf.for %scan3A_194 = %scan3A_187 to %scan3A_189 step %scan3A_190 iter_args(%scan3A_195 = %scan3A_186) -> (i32)  : i32 {
        %mul3A_196 = arith.constant 2 : i32
        %mul3A_197 = arith.muli %mul3A_196, %scan3A_194 : i32
        %mul3A_198 = arith.constant 2 : i32
        %mul3A_199 = arith.muli %mul3A_198, %scan3A_194 : i32
        %add3A_200 = arith.constant 1 : i32
        %add3A_201 = arith.addi %mul3A_199, %add3A_200 : i32
        %dma_wait3A = arith.constant 0 : i32
        %dma_wait3A_202 = tpu.memref_slice %arg8[%mul3A_197, %dma_wait3A] : memref<40x128xi32, #tpu.memory_space<vmem>> -> memref<1x128xi32, #tpu.memory_space<vmem>>
        %dma_wait3A_203 = tpu.memref_squeeze %dma_wait3A_202 : memref<1x128xi32, #tpu.memory_space<vmem>> -> memref<128xi32, #tpu.memory_space<vmem>>
        %dma_wait3A_204 = arith.constant 0 : i32
        %dma_wait3A_205 = arith.constant 0 : i32
        %dma_wait3A_206 = tpu.memref_slice %arg4[%dma_wait3A_204, %dma_wait3A_205] : memref<10240x128xf32, #tpu.memory_space<hbm>> -> memref<10240x128xf32, #tpu.memory_space<hbm>>
        tpu.wait_indirect_dma semaphore(%arg17 : memref<!tpu.dma_semaphore, #tpu.memory_space<semaphore_mem>>) src(%dma_wait3A_206 : memref<10240x128xf32, #tpu.memory_space<hbm>>) dst(%arg10 : memref<128x128xf32, #tpu.memory_space<vmem>>)
        %dma_start3A_207 = arith.constant 0 : i32
        %dma_start3A_208 = tpu.memref_slice %arg9[%mul3A_197, %dma_start3A_207] : memref<40x128xi32, #tpu.memory_space<vmem>> -> memref<1x128xi32, #tpu.memory_space<vmem>>
        %dma_start3A_209 = tpu.memref_squeeze %dma_start3A_208 : memref<1x128xi32, #tpu.memory_space<vmem>> -> memref<128xi32, #tpu.memory_space<vmem>>
        %dma_start3A_210 = arith.constant 0 : i32
        %dma_start3A_211 = arith.constant 0 : i32
        %dma_start3A_212 = tpu.memref_slice %arg14[%dma_start3A_210, %dma_start3A_211] : memref<10240x128xf32, #tpu.memory_space<vmem_shared>> -> memref<10240x128xf32, #tpu.memory_space<vmem_shared>>
        tpu.enqueue_indirect_dma source(%arg10 : memref<128x128xf32, #tpu.memory_space<vmem>>) target(%dma_start3A_212 : memref<10240x128xf32, #tpu.memory_space<vmem_shared>>) offsets(%dma_start3A_209 : memref<128xi32, #tpu.memory_space<vmem>>) semaphore(%arg19 : memref<!tpu.dma_semaphore, #tpu.memory_space<semaphore_mem>>) {add = true}
        %dma_wait3A_213 = arith.constant 0 : i32
        %dma_wait3A_214 = tpu.memref_slice %arg8[%add3A_201, %dma_wait3A_213] : memref<40x128xi32, #tpu.memory_space<vmem>> -> memref<1x128xi32, #tpu.memory_space<vmem>>
        %dma_wait3A_215 = tpu.memref_squeeze %dma_wait3A_214 : memref<1x128xi32, #tpu.memory_space<vmem>> -> memref<128xi32, #tpu.memory_space<vmem>>
        %dma_wait3A_216 = arith.constant 0 : i32
        %dma_wait3A_217 = arith.constant 0 : i32
        %dma_wait3A_218 = tpu.memref_slice %arg4[%dma_wait3A_216, %dma_wait3A_217] : memref<10240x128xf32, #tpu.memory_space<hbm>> -> memref<10240x128xf32, #tpu.memory_space<hbm>>
        tpu.wait_indirect_dma semaphore(%arg18 : memref<!tpu.dma_semaphore, #tpu.memory_space<semaphore_mem>>) src(%dma_wait3A_218 : memref<10240x128xf32, #tpu.memory_space<hbm>>) dst(%arg11 : memref<128x128xf32, #tpu.memory_space<vmem>>)
        %dma_start3A_219 = arith.constant 0 : i32
        %dma_start3A_220 = tpu.memref_slice %arg9[%add3A_201, %dma_start3A_219] : memref<40x128xi32, #tpu.memory_space<vmem>> -> memref<1x128xi32, #tpu.memory_space<vmem>>
        %dma_start3A_221 = tpu.memref_squeeze %dma_start3A_220 : memref<1x128xi32, #tpu.memory_space<vmem>> -> memref<128xi32, #tpu.memory_space<vmem>>
        %dma_start3A_222 = arith.constant 0 : i32
        %dma_start3A_223 = arith.constant 0 : i32
        %dma_start3A_224 = tpu.memref_slice %arg14[%dma_start3A_222, %dma_start3A_223] : memref<10240x128xf32, #tpu.memory_space<vmem_shared>> -> memref<10240x128xf32, #tpu.memory_space<vmem_shared>>
        tpu.enqueue_indirect_dma source(%arg11 : memref<128x128xf32, #tpu.memory_space<vmem>>) target(%dma_start3A_224 : memref<10240x128xf32, #tpu.memory_space<vmem_shared>>) offsets(%dma_start3A_221 : memref<128xi32, #tpu.memory_space<vmem>>) semaphore(%arg20 : memref<!tpu.dma_semaphore, #tpu.memory_space<semaphore_mem>>) {add = true}
        %dma_wait3A_225 = arith.constant 0 : i32
        %dma_wait3A_226 = tpu.memref_slice %arg9[%mul3A_197, %dma_wait3A_225] : memref<40x128xi32, #tpu.memory_space<vmem>> -> memref<1x128xi32, #tpu.memory_space<vmem>>
        %dma_wait3A_227 = tpu.memref_squeeze %dma_wait3A_226 : memref<1x128xi32, #tpu.memory_space<vmem>> -> memref<128xi32, #tpu.memory_space<vmem>>
        %dma_wait3A_228 = arith.constant 0 : i32
        %dma_wait3A_229 = arith.constant 0 : i32
        %dma_wait3A_230 = tpu.memref_slice %arg14[%dma_wait3A_228, %dma_wait3A_229] : memref<10240x128xf32, #tpu.memory_space<vmem_shared>> -> memref<10240x128xf32, #tpu.memory_space<vmem_shared>>
        tpu.wait_indirect_dma semaphore(%arg19 : memref<!tpu.dma_semaphore, #tpu.memory_space<semaphore_mem>>) src(%arg10 : memref<128x128xf32, #tpu.memory_space<vmem>>) dst(%dma_wait3A_230 : memref<10240x128xf32, #tpu.memory_space<vmem_shared>>)
        %add3A_231 = arith.constant 2 : i32
        %add3A_232 = arith.addi %mul3A_197, %add3A_231 : i32
        %lt3A = arith.constant 40 : i32
        %lt3A_233 = arith.cmpi slt, %add3A_232, %lt3A : i32
        %convert_element_type3A_234 = arith.extui %lt3A_233 : i1 to i32
        %cond3A_235 = arith.constant 0 : i32
        %cond3A_236 = arith.cmpi ne, %convert_element_type3A_234, %cond3A_235 : i32
        scf.if %cond3A_236 {
          %add3A_251 = arith.constant 2 : i32
          %add3A_252 = arith.addi %mul3A_197, %add3A_251 : i32
          %dma_start3A_253 = arith.constant 0 : i32
          %dma_start3A_254 = tpu.memref_slice %arg8[%add3A_252, %dma_start3A_253] : memref<40x128xi32, #tpu.memory_space<vmem>> -> memref<1x128xi32, #tpu.memory_space<vmem>>
          %dma_start3A_255 = tpu.memref_squeeze %dma_start3A_254 : memref<1x128xi32, #tpu.memory_space<vmem>> -> memref<128xi32, #tpu.memory_space<vmem>>
          %dma_start3A_256 = arith.constant 0 : i32
          %dma_start3A_257 = arith.constant 0 : i32
          %dma_start3A_258 = tpu.memref_slice %arg4[%dma_start3A_256, %dma_start3A_257] : memref<10240x128xf32, #tpu.memory_space<hbm>> -> memref<10240x128xf32, #tpu.memory_space<hbm>>
          tpu.enqueue_indirect_dma source(%dma_start3A_258 : memref<10240x128xf32, #tpu.memory_space<hbm>>) target(%arg10 : memref<128x128xf32, #tpu.memory_space<vmem>>) offsets(%dma_start3A_255 : memref<128xi32, #tpu.memory_space<vmem>>) semaphore(%arg17 : memref<!tpu.dma_semaphore, #tpu.memory_space<semaphore_mem>>)
        } else {
        }
        %dma_wait3A_237 = arith.constant 0 : i32
        %dma_wait3A_238 = tpu.memref_slice %arg9[%add3A_201, %dma_wait3A_237] : memref<40x128xi32, #tpu.memory_space<vmem>> -> memref<1x128xi32, #tpu.memory_space<vmem>>
        %dma_wait3A_239 = tpu.memref_squeeze %dma_wait3A_238 : memref<1x128xi32, #tpu.memory_space<vmem>> -> memref<128xi32, #tpu.memory_space<vmem>>
        %dma_wait3A_240 = arith.constant 0 : i32
        %dma_wait3A_241 = arith.constant 0 : i32
        %dma_wait3A_242 = tpu.memref_slice %arg14[%dma_wait3A_240, %dma_wait3A_241] : memref<10240x128xf32, #tpu.memory_space<vmem_shared>> -> memref<10240x128xf32, #tpu.memory_space<vmem_shared>>
        tpu.wait_indirect_dma semaphore(%arg20 : memref<!tpu.dma_semaphore, #tpu.memory_space<semaphore_mem>>) src(%arg11 : memref<128x128xf32, #tpu.memory_space<vmem>>) dst(%dma_wait3A_242 : memref<10240x128xf32, #tpu.memory_space<vmem_shared>>)
        %add3A_243 = arith.constant 2 : i32
        %add3A_244 = arith.addi %add3A_201, %add3A_243 : i32
        %lt3A_245 = arith.constant 40 : i32
        %lt3A_246 = arith.cmpi slt, %add3A_244, %lt3A_245 : i32
        %convert_element_type3A_247 = arith.extui %lt3A_246 : i1 to i32
        %cond3A_248 = arith.constant 0 : i32
        %cond3A_249 = arith.cmpi ne, %convert_element_type3A_247, %cond3A_248 : i32
        scf.if %cond3A_249 {
          %add3A_251 = arith.constant 2 : i32
          %add3A_252 = arith.addi %add3A_201, %add3A_251 : i32
          %dma_start3A_253 = arith.constant 0 : i32
          %dma_start3A_254 = tpu.memref_slice %arg8[%add3A_252, %dma_start3A_253] : memref<40x128xi32, #tpu.memory_space<vmem>> -> memref<1x128xi32, #tpu.memory_space<vmem>>
          %dma_start3A_255 = tpu.memref_squeeze %dma_start3A_254 : memref<1x128xi32, #tpu.memory_space<vmem>> -> memref<128xi32, #tpu.memory_space<vmem>>
          %dma_start3A_256 = arith.constant 0 : i32
          %dma_start3A_257 = arith.constant 0 : i32
          %dma_start3A_258 = tpu.memref_slice %arg4[%dma_start3A_256, %dma_start3A_257] : memref<10240x128xf32, #tpu.memory_space<hbm>> -> memref<10240x128xf32, #tpu.memory_space<hbm>>
          tpu.enqueue_indirect_dma source(%dma_start3A_258 : memref<10240x128xf32, #tpu.memory_space<hbm>>) target(%arg11 : memref<128x128xf32, #tpu.memory_space<vmem>>) offsets(%dma_start3A_255 : memref<128xi32, #tpu.memory_space<vmem>>) semaphore(%arg18 : memref<!tpu.dma_semaphore, #tpu.memory_space<semaphore_mem>>)
        } else {
        }
        %scan3A_250 = arith.constant 0 : i32
        scf.yield %scan3A_250 : i32
      }
      %scan3A_192 = arith.constant 20 : i32
      %scan3A_193 = arith.constant 0 : i32
      scf.yield %scan3A_193 : i32
    }
    %scan3A_143 = arith.constant 2 : i32
    %barrier3A_144 = arith.constant 0 : index
    tpu.barrier barrier_id(%barrier3A_144)
    "tpu.region"() ({
      %run_scoped3A = tpu.sem_alloc : memref<!tpu.dma_semaphore, #tpu.memory_space<semaphore_mem>>
      %dma_start3A = tpu.memref_slice %arg15[%mul3A_2] : memref<10240xf32, #tpu.memory_space<vmem_shared>> -> memref<640xf32, #tpu.memory_space<vmem_shared>>
      %dma_start3A_169 = tpu.memref_slice %arg15[%mul3A_2] : memref<10240xf32, #tpu.memory_space<vmem_shared>> -> memref<640xf32, #tpu.memory_space<vmem_shared>>
      tpu.enqueue_dma source(%dma_start3A_169 : memref<640xf32, #tpu.memory_space<vmem_shared>>) target(%arg13 : memref<640xf32, #tpu.memory_space<vmem>>) target_semaphore(%run_scoped3A : memref<!tpu.dma_semaphore, #tpu.memory_space<semaphore_mem>>)
      %dma_wait3A = tpu.memref_slice %arg15[%mul3A_2] : memref<10240xf32, #tpu.memory_space<vmem_shared>> -> memref<640xf32, #tpu.memory_space<vmem_shared>>
      %dma_wait3A_170 = tpu.memref_slice %arg15[%mul3A_2] : memref<10240xf32, #tpu.memory_space<vmem_shared>> -> memref<640xf32, #tpu.memory_space<vmem_shared>>
      tpu.wait_dma2 semaphore(%run_scoped3A : memref<!tpu.dma_semaphore, #tpu.memory_space<semaphore_mem>>) src(%dma_wait3A_170 : memref<640xf32, #tpu.memory_space<vmem_shared>>) dst(%arg13 : memref<640xf32, #tpu.memory_space<vmem>>)
      tpu.yield
    }) : () -> ()
    %scan3A_145 = arith.constant 0 : i32
    %scan3A_146 = arith.constant 0 : i32
    %scan3A_147 = arith.constant 40 : i32
    %scan3A_148 = arith.addi %scan3A_146, %scan3A_147 : i32
    %scan3A_149 = arith.constant 1 : i32
    %scan3A_150 = scf.for %scan3A_169 = %scan3A_146 to %scan3A_148 step %scan3A_149 iter_args(%scan3A_170 = %scan3A_145) -> (i32)  : i32 {
      %mul3A_171 = arith.constant 16 : i32
      %mul3A_172 = arith.muli %scan3A_169, %mul3A_171 : i32
      %get3A = arith.index_cast %mul3A_172 : i32 to index
      %get3A_173 = tpu.vector_load %arg13[%get3A] {strides = array<i32>} : memref<640xf32, #tpu.memory_space<vmem>>, vector<16xf32>,
      %get3A_174 = vector.shape_cast %get3A_173 : vector<16xf32> to vector<16xf32>
      %max3A = arith.constant 1.000000e+00 : f32
      %max3A_175 = vector.broadcast %max3A : f32 to vector<16xf32>
      %max3A_176 = arith.maximumf %get3A_174, %max3A_175 : vector<16xf32>
      %div3A = arith.constant 1.000000e+00 : f32
      %div3A_177 = vector.broadcast %div3A : f32 to vector<16xf32>
      %div3A_178 = arith.divf %div3A_177, %max3A_176 : vector<16xf32>
      %mul3A_179 = arith.constant 16 : i32
      %mul3A_180 = arith.muli %scan3A_169, %mul3A_179 : i32
      %swap3A_181 = arith.index_cast %mul3A_180 : i32 to index
      %swap3A_182 = tpu.vector_load %arg13[%swap3A_181] {strides = array<i32>} : memref<640xf32, #tpu.memory_space<vmem>>, vector<16xf32>,
      %swap3A_183 = vector.shape_cast %swap3A_182 : vector<16xf32> to vector<16xf32>
      %swap3A_184 = vector.shape_cast %div3A_178 : vector<16xf32> to vector<16xf32>
      tpu.vector_store %arg13[%swap3A_181], %swap3A_184 {strides = array<i32>} : memref<640xf32, #tpu.memory_space<vmem>>, vector<16xf32>,
      %scan3A_185 = arith.constant 0 : i32
      scf.yield %scan3A_185 : i32
    }
    %scan3A_151 = arith.constant 40 : i32
    "tpu.region"() ({
      %run_scoped3A = tpu.sem_alloc : memref<!tpu.dma_semaphore, #tpu.memory_space<semaphore_mem>>
      %dma_start3A = tpu.memref_slice %arg15[%mul3A_2] : memref<10240xf32, #tpu.memory_space<vmem_shared>> -> memref<640xf32, #tpu.memory_space<vmem_shared>>
      %dma_start3A_169 = tpu.memref_slice %arg15[%mul3A_2] : memref<10240xf32, #tpu.memory_space<vmem_shared>> -> memref<640xf32, #tpu.memory_space<vmem_shared>>
      tpu.enqueue_dma source(%arg13 : memref<640xf32, #tpu.memory_space<vmem>>) target(%dma_start3A_169 : memref<640xf32, #tpu.memory_space<vmem_shared>>) target_semaphore(%run_scoped3A : memref<!tpu.dma_semaphore, #tpu.memory_space<semaphore_mem>>)
      %dma_wait3A = tpu.memref_slice %arg15[%mul3A_2] : memref<10240xf32, #tpu.memory_space<vmem_shared>> -> memref<640xf32, #tpu.memory_space<vmem_shared>>
      %dma_wait3A_170 = tpu.memref_slice %arg15[%mul3A_2] : memref<10240xf32, #tpu.memory_space<vmem_shared>> -> memref<640xf32, #tpu.memory_space<vmem_shared>>
      tpu.wait_dma2 semaphore(%run_scoped3A : memref<!tpu.dma_semaphore, #tpu.memory_space<semaphore_mem>>) src(%arg13 : memref<640xf32, #tpu.memory_space<vmem>>) dst(%dma_wait3A_170 : memref<640xf32, #tpu.memory_space<vmem_shared>>)
      tpu.yield
    }) : () -> ()
    %eq3A = arith.constant 0 : i32
    %eq3A_152 = arith.cmpi eq, %arg0, %eq3A : i32
    %convert_element_type3A = arith.extui %eq3A_152 : i1 to i32
    %cond3A = arith.constant 0 : i32
    %cond3A_153 = arith.cmpi ne, %convert_element_type3A, %cond3A : i32
    scf.if %cond3A_153 {
      "tpu.region"() ({
        %run_scoped3A = tpu.sem_alloc : memref<!tpu.dma_semaphore, #tpu.memory_space<semaphore_mem>>
        %dma_start3A = tpu.memref_slice %arg7[%mul3A_2] : memref<10240xf32, #tpu.memory_space<hbm>> -> memref<640xf32, #tpu.memory_space<hbm>>
        %dma_start3A_169 = tpu.memref_slice %arg7[%mul3A_2] : memref<10240xf32, #tpu.memory_space<hbm>> -> memref<640xf32, #tpu.memory_space<hbm>>
        tpu.enqueue_dma source(%arg13 : memref<640xf32, #tpu.memory_space<vmem>>) target(%dma_start3A_169 : memref<640xf32, #tpu.memory_space<hbm>>) target_semaphore(%run_scoped3A : memref<!tpu.dma_semaphore, #tpu.memory_space<semaphore_mem>>)
        %dma_wait3A = tpu.memref_slice %arg7[%mul3A_2] : memref<10240xf32, #tpu.memory_space<hbm>> -> memref<640xf32, #tpu.memory_space<hbm>>
        %dma_wait3A_170 = tpu.memref_slice %arg7[%mul3A_2] : memref<10240xf32, #tpu.memory_space<hbm>> -> memref<640xf32, #tpu.memory_space<hbm>>
        tpu.wait_dma2 semaphore(%run_scoped3A : memref<!tpu.dma_semaphore, #tpu.memory_space<semaphore_mem>>) src(%arg13 : memref<640xf32, #tpu.memory_space<vmem>>) dst(%dma_wait3A_170 : memref<640xf32, #tpu.memory_space<hbm>>)
        tpu.yield
      }) : () -> ()
    } else {
    }
    %barrier3A_154 = arith.constant 0 : index
    tpu.barrier barrier_id(%barrier3A_154)
    %scan3A_155 = arith.constant 0 : i32
    %scan3A_156 = arith.constant 0 : i32
    %scan3A_157 = arith.constant 2 : i32
    %scan3A_158 = arith.addi %scan3A_156, %scan3A_157 : i32
    %scan3A_159 = arith.constant 1 : i32
    %scan3A_160 = scf.for %scan3A_169 = %scan3A_156 to %scan3A_158 step %scan3A_159 iter_args(%scan3A_170 = %scan3A_155) -> (i32)  : i32 {
      %mul3A_171 = arith.constant 40 : i32
      %mul3A_172 = arith.muli %scan3A_169, %mul3A_171 : i32
      %multiple_of3A = tpu.assume_multiple %mul3A_172, 40 : i32
      "tpu.region"() ({
        %run_scoped3A = tpu.sem_alloc : memref<!tpu.dma_semaphore, #tpu.memory_space<semaphore_mem>>
        %dma_start3A = arith.constant 0 : i32
        %dma_start3A_195 = tpu.memref_slice %arg2[%add3A, %multiple_of3A, %dma_start3A] : memref<32x80x128xi32, #tpu.memory_space<hbm>> -> memref<1x40x128xi32, #tpu.memory_space<hbm>>
        %dma_start3A_196 = tpu.memref_squeeze %dma_start3A_195 : memref<1x40x128xi32, #tpu.memory_space<hbm>> -> memref<40x128xi32, #tpu.memory_space<hbm>>
        %dma_start3A_197 = arith.constant 0 : i32
        %dma_start3A_198 = tpu.memref_slice %arg2[%add3A, %multiple_of3A, %dma_start3A_197] : memref<32x80x128xi32, #tpu.memory_space<hbm>> -> memref<1x40x128xi32, #tpu.memory_space<hbm>>
        %dma_start3A_199 = tpu.memref_squeeze %dma_start3A_198 : memref<1x40x128xi32, #tpu.memory_space<hbm>> -> memref<40x128xi32, #tpu.memory_space<hbm>>
        tpu.enqueue_dma source(%dma_start3A_199 : memref<40x128xi32, #tpu.memory_space<hbm>>) target(%arg8 : memref<40x128xi32, #tpu.memory_space<vmem>>) target_semaphore(%run_scoped3A : memref<!tpu.dma_semaphore, #tpu.memory_space<semaphore_mem>>)
        %dma_wait3A = arith.constant 0 : i32
        %dma_wait3A_200 = tpu.memref_slice %arg2[%add3A, %multiple_of3A, %dma_wait3A] : memref<32x80x128xi32, #tpu.memory_space<hbm>> -> memref<1x40x128xi32, #tpu.memory_space<hbm>>
        %dma_wait3A_201 = tpu.memref_squeeze %dma_wait3A_200 : memref<1x40x128xi32, #tpu.memory_space<hbm>> -> memref<40x128xi32, #tpu.memory_space<hbm>>
        %dma_wait3A_202 = arith.constant 0 : i32
        %dma_wait3A_203 = tpu.memref_slice %arg2[%add3A, %multiple_of3A, %dma_wait3A_202] : memref<32x80x128xi32, #tpu.memory_space<hbm>> -> memref<1x40x128xi32, #tpu.memory_space<hbm>>
        %dma_wait3A_204 = tpu.memref_squeeze %dma_wait3A_203 : memref<1x40x128xi32, #tpu.memory_space<hbm>> -> memref<40x128xi32, #tpu.memory_space<hbm>>
        tpu.wait_dma2 semaphore(%run_scoped3A : memref<!tpu.dma_semaphore, #tpu.memory_space<semaphore_mem>>) src(%dma_wait3A_204 : memref<40x128xi32, #tpu.memory_space<hbm>>) dst(%arg8 : memref<40x128xi32, #tpu.memory_space<vmem>>)
        tpu.yield
      }) : () -> ()
      "tpu.region"() ({
        %run_scoped3A = tpu.sem_alloc : memref<!tpu.dma_semaphore, #tpu.memory_space<semaphore_mem>>
        %dma_start3A = arith.constant 0 : i32
        %dma_start3A_195 = tpu.memref_slice %arg3[%add3A, %multiple_of3A, %dma_start3A] : memref<32x80x128xi32, #tpu.memory_space<hbm>> -> memref<1x40x128xi32, #tpu.memory_space<hbm>>
        %dma_start3A_196 = tpu.memref_squeeze %dma_start3A_195 : memref<1x40x128xi32, #tpu.memory_space<hbm>> -> memref<40x128xi32, #tpu.memory_space<hbm>>
        %dma_start3A_197 = arith.constant 0 : i32
        %dma_start3A_198 = tpu.memref_slice %arg3[%add3A, %multiple_of3A, %dma_start3A_197] : memref<32x80x128xi32, #tpu.memory_space<hbm>> -> memref<1x40x128xi32, #tpu.memory_space<hbm>>
        %dma_start3A_199 = tpu.memref_squeeze %dma_start3A_198 : memref<1x40x128xi32, #tpu.memory_space<hbm>> -> memref<40x128xi32, #tpu.memory_space<hbm>>
        tpu.enqueue_dma source(%dma_start3A_199 : memref<40x128xi32, #tpu.memory_space<hbm>>) target(%arg9 : memref<40x128xi32, #tpu.memory_space<vmem>>) target_semaphore(%run_scoped3A : memref<!tpu.dma_semaphore, #tpu.memory_space<semaphore_mem>>)
        %dma_wait3A = arith.constant 0 : i32
        %dma_wait3A_200 = tpu.memref_slice %arg3[%add3A, %multiple_of3A, %dma_wait3A] : memref<32x80x128xi32, #tpu.memory_space<hbm>> -> memref<1x40x128xi32, #tpu.memory_space<hbm>>
        %dma_wait3A_201 = tpu.memref_squeeze %dma_wait3A_200 : memref<1x40x128xi32, #tpu.memory_space<hbm>> -> memref<40x128xi32, #tpu.memory_space<hbm>>
        %dma_wait3A_202 = arith.constant 0 : i32
        %dma_wait3A_203 = tpu.memref_slice %arg3[%add3A, %multiple_of3A, %dma_wait3A_202] : memref<32x80x128xi32, #tpu.memory_space<hbm>> -> memref<1x40x128xi32, #tpu.memory_space<hbm>>
        %dma_wait3A_204 = tpu.memref_squeeze %dma_wait3A_203 : memref<1x40x128xi32, #tpu.memory_space<hbm>> -> memref<40x128xi32, #tpu.memory_space<hbm>>
        tpu.wait_dma2 semaphore(%run_scoped3A : memref<!tpu.dma_semaphore, #tpu.memory_space<semaphore_mem>>) src(%dma_wait3A_204 : memref<40x128xi32, #tpu.memory_space<hbm>>) dst(%arg9 : memref<40x128xi32, #tpu.memory_space<vmem>>)
        tpu.yield
      }) : () -> ()
      %scan3A_173 = arith.constant 0 : i32
      %scan3A_174 = arith.constant 0 : i32
      %scan3A_175 = arith.constant 40 : i32
      %scan3A_176 = arith.addi %scan3A_174, %scan3A_175 : i32
      %scan3A_177 = arith.constant 1 : i32
      %scan3A_178 = scf.for %scan3A_195 = %scan3A_174 to %scan3A_176 step %scan3A_177 iter_args(%scan3A_196 = %scan3A_173) -> (i32)  : i32 {
        %dma_start3A = arith.constant 0 : i32
        %dma_start3A_197 = tpu.memref_slice %arg10[%scan3A_195, %dma_start3A] : memref<128x128xf32, #tpu.memory_space<vmem>> -> memref<1x128xf32, #tpu.memory_space<vmem>>
        %dma_start3A_198 = tpu.memref_squeeze %dma_start3A_197 : memref<1x128xf32, #tpu.memory_space<vmem>> -> memref<128xf32, #tpu.memory_space<vmem>>
        %dma_start3A_199 = arith.constant 0 : i32
        %dma_start3A_200 = tpu.memref_slice %arg9[%scan3A_195, %dma_start3A_199] : memref<40x128xi32, #tpu.memory_space<vmem>> -> memref<1x128xi32, #tpu.memory_space<vmem>>
        %dma_start3A_201 = tpu.memref_squeeze %dma_start3A_200 : memref<1x128xi32, #tpu.memory_space<vmem>> -> memref<128xi32, #tpu.memory_space<vmem>>
        %dma_start3A_202 = arith.constant 0 : i32
        %dma_start3A_203 = tpu.memref_slice %arg15[%dma_start3A_202] : memref<10240xf32, #tpu.memory_space<vmem_shared>> -> memref<10240xf32, #tpu.memory_space<vmem_shared>>
        tpu.enqueue_indirect_dma source(%dma_start3A_203 : memref<10240xf32, #tpu.memory_space<vmem_shared>>) target(%dma_start3A_198 : memref<128xf32, #tpu.memory_space<vmem>>) offsets(%dma_start3A_201 : memref<128xi32, #tpu.memory_space<vmem>>) semaphore(%arg21 : memref<!tpu.dma_semaphore, #tpu.memory_space<semaphore_mem>>)
        %scan3A_204 = arith.constant 0 : i32
        scf.yield %scan3A_204 : i32
      }
      %scan3A_179 = arith.constant 40 : i32
      %scan3A_180 = arith.constant 0 : i32
      %scan3A_181 = arith.constant 0 : i32
      %scan3A_182 = arith.constant 40 : i32
      %scan3A_183 = arith.addi %scan3A_181, %scan3A_182 : i32
      %scan3A_184 = arith.constant 1 : i32
      %scan3A_185 = scf.for %scan3A_195 = %scan3A_181 to %scan3A_183 step %scan3A_184 iter_args(%scan3A_196 = %scan3A_180) -> (i32)  : i32 {
        %dma_wait3A = arith.constant 0 : i32
        %dma_wait3A_197 = tpu.memref_slice %arg10[%scan3A_195, %dma_wait3A] : memref<128x128xf32, #tpu.memory_space<vmem>> -> memref<1x128xf32, #tpu.memory_space<vmem>>
        %dma_wait3A_198 = tpu.memref_squeeze %dma_wait3A_197 : memref<1x128xf32, #tpu.memory_space<vmem>> -> memref<128xf32, #tpu.memory_space<vmem>>
        %dma_wait3A_199 = arith.constant 0 : i32
        %dma_wait3A_200 = tpu.memref_slice %arg9[%scan3A_195, %dma_wait3A_199] : memref<40x128xi32, #tpu.memory_space<vmem>> -> memref<1x128xi32, #tpu.memory_space<vmem>>
        %dma_wait3A_201 = tpu.memref_squeeze %dma_wait3A_200 : memref<1x128xi32, #tpu.memory_space<vmem>> -> memref<128xi32, #tpu.memory_space<vmem>>
        %dma_wait3A_202 = arith.constant 0 : i32
        %dma_wait3A_203 = tpu.memref_slice %arg15[%dma_wait3A_202] : memref<10240xf32, #tpu.memory_space<vmem_shared>> -> memref<10240xf32, #tpu.memory_space<vmem_shared>>
        tpu.wait_indirect_dma semaphore(%arg21 : memref<!tpu.dma_semaphore, #tpu.memory_space<semaphore_mem>>) src(%dma_wait3A_203 : memref<10240xf32, #tpu.memory_space<vmem_shared>>) dst(%dma_wait3A_198 : memref<128xf32, #tpu.memory_space<vmem>>)
        %dma_start3A = arith.constant 0 : i32
        %dma_start3A_204 = tpu.memref_slice %arg10[%scan3A_195, %dma_start3A] : memref<128x128xf32, #tpu.memory_space<vmem>> -> memref<1x128xf32, #tpu.memory_space<vmem>>
        %dma_start3A_205 = tpu.memref_squeeze %dma_start3A_204 : memref<1x128xf32, #tpu.memory_space<vmem>> -> memref<128xf32, #tpu.memory_space<vmem>>
        %dma_start3A_206 = arith.constant 0 : i32
        %dma_start3A_207 = tpu.memref_slice %arg8[%scan3A_195, %dma_start3A_206] : memref<40x128xi32, #tpu.memory_space<vmem>> -> memref<1x128xi32, #tpu.memory_space<vmem>>
        %dma_start3A_208 = tpu.memref_squeeze %dma_start3A_207 : memref<1x128xi32, #tpu.memory_space<vmem>> -> memref<128xi32, #tpu.memory_space<vmem>>
        %dma_start3A_209 = arith.constant 0 : i32
        %dma_start3A_210 = tpu.memref_slice %arg16[%dma_start3A_209] : memref<10240xf32, #tpu.memory_space<vmem_shared>> -> memref<10240xf32, #tpu.memory_space<vmem_shared>>
        tpu.enqueue_indirect_dma source(%dma_start3A_205 : memref<128xf32, #tpu.memory_space<vmem>>) target(%dma_start3A_210 : memref<10240xf32, #tpu.memory_space<vmem_shared>>) offsets(%dma_start3A_208 : memref<128xi32, #tpu.memory_space<vmem>>) semaphore(%arg19 : memref<!tpu.dma_semaphore, #tpu.memory_space<semaphore_mem>>) {add = true}
        %scan3A_211 = arith.constant 0 : i32
        scf.yield %scan3A_211 : i32
      }
      %scan3A_186 = arith.constant 40 : i32
      %scan3A_187 = arith.constant 0 : i32
      %scan3A_188 = arith.constant 0 : i32
      %scan3A_189 = arith.constant 40 : i32
      %scan3A_190 = arith.addi %scan3A_188, %scan3A_189 : i32
      %scan3A_191 = arith.constant 1 : i32
      %scan3A_192 = scf.for %scan3A_195 = %scan3A_188 to %scan3A_190 step %scan3A_191 iter_args(%scan3A_196 = %scan3A_187) -> (i32)  : i32 {
        %dma_wait3A = arith.constant 0 : i32
        %dma_wait3A_197 = tpu.memref_slice %arg10[%scan3A_195, %dma_wait3A] : memref<128x128xf32, #tpu.memory_space<vmem>> -> memref<1x128xf32, #tpu.memory_space<vmem>>
        %dma_wait3A_198 = tpu.memref_squeeze %dma_wait3A_197 : memref<1x128xf32, #tpu.memory_space<vmem>> -> memref<128xf32, #tpu.memory_space<vmem>>
        %dma_wait3A_199 = arith.constant 0 : i32
        %dma_wait3A_200 = tpu.memref_slice %arg8[%scan3A_195, %dma_wait3A_199] : memref<40x128xi32, #tpu.memory_space<vmem>> -> memref<1x128xi32, #tpu.memory_space<vmem>>
        %dma_wait3A_201 = tpu.memref_squeeze %dma_wait3A_200 : memref<1x128xi32, #tpu.memory_space<vmem>> -> memref<128xi32, #tpu.memory_space<vmem>>
        %dma_wait3A_202 = arith.constant 0 : i32
        %dma_wait3A_203 = tpu.memref_slice %arg16[%dma_wait3A_202] : memref<10240xf32, #tpu.memory_space<vmem_shared>> -> memref<10240xf32, #tpu.memory_space<vmem_shared>>
        tpu.wait_indirect_dma semaphore(%arg19 : memref<!tpu.dma_semaphore, #tpu.memory_space<semaphore_mem>>) src(%dma_wait3A_198 : memref<128xf32, #tpu.memory_space<vmem>>) dst(%dma_wait3A_203 : memref<10240xf32, #tpu.memory_space<vmem_shared>>)
        %scan3A_204 = arith.constant 0 : i32
        scf.yield %scan3A_204 : i32
      }
      %scan3A_193 = arith.constant 40 : i32
      %scan3A_194 = arith.constant 0 : i32
      scf.yield %scan3A_194 : i32
    }
    %scan3A_161 = arith.constant 2 : i32
    %barrier3A_162 = arith.constant 0 : index
    tpu.barrier barrier_id(%barrier3A_162)
    %mul3A_163 = arith.constant 10240 : i32
    %mul3A_164 = arith.muli %arg0, %mul3A_163 : i32
    %add3A_165 = arith.addi %mul3A_164, %mul3A_2 : i32
    "tpu.region"() ({
      %run_scoped3A = tpu.sem_alloc : memref<!tpu.dma_semaphore, #tpu.memory_space<semaphore_mem>>
      %dma_start3A = arith.constant 0 : i32
      %dma_start3A_169 = tpu.memref_slice %arg5[%add3A_165, %dma_start3A] : memref<20480x128xf32, #tpu.memory_space<hbm>> -> memref<640x128xf32, #tpu.memory_space<hbm>>
      %dma_start3A_170 = arith.constant 0 : i32
      %dma_start3A_171 = tpu.memref_slice %arg14[%mul3A_2, %dma_start3A_170] : memref<10240x128xf32, #tpu.memory_space<vmem_shared>> -> memref<640x128xf32, #tpu.memory_space<vmem_shared>>
      tpu.enqueue_dma source(%dma_start3A_171 : memref<640x128xf32, #tpu.memory_space<vmem_shared>>) target(%dma_start3A_169 : memref<640x128xf32, #tpu.memory_space<hbm>>) target_semaphore(%run_scoped3A : memref<!tpu.dma_semaphore, #tpu.memory_space<semaphore_mem>>)
      %dma_wait3A = arith.constant 0 : i32
      %dma_wait3A_172 = tpu.memref_slice %arg5[%add3A_165, %dma_wait3A] : memref<20480x128xf32, #tpu.memory_space<hbm>> -> memref<640x128xf32, #tpu.memory_space<hbm>>
      %dma_wait3A_173 = arith.constant 0 : i32
      %dma_wait3A_174 = tpu.memref_slice %arg14[%mul3A_2, %dma_wait3A_173] : memref<10240x128xf32, #tpu.memory_space<vmem_shared>> -> memref<640x128xf32, #tpu.memory_space<vmem_shared>>
      tpu.wait_dma2 semaphore(%run_scoped3A : memref<!tpu.dma_semaphore, #tpu.memory_space<semaphore_mem>>) src(%dma_wait3A_174 : memref<640x128xf32, #tpu.memory_space<vmem_shared>>) dst(%dma_wait3A_172 : memref<640x128xf32, #tpu.memory_space<hbm>>)
      tpu.yield
    }) : () -> ()
    %mul3A_166 = arith.constant 10240 : i32
    %mul3A_167 = arith.muli %arg0, %mul3A_166 : i32
    %add3A_168 = arith.addi %mul3A_167, %mul3A_2 : i32
    "tpu.region"() ({
      %run_scoped3A = tpu.sem_alloc : memref<!tpu.dma_semaphore, #tpu.memory_space<semaphore_mem>>
      %dma_start3A = tpu.memref_slice %arg6[%add3A_168] : memref<20480xf32, #tpu.memory_space<hbm>> -> memref<640xf32, #tpu.memory_space<hbm>>
      %dma_start3A_169 = tpu.memref_slice %arg16[%mul3A_2] : memref<10240xf32, #tpu.memory_space<vmem_shared>> -> memref<640xf32, #tpu.memory_space<vmem_shared>>
      tpu.enqueue_dma source(%dma_start3A_169 : memref<640xf32, #tpu.memory_space<vmem_shared>>) target(%dma_start3A : memref<640xf32, #tpu.memory_space<hbm>>) target_semaphore(%run_scoped3A : memref<!tpu.dma_semaphore, #tpu.memory_space<semaphore_mem>>)
      %dma_wait3A = tpu.memref_slice %arg6[%add3A_168] : memref<20480xf32, #tpu.memory_space<hbm>> -> memref<640xf32, #tpu.memory_space<hbm>>
      %dma_wait3A_170 = tpu.memref_slice %arg16[%mul3A_2] : memref<10240xf32, #tpu.memory_space<vmem_shared>> -> memref<640xf32, #tpu.memory_space<vmem_shared>>
      tpu.wait_dma2 semaphore(%run_scoped3A : memref<!tpu.dma_semaphore, #tpu.memory_space<semaphore_mem>>) src(%dma_wait3A_170 : memref<640xf32, #tpu.memory_space<vmem_shared>>) dst(%dma_wait3A : memref<640xf32, #tpu.memory_space<hbm>>)
      tpu.yield
    }) : () -> ()
    return
  }
}

module attributes {stable_mosaic.version = 14 : i64} {
  func.func @_tc_kernel(%arg0: i32, %arg1: memref<1024x128xf32, #tpu.memory_space<vmem>>, %arg2: memref<1x1024x128xf32, #tpu.memory_space<vmem>>, %arg3: memref<1x1024x128xf32, #tpu.memory_space<vmem>>, %arg4: memref<8x128xf32, #tpu.memory_space<vmem>>, %arg5: memref<1x8x128xf32, #tpu.memory_space<vmem>>, %arg6: memref<1x8x128xf32, #tpu.memory_space<vmem>>, %arg7: memref<128x128xf32, #tpu.memory_space<vmem>>, %arg8: memref<1x128xf32, #tpu.memory_space<vmem>>, %arg9: memref<128x128xf32, #tpu.memory_space<vmem>>, %arg10: memref<16x128xf32, #tpu.memory_space<vmem>>, %arg11: memref<1x16xf32, #tpu.memory_space<vmem>>, %arg12: memref<16x128xf32, #tpu.memory_space<vmem>>, %arg13: memref<1x16xf32, #tpu.memory_space<vmem>>, %arg14: memref<1x128xf32, #tpu.memory_space<vmem>>, %arg15: memref<1x128xf32, #tpu.memory_space<vmem>>) attributes {dimension_semantics = [#tpu.dimension_semantics<arbitrary>], iteration_bounds = array<i64: 10>, scalar_prefetch = 0 : i64, scratch_operands = 2 : i64, tpu.core_type = #tpu.core_type<tc>, window_params = [{transform_indices = @transform_0, window_bounds = array<i64: 1024, 128>}, {transform_indices = @transform_1, window_bounds = array<i64: 1, 1024, 128>}, {transform_indices = @transform_2, window_bounds = array<i64: 1, 1024, 128>}, {transform_indices = @transform_3, window_bounds = array<i64: 8, 128>}, {transform_indices = @transform_4, window_bounds = array<i64: 1, 8, 128>}, {transform_indices = @transform_5, window_bounds = array<i64: 1, 8, 128>}, {pipeline_mode = #tpu.pipeline_mode<synchronous>, transform_indices = @transform_6, window_bounds = array<i64: 128, 128>}, {pipeline_mode = #tpu.pipeline_mode<synchronous>, transform_indices = @transform_7, window_bounds = array<i64: 1, 128>}, {pipeline_mode = #tpu.pipeline_mode<synchronous>, transform_indices = @transform_8, window_bounds = array<i64: 128, 128>}, {pipeline_mode = #tpu.pipeline_mode<synchronous>, transform_indices = @transform_9, window_bounds = array<i64: 16, 128>}, {pipeline_mode = #tpu.pipeline_mode<synchronous>, transform_indices = @transform_10, window_bounds = array<i64: 1, 16>}, {pipeline_mode = #tpu.pipeline_mode<synchronous>, transform_indices = @transform_11, window_bounds = array<i64: 16, 128>}, {pipeline_mode = #tpu.pipeline_mode<synchronous>, transform_indices = @transform_12, window_bounds = array<i64: 1, 16>}]} {
    %eq3A = arith.constant 0 : i32
    %eq3A_0 = arith.cmpi eq, %arg0, %eq3A : i32
    %convert_element_type3A = arith.extui %eq3A_0 : i1 to i32
    %cond3A = arith.constant 0 : i32
    %cond3A_1 = arith.cmpi ne, %convert_element_type3A, %cond3A : i32
    scf.if %cond3A_1 {
      %broadcast_in_dim3A_602 = arith.constant 0.000000e+00 : f32
      %broadcast_in_dim3A_603 = vector.broadcast %broadcast_in_dim3A_602 : f32 to vector<1x128xf32>
      %swap3A_604 = arith.constant 0 : index
      %swap3A_605 = arith.constant 0 : index
      %swap3A_606 = vector.load %arg14[%swap3A_604, %swap3A_605] : memref<1x128xf32, #tpu.memory_space<vmem>>, vector<1x128xf32>
      tpu.vector_store %arg14[%swap3A_604, %swap3A_605], %broadcast_in_dim3A_603 {strides = array<i32>} : memref<1x128xf32, #tpu.memory_space<vmem>>, vector<1x128xf32>,
      %broadcast_in_dim3A_607 = arith.constant 0.000000e+00 : f32
      %broadcast_in_dim3A_608 = vector.broadcast %broadcast_in_dim3A_607 : f32 to vector<1x128xf32>
      %swap3A_609 = arith.constant 0 : index
      %swap3A_610 = arith.constant 0 : index
      %swap3A_611 = vector.load %arg15[%swap3A_609, %swap3A_610] : memref<1x128xf32, #tpu.memory_space<vmem>>, vector<1x128xf32>
      tpu.vector_store %arg15[%swap3A_609, %swap3A_610], %broadcast_in_dim3A_608 {strides = array<i32>} : memref<1x128xf32, #tpu.memory_space<vmem>>, vector<1x128xf32>,
      %broadcast_in_dim3A_612 = arith.constant 0.000000e+00 : f32
      %broadcast_in_dim3A_613 = vector.broadcast %broadcast_in_dim3A_612 : f32 to vector<1x16xf32>
      %swap3A_614 = arith.constant 0 : index
      %swap3A_615 = arith.constant 0 : index
      %swap3A_616 = vector.load %arg13[%swap3A_614, %swap3A_615] : memref<1x16xf32, #tpu.memory_space<vmem>>, vector<1x16xf32>
      tpu.vector_store %arg13[%swap3A_614, %swap3A_615], %broadcast_in_dim3A_613 {strides = array<i32>} : memref<1x16xf32, #tpu.memory_space<vmem>>, vector<1x16xf32>,
    } else {
    }
    %iota3A = tpu.iota {dimensions = array<i32: 0>} : vector<128x128xi32>
    %iota3A_2 = tpu.iota {dimensions = array<i32: 1>} : vector<128x128xi32>
    %eq3A_3 = arith.cmpi eq, %iota3A, %iota3A_2 : vector<128x128xi32>
    %convert_element_type3A_4 = arith.extui %eq3A_3 : vector<128x128xi1> to vector<128x128xi32>
    %convert_element_type3A_5 = arith.sitofp %convert_element_type3A_4 : vector<128x128xi32> to vector<128x128xf32>
    %broadcast_in_dim3A = arith.constant 0.000000e+00 : f32
    %broadcast_in_dim3A_6 = vector.broadcast %broadcast_in_dim3A : f32 to vector<1x128xf32>
    %broadcast_in_dim3A_7 = arith.constant 0.000000e+00 : f32
    %broadcast_in_dim3A_8 = vector.broadcast %broadcast_in_dim3A_7 : f32 to vector<1x128xf32>
    %get3A = arith.constant 0 : index
    %get3A_9 = arith.constant 0 : index
    %get3A_10 = arith.constant 0 : index
    %get3A_11 = vector.load %arg2[%get3A, %get3A_9, %get3A_10] : memref<1x1024x128xf32, #tpu.memory_space<vmem>>, vector<1x128x128xf32>
    %get3A_12 = vector.shape_cast %get3A_11 : vector<1x128x128xf32> to vector<128x128xf32>
    %get3A_13 = arith.constant 0 : index
    %get3A_14 = arith.constant 0 : index
    %get3A_15 = arith.constant 0 : index
    %get3A_16 = vector.load %arg3[%get3A_13, %get3A_14, %get3A_15] : memref<1x1024x128xf32, #tpu.memory_space<vmem>>, vector<1x128x128xf32>
    %get3A_17 = vector.shape_cast %get3A_16 : vector<1x128x128xf32> to vector<128x128xf32>
    %add3A = arith.addf %get3A_12, %get3A_17 : vector<128x128xf32>
    %get3A_18 = arith.constant 0 : index
    %get3A_19 = arith.constant 0 : index
    %get3A_20 = vector.load %arg4[%get3A_18, %get3A_19] : memref<8x128xf32, #tpu.memory_space<vmem>>, vector<1x128xf32>
    %mul3A = vector.broadcast %get3A_20 : vector<1x128xf32> to vector<128x128xf32>
    %mul3A_21 = arith.mulf %convert_element_type3A_5, %mul3A : vector<128x128xf32>
    %dot_general3A = arith.constant dense<0.000000e+00> : vector<128x128xf32>
    %dot_general3A_22 = tpu.matmul %mul3A_21, %add3A, %dot_general3A {dimension_numbers = #tpu.dot_dimension_numbers<[1], [0], [0], [1], [0, 0, 1, 1], [], []>, precision = #tpu.contract_precision<fp32>, transpose_lhs_hint = false} : vector<128x128xf32>, vector<128x128xf32>, vector<128x128xf32> -> vector<128x128xf32>
    %get3A_23 = arith.constant 0 : index
    %get3A_24 = arith.constant 0 : index
    %get3A_25 = vector.load %arg7[%get3A_23, %get3A_24] : memref<128x128xf32, #tpu.memory_space<vmem>>, vector<128x128xf32>
    %dot_general3A_26 = arith.constant dense<0.000000e+00> : vector<128x128xf32>
    %dot_general3A_27 = tpu.matmul %dot_general3A_22, %get3A_25, %dot_general3A_26 {dimension_numbers = #tpu.dot_dimension_numbers<[1], [1], [0], [0], [0, 0, 1, 0], [], []>, precision = #tpu.contract_precision<fp32>, transpose_lhs_hint = false} : vector<128x128xf32>, vector<128x128xf32>, vector<128x128xf32> -> vector<128x128xf32>
    %get3A_28 = arith.constant 0 : index
    %get3A_29 = arith.constant 0 : index
    %get3A_30 = vector.load %arg1[%get3A_28, %get3A_29] : memref<1024x128xf32, #tpu.memory_space<vmem>>, vector<128x128xf32>
    %get3A_31 = arith.constant 0 : index
    %get3A_32 = arith.constant 0 : index
    %get3A_33 = vector.load %arg9[%get3A_31, %get3A_32] : memref<128x128xf32, #tpu.memory_space<vmem>>, vector<128x128xf32>
    %dot_general3A_34 = arith.constant dense<0.000000e+00> : vector<128x128xf32>
    %dot_general3A_35 = tpu.matmul %get3A_30, %get3A_33, %dot_general3A_34 {dimension_numbers = #tpu.dot_dimension_numbers<[1], [1], [0], [0], [0, 0, 1, 0], [], []>, precision = #tpu.contract_precision<fp32>, transpose_lhs_hint = false} : vector<128x128xf32>, vector<128x128xf32>, vector<128x128xf32> -> vector<128x128xf32>
    %add3A_36 = arith.addf %dot_general3A_27, %dot_general3A_35 : vector<128x128xf32>
    %get3A_37 = arith.constant 0 : index
    %get3A_38 = arith.constant 0 : index
    %get3A_39 = vector.load %arg8[%get3A_37, %get3A_38] : memref<1x128xf32, #tpu.memory_space<vmem>>, vector<1x128xf32>
    %add3A_40 = vector.broadcast %get3A_39 : vector<1x128xf32> to vector<128x128xf32>
    %add3A_41 = arith.addf %add3A_36, %add3A_40 : vector<128x128xf32>
    %max3A = arith.constant 0.000000e+00 : f32
    %max3A_42 = vector.broadcast %max3A : f32 to vector<128x128xf32>
    %max3A_43 = arith.maximumf %add3A_41, %max3A_42 : vector<128x128xf32>
    %mul3A_44 = arith.constant 1024 : i32
    %mul3A_45 = arith.muli %arg0, %mul3A_44 : i32
    %add3A_46 = arith.constant 0 : i32
    %add3A_47 = arith.addi %mul3A_45, %add3A_46 : i32
    %iota3A_48 = tpu.iota {dimensions = array<i32: 0>} : vector<128x1xi32>
    %add3A_49 = vector.broadcast %add3A_47 : i32 to vector<128x1xi32>
    %add3A_50 = arith.addi %add3A_49, %iota3A_48 : vector<128x1xi32>
    %lt3A = arith.constant 10000 : i32
    %lt3A_51 = vector.broadcast %lt3A : i32 to vector<128x1xi32>
    %lt3A_52 = arith.cmpi slt, %add3A_50, %lt3A_51 : vector<128x1xi32>
    %jit3A = arith.constant 0.000000e+00 : f32
    %broadcast_in_dim3A_53 = vector.shape_cast %lt3A_52 : vector<128x1xi1> to vector<128x1xi1>
    %broadcast_in_dim3A_54 = vector.broadcast %broadcast_in_dim3A_53 : vector<128x1xi1> to vector<128x128xi1>
    %broadcast_in_dim3A_55 = vector.broadcast %jit3A : f32 to vector<128x128xf32>
    %select_n3A = arith.select %broadcast_in_dim3A_54, %max3A_43, %broadcast_in_dim3A_55 : vector<128x128xi1>, vector<128x128xf32>
    %get3A_56 = arith.constant 0 : index
    %get3A_57 = arith.constant 0 : index
    %get3A_58 = arith.constant 0 : index
    %get3A_59 = vector.load %arg5[%get3A_56, %get3A_57, %get3A_58] : memref<1x8x128xf32, #tpu.memory_space<vmem>>, vector<1x1x128xf32>
    %get3A_60 = vector.shape_cast %get3A_59 : vector<1x1x128xf32> to vector<1x128xf32>
    %get3A_61 = arith.constant 0 : index
    %get3A_62 = arith.constant 0 : index
    %get3A_63 = arith.constant 0 : index
    %get3A_64 = vector.load %arg6[%get3A_61, %get3A_62, %get3A_63] : memref<1x8x128xf32, #tpu.memory_space<vmem>>, vector<1x1x128xf32>
    %get3A_65 = vector.shape_cast %get3A_64 : vector<1x1x128xf32> to vector<1x128xf32>
    %add3A_66 = arith.addf %get3A_60, %get3A_65 : vector<1x128xf32>
    %reduce_sum3A = arith.constant dense<0.000000e+00> : vector<128xf32>
    %reduce_sum3A_67 = vector.multi_reduction <add>, %select_n3A, %reduce_sum3A [0] : vector<128x128xf32> to vector<128xf32>
    %broadcast_in_dim3A_68 = vector.shape_cast %reduce_sum3A_67 : vector<128xf32> to vector<1x128xf32>
    %add3A_69 = arith.addf %broadcast_in_dim3A_6, %broadcast_in_dim3A_68 : vector<1x128xf32>
    %dot_general3A_70 = arith.constant dense<0.000000e+00> : vector<1x128xf32>
    %dot_general3A_71 = tpu.matmul %add3A_66, %select_n3A, %dot_general3A_70 {dimension_numbers = #tpu.dot_dimension_numbers<[1], [0], [0], [1], [0, 0, 1, 1], [], []>, precision = #tpu.contract_precision<fp32>, transpose_lhs_hint = false} : vector<1x128xf32>, vector<128x128xf32>, vector<1x128xf32> -> vector<1x128xf32>
    %add3A_72 = arith.addf %broadcast_in_dim3A_8, %dot_general3A_71 : vector<1x128xf32>
    %get3A_73 = arith.constant 0 : index
    %get3A_74 = arith.constant 128 : index
    %get3A_75 = arith.constant 0 : index
    %get3A_76 = vector.load %arg2[%get3A_73, %get3A_74, %get3A_75] : memref<1x1024x128xf32, #tpu.memory_space<vmem>>, vector<1x128x128xf32>
    %get3A_77 = vector.shape_cast %get3A_76 : vector<1x128x128xf32> to vector<128x128xf32>
    %get3A_78 = arith.constant 0 : index
    %get3A_79 = arith.constant 128 : index
    %get3A_80 = arith.constant 0 : index
    %get3A_81 = vector.load %arg3[%get3A_78, %get3A_79, %get3A_80] : memref<1x1024x128xf32, #tpu.memory_space<vmem>>, vector<1x128x128xf32>
    %get3A_82 = vector.shape_cast %get3A_81 : vector<1x128x128xf32> to vector<128x128xf32>
    %add3A_83 = arith.addf %get3A_77, %get3A_82 : vector<128x128xf32>
    %get3A_84 = arith.constant 1 : index
    %get3A_85 = arith.constant 0 : index
    %get3A_86 = vector.load %arg4[%get3A_84, %get3A_85] : memref<8x128xf32, #tpu.memory_space<vmem>>, vector<1x128xf32>
    %mul3A_87 = vector.broadcast %get3A_86 : vector<1x128xf32> to vector<128x128xf32>
    %mul3A_88 = arith.mulf %convert_element_type3A_5, %mul3A_87 : vector<128x128xf32>
    %dot_general3A_89 = arith.constant dense<0.000000e+00> : vector<128x128xf32>
    %dot_general3A_90 = tpu.matmul %mul3A_88, %add3A_83, %dot_general3A_89 {dimension_numbers = #tpu.dot_dimension_numbers<[1], [0], [0], [1], [0, 0, 1, 1], [], []>, precision = #tpu.contract_precision<fp32>, transpose_lhs_hint = false} : vector<128x128xf32>, vector<128x128xf32>, vector<128x128xf32> -> vector<128x128xf32>
    %get3A_91 = arith.constant 0 : index
    %get3A_92 = arith.constant 0 : index
    %get3A_93 = vector.load %arg7[%get3A_91, %get3A_92] : memref<128x128xf32, #tpu.memory_space<vmem>>, vector<128x128xf32>
    %dot_general3A_94 = arith.constant dense<0.000000e+00> : vector<128x128xf32>
    %dot_general3A_95 = tpu.matmul %dot_general3A_90, %get3A_93, %dot_general3A_94 {dimension_numbers = #tpu.dot_dimension_numbers<[1], [1], [0], [0], [0, 0, 1, 0], [], []>, precision = #tpu.contract_precision<fp32>, transpose_lhs_hint = false} : vector<128x128xf32>, vector<128x128xf32>, vector<128x128xf32> -> vector<128x128xf32>
    %get3A_96 = arith.constant 128 : index
    %get3A_97 = arith.constant 0 : index
    %get3A_98 = vector.load %arg1[%get3A_96, %get3A_97] : memref<1024x128xf32, #tpu.memory_space<vmem>>, vector<128x128xf32>
    %get3A_99 = arith.constant 0 : index
    %get3A_100 = arith.constant 0 : index
    %get3A_101 = vector.load %arg9[%get3A_99, %get3A_100] : memref<128x128xf32, #tpu.memory_space<vmem>>, vector<128x128xf32>
    %dot_general3A_102 = arith.constant dense<0.000000e+00> : vector<128x128xf32>
    %dot_general3A_103 = tpu.matmul %get3A_98, %get3A_101, %dot_general3A_102 {dimension_numbers = #tpu.dot_dimension_numbers<[1], [1], [0], [0], [0, 0, 1, 0], [], []>, precision = #tpu.contract_precision<fp32>, transpose_lhs_hint = false} : vector<128x128xf32>, vector<128x128xf32>, vector<128x128xf32> -> vector<128x128xf32>
    %add3A_104 = arith.addf %dot_general3A_95, %dot_general3A_103 : vector<128x128xf32>
    %get3A_105 = arith.constant 0 : index
    %get3A_106 = arith.constant 0 : index
    %get3A_107 = vector.load %arg8[%get3A_105, %get3A_106] : memref<1x128xf32, #tpu.memory_space<vmem>>, vector<1x128xf32>
    %add3A_108 = vector.broadcast %get3A_107 : vector<1x128xf32> to vector<128x128xf32>
    %add3A_109 = arith.addf %add3A_104, %add3A_108 : vector<128x128xf32>
    %max3A_110 = arith.constant 0.000000e+00 : f32
    %max3A_111 = vector.broadcast %max3A_110 : f32 to vector<128x128xf32>
    %max3A_112 = arith.maximumf %add3A_109, %max3A_111 : vector<128x128xf32>
    %mul3A_113 = arith.constant 1024 : i32
    %mul3A_114 = arith.muli %arg0, %mul3A_113 : i32
    %add3A_115 = arith.constant 128 : i32
    %add3A_116 = arith.addi %mul3A_114, %add3A_115 : i32
    %iota3A_117 = tpu.iota {dimensions = array<i32: 0>} : vector<128x1xi32>
    %add3A_118 = vector.broadcast %add3A_116 : i32 to vector<128x1xi32>
    %add3A_119 = arith.addi %add3A_118, %iota3A_117 : vector<128x1xi32>
    %lt3A_120 = arith.constant 10000 : i32
    %lt3A_121 = vector.broadcast %lt3A_120 : i32 to vector<128x1xi32>
    %lt3A_122 = arith.cmpi slt, %add3A_119, %lt3A_121 : vector<128x1xi32>
    %jit3A_123 = arith.constant 0.000000e+00 : f32
    %broadcast_in_dim3A_124 = vector.shape_cast %lt3A_122 : vector<128x1xi1> to vector<128x1xi1>
    %broadcast_in_dim3A_125 = vector.broadcast %broadcast_in_dim3A_124 : vector<128x1xi1> to vector<128x128xi1>
    %broadcast_in_dim3A_126 = vector.broadcast %jit3A_123 : f32 to vector<128x128xf32>
    %select_n3A_127 = arith.select %broadcast_in_dim3A_125, %max3A_112, %broadcast_in_dim3A_126 : vector<128x128xi1>, vector<128x128xf32>
    %get3A_128 = arith.constant 0 : index
    %get3A_129 = arith.constant 1 : index
    %get3A_130 = arith.constant 0 : index
    %get3A_131 = vector.load %arg5[%get3A_128, %get3A_129, %get3A_130] : memref<1x8x128xf32, #tpu.memory_space<vmem>>, vector<1x1x128xf32>
    %get3A_132 = vector.shape_cast %get3A_131 : vector<1x1x128xf32> to vector<1x128xf32>
    %get3A_133 = arith.constant 0 : index
    %get3A_134 = arith.constant 1 : index
    %get3A_135 = arith.constant 0 : index
    %get3A_136 = vector.load %arg6[%get3A_133, %get3A_134, %get3A_135] : memref<1x8x128xf32, #tpu.memory_space<vmem>>, vector<1x1x128xf32>
    %get3A_137 = vector.shape_cast %get3A_136 : vector<1x1x128xf32> to vector<1x128xf32>
    %add3A_138 = arith.addf %get3A_132, %get3A_137 : vector<1x128xf32>
    %reduce_sum3A_139 = arith.constant dense<0.000000e+00> : vector<128xf32>
    %reduce_sum3A_140 = vector.multi_reduction <add>, %select_n3A_127, %reduce_sum3A_139 [0] : vector<128x128xf32> to vector<128xf32>
    %broadcast_in_dim3A_141 = vector.shape_cast %reduce_sum3A_140 : vector<128xf32> to vector<1x128xf32>
    %add3A_142 = arith.addf %add3A_69, %broadcast_in_dim3A_141 : vector<1x128xf32>
    %dot_general3A_143 = arith.constant dense<0.000000e+00> : vector<1x128xf32>
    %dot_general3A_144 = tpu.matmul %add3A_138, %select_n3A_127, %dot_general3A_143 {dimension_numbers = #tpu.dot_dimension_numbers<[1], [0], [0], [1], [0, 0, 1, 1], [], []>, precision = #tpu.contract_precision<fp32>, transpose_lhs_hint = false} : vector<1x128xf32>, vector<128x128xf32>, vector<1x128xf32> -> vector<1x128xf32>
    %add3A_145 = arith.addf %add3A_72, %dot_general3A_144 : vector<1x128xf32>
    %get3A_146 = arith.constant 0 : index
    %get3A_147 = arith.constant 256 : index
    %get3A_148 = arith.constant 0 : index
    %get3A_149 = vector.load %arg2[%get3A_146, %get3A_147, %get3A_148] : memref<1x1024x128xf32, #tpu.memory_space<vmem>>, vector<1x128x128xf32>
    %get3A_150 = vector.shape_cast %get3A_149 : vector<1x128x128xf32> to vector<128x128xf32>
    %get3A_151 = arith.constant 0 : index
    %get3A_152 = arith.constant 256 : index
    %get3A_153 = arith.constant 0 : index
    %get3A_154 = vector.load %arg3[%get3A_151, %get3A_152, %get3A_153] : memref<1x1024x128xf32, #tpu.memory_space<vmem>>, vector<1x128x128xf32>
    %get3A_155 = vector.shape_cast %get3A_154 : vector<1x128x128xf32> to vector<128x128xf32>
    %add3A_156 = arith.addf %get3A_150, %get3A_155 : vector<128x128xf32>
    %get3A_157 = arith.constant 2 : index
    %get3A_158 = arith.constant 0 : index
    %get3A_159 = vector.load %arg4[%get3A_157, %get3A_158] : memref<8x128xf32, #tpu.memory_space<vmem>>, vector<1x128xf32>
    %mul3A_160 = vector.broadcast %get3A_159 : vector<1x128xf32> to vector<128x128xf32>
    %mul3A_161 = arith.mulf %convert_element_type3A_5, %mul3A_160 : vector<128x128xf32>
    %dot_general3A_162 = arith.constant dense<0.000000e+00> : vector<128x128xf32>
    %dot_general3A_163 = tpu.matmul %mul3A_161, %add3A_156, %dot_general3A_162 {dimension_numbers = #tpu.dot_dimension_numbers<[1], [0], [0], [1], [0, 0, 1, 1], [], []>, precision = #tpu.contract_precision<fp32>, transpose_lhs_hint = false} : vector<128x128xf32>, vector<128x128xf32>, vector<128x128xf32> -> vector<128x128xf32>
    %get3A_164 = arith.constant 0 : index
    %get3A_165 = arith.constant 0 : index
    %get3A_166 = vector.load %arg7[%get3A_164, %get3A_165] : memref<128x128xf32, #tpu.memory_space<vmem>>, vector<128x128xf32>
    %dot_general3A_167 = arith.constant dense<0.000000e+00> : vector<128x128xf32>
    %dot_general3A_168 = tpu.matmul %dot_general3A_163, %get3A_166, %dot_general3A_167 {dimension_numbers = #tpu.dot_dimension_numbers<[1], [1], [0], [0], [0, 0, 1, 0], [], []>, precision = #tpu.contract_precision<fp32>, transpose_lhs_hint = false} : vector<128x128xf32>, vector<128x128xf32>, vector<128x128xf32> -> vector<128x128xf32>
    %get3A_169 = arith.constant 256 : index
    %get3A_170 = arith.constant 0 : index
    %get3A_171 = vector.load %arg1[%get3A_169, %get3A_170] : memref<1024x128xf32, #tpu.memory_space<vmem>>, vector<128x128xf32>
    %get3A_172 = arith.constant 0 : index
    %get3A_173 = arith.constant 0 : index
    %get3A_174 = vector.load %arg9[%get3A_172, %get3A_173] : memref<128x128xf32, #tpu.memory_space<vmem>>, vector<128x128xf32>
    %dot_general3A_175 = arith.constant dense<0.000000e+00> : vector<128x128xf32>
    %dot_general3A_176 = tpu.matmul %get3A_171, %get3A_174, %dot_general3A_175 {dimension_numbers = #tpu.dot_dimension_numbers<[1], [1], [0], [0], [0, 0, 1, 0], [], []>, precision = #tpu.contract_precision<fp32>, transpose_lhs_hint = false} : vector<128x128xf32>, vector<128x128xf32>, vector<128x128xf32> -> vector<128x128xf32>
    %add3A_177 = arith.addf %dot_general3A_168, %dot_general3A_176 : vector<128x128xf32>
    %get3A_178 = arith.constant 0 : index
    %get3A_179 = arith.constant 0 : index
    %get3A_180 = vector.load %arg8[%get3A_178, %get3A_179] : memref<1x128xf32, #tpu.memory_space<vmem>>, vector<1x128xf32>
    %add3A_181 = vector.broadcast %get3A_180 : vector<1x128xf32> to vector<128x128xf32>
    %add3A_182 = arith.addf %add3A_177, %add3A_181 : vector<128x128xf32>
    %max3A_183 = arith.constant 0.000000e+00 : f32
    %max3A_184 = vector.broadcast %max3A_183 : f32 to vector<128x128xf32>
    %max3A_185 = arith.maximumf %add3A_182, %max3A_184 : vector<128x128xf32>
    %mul3A_186 = arith.constant 1024 : i32
    %mul3A_187 = arith.muli %arg0, %mul3A_186 : i32
    %add3A_188 = arith.constant 256 : i32
    %add3A_189 = arith.addi %mul3A_187, %add3A_188 : i32
    %iota3A_190 = tpu.iota {dimensions = array<i32: 0>} : vector<128x1xi32>
    %add3A_191 = vector.broadcast %add3A_189 : i32 to vector<128x1xi32>
    %add3A_192 = arith.addi %add3A_191, %iota3A_190 : vector<128x1xi32>
    %lt3A_193 = arith.constant 10000 : i32
    %lt3A_194 = vector.broadcast %lt3A_193 : i32 to vector<128x1xi32>
    %lt3A_195 = arith.cmpi slt, %add3A_192, %lt3A_194 : vector<128x1xi32>
    %jit3A_196 = arith.constant 0.000000e+00 : f32
    %broadcast_in_dim3A_197 = vector.shape_cast %lt3A_195 : vector<128x1xi1> to vector<128x1xi1>
    %broadcast_in_dim3A_198 = vector.broadcast %broadcast_in_dim3A_197 : vector<128x1xi1> to vector<128x128xi1>
    %broadcast_in_dim3A_199 = vector.broadcast %jit3A_196 : f32 to vector<128x128xf32>
    %select_n3A_200 = arith.select %broadcast_in_dim3A_198, %max3A_185, %broadcast_in_dim3A_199 : vector<128x128xi1>, vector<128x128xf32>
    %get3A_201 = arith.constant 0 : index
    %get3A_202 = arith.constant 2 : index
    %get3A_203 = arith.constant 0 : index
    %get3A_204 = vector.load %arg5[%get3A_201, %get3A_202, %get3A_203] : memref<1x8x128xf32, #tpu.memory_space<vmem>>, vector<1x1x128xf32>
    %get3A_205 = vector.shape_cast %get3A_204 : vector<1x1x128xf32> to vector<1x128xf32>
    %get3A_206 = arith.constant 0 : index
    %get3A_207 = arith.constant 2 : index
    %get3A_208 = arith.constant 0 : index
    %get3A_209 = vector.load %arg6[%get3A_206, %get3A_207, %get3A_208] : memref<1x8x128xf32, #tpu.memory_space<vmem>>, vector<1x1x128xf32>
    %get3A_210 = vector.shape_cast %get3A_209 : vector<1x1x128xf32> to vector<1x128xf32>
    %add3A_211 = arith.addf %get3A_205, %get3A_210 : vector<1x128xf32>
    %reduce_sum3A_212 = arith.constant dense<0.000000e+00> : vector<128xf32>
    %reduce_sum3A_213 = vector.multi_reduction <add>, %select_n3A_200, %reduce_sum3A_212 [0] : vector<128x128xf32> to vector<128xf32>
    %broadcast_in_dim3A_214 = vector.shape_cast %reduce_sum3A_213 : vector<128xf32> to vector<1x128xf32>
    %add3A_215 = arith.addf %add3A_142, %broadcast_in_dim3A_214 : vector<1x128xf32>
    %dot_general3A_216 = arith.constant dense<0.000000e+00> : vector<1x128xf32>
    %dot_general3A_217 = tpu.matmul %add3A_211, %select_n3A_200, %dot_general3A_216 {dimension_numbers = #tpu.dot_dimension_numbers<[1], [0], [0], [1], [0, 0, 1, 1], [], []>, precision = #tpu.contract_precision<fp32>, transpose_lhs_hint = false} : vector<1x128xf32>, vector<128x128xf32>, vector<1x128xf32> -> vector<1x128xf32>
    %add3A_218 = arith.addf %add3A_145, %dot_general3A_217 : vector<1x128xf32>
    %get3A_219 = arith.constant 0 : index
    %get3A_220 = arith.constant 384 : index
    %get3A_221 = arith.constant 0 : index
    %get3A_222 = vector.load %arg2[%get3A_219, %get3A_220, %get3A_221] : memref<1x1024x128xf32, #tpu.memory_space<vmem>>, vector<1x128x128xf32>
    %get3A_223 = vector.shape_cast %get3A_222 : vector<1x128x128xf32> to vector<128x128xf32>
    %get3A_224 = arith.constant 0 : index
    %get3A_225 = arith.constant 384 : index
    %get3A_226 = arith.constant 0 : index
    %get3A_227 = vector.load %arg3[%get3A_224, %get3A_225, %get3A_226] : memref<1x1024x128xf32, #tpu.memory_space<vmem>>, vector<1x128x128xf32>
    %get3A_228 = vector.shape_cast %get3A_227 : vector<1x128x128xf32> to vector<128x128xf32>
    %add3A_229 = arith.addf %get3A_223, %get3A_228 : vector<128x128xf32>
    %get3A_230 = arith.constant 3 : index
    %get3A_231 = arith.constant 0 : index
    %get3A_232 = vector.load %arg4[%get3A_230, %get3A_231] : memref<8x128xf32, #tpu.memory_space<vmem>>, vector<1x128xf32>
    %mul3A_233 = vector.broadcast %get3A_232 : vector<1x128xf32> to vector<128x128xf32>
    %mul3A_234 = arith.mulf %convert_element_type3A_5, %mul3A_233 : vector<128x128xf32>
    %dot_general3A_235 = arith.constant dense<0.000000e+00> : vector<128x128xf32>
    %dot_general3A_236 = tpu.matmul %mul3A_234, %add3A_229, %dot_general3A_235 {dimension_numbers = #tpu.dot_dimension_numbers<[1], [0], [0], [1], [0, 0, 1, 1], [], []>, precision = #tpu.contract_precision<fp32>, transpose_lhs_hint = false} : vector<128x128xf32>, vector<128x128xf32>, vector<128x128xf32> -> vector<128x128xf32>
    %get3A_237 = arith.constant 0 : index
    %get3A_238 = arith.constant 0 : index
    %get3A_239 = vector.load %arg7[%get3A_237, %get3A_238] : memref<128x128xf32, #tpu.memory_space<vmem>>, vector<128x128xf32>
    %dot_general3A_240 = arith.constant dense<0.000000e+00> : vector<128x128xf32>
    %dot_general3A_241 = tpu.matmul %dot_general3A_236, %get3A_239, %dot_general3A_240 {dimension_numbers = #tpu.dot_dimension_numbers<[1], [1], [0], [0], [0, 0, 1, 0], [], []>, precision = #tpu.contract_precision<fp32>, transpose_lhs_hint = false} : vector<128x128xf32>, vector<128x128xf32>, vector<128x128xf32> -> vector<128x128xf32>
    %get3A_242 = arith.constant 384 : index
    %get3A_243 = arith.constant 0 : index
    %get3A_244 = vector.load %arg1[%get3A_242, %get3A_243] : memref<1024x128xf32, #tpu.memory_space<vmem>>, vector<128x128xf32>
    %get3A_245 = arith.constant 0 : index
    %get3A_246 = arith.constant 0 : index
    %get3A_247 = vector.load %arg9[%get3A_245, %get3A_246] : memref<128x128xf32, #tpu.memory_space<vmem>>, vector<128x128xf32>
    %dot_general3A_248 = arith.constant dense<0.000000e+00> : vector<128x128xf32>
    %dot_general3A_249 = tpu.matmul %get3A_244, %get3A_247, %dot_general3A_248 {dimension_numbers = #tpu.dot_dimension_numbers<[1], [1], [0], [0], [0, 0, 1, 0], [], []>, precision = #tpu.contract_precision<fp32>, transpose_lhs_hint = false} : vector<128x128xf32>, vector<128x128xf32>, vector<128x128xf32> -> vector<128x128xf32>
    %add3A_250 = arith.addf %dot_general3A_241, %dot_general3A_249 : vector<128x128xf32>
    %get3A_251 = arith.constant 0 : index
    %get3A_252 = arith.constant 0 : index
    %get3A_253 = vector.load %arg8[%get3A_251, %get3A_252] : memref<1x128xf32, #tpu.memory_space<vmem>>, vector<1x128xf32>
    %add3A_254 = vector.broadcast %get3A_253 : vector<1x128xf32> to vector<128x128xf32>
    %add3A_255 = arith.addf %add3A_250, %add3A_254 : vector<128x128xf32>
    %max3A_256 = arith.constant 0.000000e+00 : f32
    %max3A_257 = vector.broadcast %max3A_256 : f32 to vector<128x128xf32>
    %max3A_258 = arith.maximumf %add3A_255, %max3A_257 : vector<128x128xf32>
    %mul3A_259 = arith.constant 1024 : i32
    %mul3A_260 = arith.muli %arg0, %mul3A_259 : i32
    %add3A_261 = arith.constant 384 : i32
    %add3A_262 = arith.addi %mul3A_260, %add3A_261 : i32
    %iota3A_263 = tpu.iota {dimensions = array<i32: 0>} : vector<128x1xi32>
    %add3A_264 = vector.broadcast %add3A_262 : i32 to vector<128x1xi32>
    %add3A_265 = arith.addi %add3A_264, %iota3A_263 : vector<128x1xi32>
    %lt3A_266 = arith.constant 10000 : i32
    %lt3A_267 = vector.broadcast %lt3A_266 : i32 to vector<128x1xi32>
    %lt3A_268 = arith.cmpi slt, %add3A_265, %lt3A_267 : vector<128x1xi32>
    %jit3A_269 = arith.constant 0.000000e+00 : f32
    %broadcast_in_dim3A_270 = vector.shape_cast %lt3A_268 : vector<128x1xi1> to vector<128x1xi1>
    %broadcast_in_dim3A_271 = vector.broadcast %broadcast_in_dim3A_270 : vector<128x1xi1> to vector<128x128xi1>
    %broadcast_in_dim3A_272 = vector.broadcast %jit3A_269 : f32 to vector<128x128xf32>
    %select_n3A_273 = arith.select %broadcast_in_dim3A_271, %max3A_258, %broadcast_in_dim3A_272 : vector<128x128xi1>, vector<128x128xf32>
    %get3A_274 = arith.constant 0 : index
    %get3A_275 = arith.constant 3 : index
    %get3A_276 = arith.constant 0 : index
    %get3A_277 = vector.load %arg5[%get3A_274, %get3A_275, %get3A_276] : memref<1x8x128xf32, #tpu.memory_space<vmem>>, vector<1x1x128xf32>
    %get3A_278 = vector.shape_cast %get3A_277 : vector<1x1x128xf32> to vector<1x128xf32>
    %get3A_279 = arith.constant 0 : index
    %get3A_280 = arith.constant 3 : index
    %get3A_281 = arith.constant 0 : index
    %get3A_282 = vector.load %arg6[%get3A_279, %get3A_280, %get3A_281] : memref<1x8x128xf32, #tpu.memory_space<vmem>>, vector<1x1x128xf32>
    %get3A_283 = vector.shape_cast %get3A_282 : vector<1x1x128xf32> to vector<1x128xf32>
    %add3A_284 = arith.addf %get3A_278, %get3A_283 : vector<1x128xf32>
    %reduce_sum3A_285 = arith.constant dense<0.000000e+00> : vector<128xf32>
    %reduce_sum3A_286 = vector.multi_reduction <add>, %select_n3A_273, %reduce_sum3A_285 [0] : vector<128x128xf32> to vector<128xf32>
    %broadcast_in_dim3A_287 = vector.shape_cast %reduce_sum3A_286 : vector<128xf32> to vector<1x128xf32>
    %add3A_288 = arith.addf %add3A_215, %broadcast_in_dim3A_287 : vector<1x128xf32>
    %dot_general3A_289 = arith.constant dense<0.000000e+00> : vector<1x128xf32>
    %dot_general3A_290 = tpu.matmul %add3A_284, %select_n3A_273, %dot_general3A_289 {dimension_numbers = #tpu.dot_dimension_numbers<[1], [0], [0], [1], [0, 0, 1, 1], [], []>, precision = #tpu.contract_precision<fp32>, transpose_lhs_hint = false} : vector<1x128xf32>, vector<128x128xf32>, vector<1x128xf32> -> vector<1x128xf32>
    %add3A_291 = arith.addf %add3A_218, %dot_general3A_290 : vector<1x128xf32>
    %get3A_292 = arith.constant 0 : index
    %get3A_293 = arith.constant 512 : index
    %get3A_294 = arith.constant 0 : index
    %get3A_295 = vector.load %arg2[%get3A_292, %get3A_293, %get3A_294] : memref<1x1024x128xf32, #tpu.memory_space<vmem>>, vector<1x128x128xf32>
    %get3A_296 = vector.shape_cast %get3A_295 : vector<1x128x128xf32> to vector<128x128xf32>
    %get3A_297 = arith.constant 0 : index
    %get3A_298 = arith.constant 512 : index
    %get3A_299 = arith.constant 0 : index
    %get3A_300 = vector.load %arg3[%get3A_297, %get3A_298, %get3A_299] : memref<1x1024x128xf32, #tpu.memory_space<vmem>>, vector<1x128x128xf32>
    %get3A_301 = vector.shape_cast %get3A_300 : vector<1x128x128xf32> to vector<128x128xf32>
    %add3A_302 = arith.addf %get3A_296, %get3A_301 : vector<128x128xf32>
    %get3A_303 = arith.constant 4 : index
    %get3A_304 = arith.constant 0 : index
    %get3A_305 = vector.load %arg4[%get3A_303, %get3A_304] : memref<8x128xf32, #tpu.memory_space<vmem>>, vector<1x128xf32>
    %mul3A_306 = vector.broadcast %get3A_305 : vector<1x128xf32> to vector<128x128xf32>
    %mul3A_307 = arith.mulf %convert_element_type3A_5, %mul3A_306 : vector<128x128xf32>
    %dot_general3A_308 = arith.constant dense<0.000000e+00> : vector<128x128xf32>
    %dot_general3A_309 = tpu.matmul %mul3A_307, %add3A_302, %dot_general3A_308 {dimension_numbers = #tpu.dot_dimension_numbers<[1], [0], [0], [1], [0, 0, 1, 1], [], []>, precision = #tpu.contract_precision<fp32>, transpose_lhs_hint = false} : vector<128x128xf32>, vector<128x128xf32>, vector<128x128xf32> -> vector<128x128xf32>
    %get3A_310 = arith.constant 0 : index
    %get3A_311 = arith.constant 0 : index
    %get3A_312 = vector.load %arg7[%get3A_310, %get3A_311] : memref<128x128xf32, #tpu.memory_space<vmem>>, vector<128x128xf32>
    %dot_general3A_313 = arith.constant dense<0.000000e+00> : vector<128x128xf32>
    %dot_general3A_314 = tpu.matmul %dot_general3A_309, %get3A_312, %dot_general3A_313 {dimension_numbers = #tpu.dot_dimension_numbers<[1], [1], [0], [0], [0, 0, 1, 0], [], []>, precision = #tpu.contract_precision<fp32>, transpose_lhs_hint = false} : vector<128x128xf32>, vector<128x128xf32>, vector<128x128xf32> -> vector<128x128xf32>
    %get3A_315 = arith.constant 512 : index
    %get3A_316 = arith.constant 0 : index
    %get3A_317 = vector.load %arg1[%get3A_315, %get3A_316] : memref<1024x128xf32, #tpu.memory_space<vmem>>, vector<128x128xf32>
    %get3A_318 = arith.constant 0 : index
    %get3A_319 = arith.constant 0 : index
    %get3A_320 = vector.load %arg9[%get3A_318, %get3A_319] : memref<128x128xf32, #tpu.memory_space<vmem>>, vector<128x128xf32>
    %dot_general3A_321 = arith.constant dense<0.000000e+00> : vector<128x128xf32>
    %dot_general3A_322 = tpu.matmul %get3A_317, %get3A_320, %dot_general3A_321 {dimension_numbers = #tpu.dot_dimension_numbers<[1], [1], [0], [0], [0, 0, 1, 0], [], []>, precision = #tpu.contract_precision<fp32>, transpose_lhs_hint = false} : vector<128x128xf32>, vector<128x128xf32>, vector<128x128xf32> -> vector<128x128xf32>
    %add3A_323 = arith.addf %dot_general3A_314, %dot_general3A_322 : vector<128x128xf32>
    %get3A_324 = arith.constant 0 : index
    %get3A_325 = arith.constant 0 : index
    %get3A_326 = vector.load %arg8[%get3A_324, %get3A_325] : memref<1x128xf32, #tpu.memory_space<vmem>>, vector<1x128xf32>
    %add3A_327 = vector.broadcast %get3A_326 : vector<1x128xf32> to vector<128x128xf32>
    %add3A_328 = arith.addf %add3A_323, %add3A_327 : vector<128x128xf32>
    %max3A_329 = arith.constant 0.000000e+00 : f32
    %max3A_330 = vector.broadcast %max3A_329 : f32 to vector<128x128xf32>
    %max3A_331 = arith.maximumf %add3A_328, %max3A_330 : vector<128x128xf32>
    %mul3A_332 = arith.constant 1024 : i32
    %mul3A_333 = arith.muli %arg0, %mul3A_332 : i32
    %add3A_334 = arith.constant 512 : i32
    %add3A_335 = arith.addi %mul3A_333, %add3A_334 : i32
    %iota3A_336 = tpu.iota {dimensions = array<i32: 0>} : vector<128x1xi32>
    %add3A_337 = vector.broadcast %add3A_335 : i32 to vector<128x1xi32>
    %add3A_338 = arith.addi %add3A_337, %iota3A_336 : vector<128x1xi32>
    %lt3A_339 = arith.constant 10000 : i32
    %lt3A_340 = vector.broadcast %lt3A_339 : i32 to vector<128x1xi32>
    %lt3A_341 = arith.cmpi slt, %add3A_338, %lt3A_340 : vector<128x1xi32>
    %jit3A_342 = arith.constant 0.000000e+00 : f32
    %broadcast_in_dim3A_343 = vector.shape_cast %lt3A_341 : vector<128x1xi1> to vector<128x1xi1>
    %broadcast_in_dim3A_344 = vector.broadcast %broadcast_in_dim3A_343 : vector<128x1xi1> to vector<128x128xi1>
    %broadcast_in_dim3A_345 = vector.broadcast %jit3A_342 : f32 to vector<128x128xf32>
    %select_n3A_346 = arith.select %broadcast_in_dim3A_344, %max3A_331, %broadcast_in_dim3A_345 : vector<128x128xi1>, vector<128x128xf32>
    %get3A_347 = arith.constant 0 : index
    %get3A_348 = arith.constant 4 : index
    %get3A_349 = arith.constant 0 : index
    %get3A_350 = vector.load %arg5[%get3A_347, %get3A_348, %get3A_349] : memref<1x8x128xf32, #tpu.memory_space<vmem>>, vector<1x1x128xf32>
    %get3A_351 = vector.shape_cast %get3A_350 : vector<1x1x128xf32> to vector<1x128xf32>
    %get3A_352 = arith.constant 0 : index
    %get3A_353 = arith.constant 4 : index
    %get3A_354 = arith.constant 0 : index
    %get3A_355 = vector.load %arg6[%get3A_352, %get3A_353, %get3A_354] : memref<1x8x128xf32, #tpu.memory_space<vmem>>, vector<1x1x128xf32>
    %get3A_356 = vector.shape_cast %get3A_355 : vector<1x1x128xf32> to vector<1x128xf32>
    %add3A_357 = arith.addf %get3A_351, %get3A_356 : vector<1x128xf32>
    %reduce_sum3A_358 = arith.constant dense<0.000000e+00> : vector<128xf32>
    %reduce_sum3A_359 = vector.multi_reduction <add>, %select_n3A_346, %reduce_sum3A_358 [0] : vector<128x128xf32> to vector<128xf32>
    %broadcast_in_dim3A_360 = vector.shape_cast %reduce_sum3A_359 : vector<128xf32> to vector<1x128xf32>
    %add3A_361 = arith.addf %add3A_288, %broadcast_in_dim3A_360 : vector<1x128xf32>
    %dot_general3A_362 = arith.constant dense<0.000000e+00> : vector<1x128xf32>
    %dot_general3A_363 = tpu.matmul %add3A_357, %select_n3A_346, %dot_general3A_362 {dimension_numbers = #tpu.dot_dimension_numbers<[1], [0], [0], [1], [0, 0, 1, 1], [], []>, precision = #tpu.contract_precision<fp32>, transpose_lhs_hint = false} : vector<1x128xf32>, vector<128x128xf32>, vector<1x128xf32> -> vector<1x128xf32>
    %add3A_364 = arith.addf %add3A_291, %dot_general3A_363 : vector<1x128xf32>
    %get3A_365 = arith.constant 0 : index
    %get3A_366 = arith.constant 640 : index
    %get3A_367 = arith.constant 0 : index
    %get3A_368 = vector.load %arg2[%get3A_365, %get3A_366, %get3A_367] : memref<1x1024x128xf32, #tpu.memory_space<vmem>>, vector<1x128x128xf32>
    %get3A_369 = vector.shape_cast %get3A_368 : vector<1x128x128xf32> to vector<128x128xf32>
    %get3A_370 = arith.constant 0 : index
    %get3A_371 = arith.constant 640 : index
    %get3A_372 = arith.constant 0 : index
    %get3A_373 = vector.load %arg3[%get3A_370, %get3A_371, %get3A_372] : memref<1x1024x128xf32, #tpu.memory_space<vmem>>, vector<1x128x128xf32>
    %get3A_374 = vector.shape_cast %get3A_373 : vector<1x128x128xf32> to vector<128x128xf32>
    %add3A_375 = arith.addf %get3A_369, %get3A_374 : vector<128x128xf32>
    %get3A_376 = arith.constant 5 : index
    %get3A_377 = arith.constant 0 : index
    %get3A_378 = vector.load %arg4[%get3A_376, %get3A_377] : memref<8x128xf32, #tpu.memory_space<vmem>>, vector<1x128xf32>
    %mul3A_379 = vector.broadcast %get3A_378 : vector<1x128xf32> to vector<128x128xf32>
    %mul3A_380 = arith.mulf %convert_element_type3A_5, %mul3A_379 : vector<128x128xf32>
    %dot_general3A_381 = arith.constant dense<0.000000e+00> : vector<128x128xf32>
    %dot_general3A_382 = tpu.matmul %mul3A_380, %add3A_375, %dot_general3A_381 {dimension_numbers = #tpu.dot_dimension_numbers<[1], [0], [0], [1], [0, 0, 1, 1], [], []>, precision = #tpu.contract_precision<fp32>, transpose_lhs_hint = false} : vector<128x128xf32>, vector<128x128xf32>, vector<128x128xf32> -> vector<128x128xf32>
    %get3A_383 = arith.constant 0 : index
    %get3A_384 = arith.constant 0 : index
    %get3A_385 = vector.load %arg7[%get3A_383, %get3A_384] : memref<128x128xf32, #tpu.memory_space<vmem>>, vector<128x128xf32>
    %dot_general3A_386 = arith.constant dense<0.000000e+00> : vector<128x128xf32>
    %dot_general3A_387 = tpu.matmul %dot_general3A_382, %get3A_385, %dot_general3A_386 {dimension_numbers = #tpu.dot_dimension_numbers<[1], [1], [0], [0], [0, 0, 1, 0], [], []>, precision = #tpu.contract_precision<fp32>, transpose_lhs_hint = false} : vector<128x128xf32>, vector<128x128xf32>, vector<128x128xf32> -> vector<128x128xf32>
    %get3A_388 = arith.constant 640 : index
    %get3A_389 = arith.constant 0 : index
    %get3A_390 = vector.load %arg1[%get3A_388, %get3A_389] : memref<1024x128xf32, #tpu.memory_space<vmem>>, vector<128x128xf32>
    %get3A_391 = arith.constant 0 : index
    %get3A_392 = arith.constant 0 : index
    %get3A_393 = vector.load %arg9[%get3A_391, %get3A_392] : memref<128x128xf32, #tpu.memory_space<vmem>>, vector<128x128xf32>
    %dot_general3A_394 = arith.constant dense<0.000000e+00> : vector<128x128xf32>
    %dot_general3A_395 = tpu.matmul %get3A_390, %get3A_393, %dot_general3A_394 {dimension_numbers = #tpu.dot_dimension_numbers<[1], [1], [0], [0], [0, 0, 1, 0], [], []>, precision = #tpu.contract_precision<fp32>, transpose_lhs_hint = false} : vector<128x128xf32>, vector<128x128xf32>, vector<128x128xf32> -> vector<128x128xf32>
    %add3A_396 = arith.addf %dot_general3A_387, %dot_general3A_395 : vector<128x128xf32>
    %get3A_397 = arith.constant 0 : index
    %get3A_398 = arith.constant 0 : index
    %get3A_399 = vector.load %arg8[%get3A_397, %get3A_398] : memref<1x128xf32, #tpu.memory_space<vmem>>, vector<1x128xf32>
    %add3A_400 = vector.broadcast %get3A_399 : vector<1x128xf32> to vector<128x128xf32>
    %add3A_401 = arith.addf %add3A_396, %add3A_400 : vector<128x128xf32>
    %max3A_402 = arith.constant 0.000000e+00 : f32
    %max3A_403 = vector.broadcast %max3A_402 : f32 to vector<128x128xf32>
    %max3A_404 = arith.maximumf %add3A_401, %max3A_403 : vector<128x128xf32>
    %mul3A_405 = arith.constant 1024 : i32
    %mul3A_406 = arith.muli %arg0, %mul3A_405 : i32
    %add3A_407 = arith.constant 640 : i32
    %add3A_408 = arith.addi %mul3A_406, %add3A_407 : i32
    %iota3A_409 = tpu.iota {dimensions = array<i32: 0>} : vector<128x1xi32>
    %add3A_410 = vector.broadcast %add3A_408 : i32 to vector<128x1xi32>
    %add3A_411 = arith.addi %add3A_410, %iota3A_409 : vector<128x1xi32>
    %lt3A_412 = arith.constant 10000 : i32
    %lt3A_413 = vector.broadcast %lt3A_412 : i32 to vector<128x1xi32>
    %lt3A_414 = arith.cmpi slt, %add3A_411, %lt3A_413 : vector<128x1xi32>
    %jit3A_415 = arith.constant 0.000000e+00 : f32
    %broadcast_in_dim3A_416 = vector.shape_cast %lt3A_414 : vector<128x1xi1> to vector<128x1xi1>
    %broadcast_in_dim3A_417 = vector.broadcast %broadcast_in_dim3A_416 : vector<128x1xi1> to vector<128x128xi1>
    %broadcast_in_dim3A_418 = vector.broadcast %jit3A_415 : f32 to vector<128x128xf32>
    %select_n3A_419 = arith.select %broadcast_in_dim3A_417, %max3A_404, %broadcast_in_dim3A_418 : vector<128x128xi1>, vector<128x128xf32>
    %get3A_420 = arith.constant 0 : index
    %get3A_421 = arith.constant 5 : index
    %get3A_422 = arith.constant 0 : index
    %get3A_423 = vector.load %arg5[%get3A_420, %get3A_421, %get3A_422] : memref<1x8x128xf32, #tpu.memory_space<vmem>>, vector<1x1x128xf32>
    %get3A_424 = vector.shape_cast %get3A_423 : vector<1x1x128xf32> to vector<1x128xf32>
    %get3A_425 = arith.constant 0 : index
    %get3A_426 = arith.constant 5 : index
    %get3A_427 = arith.constant 0 : index
    %get3A_428 = vector.load %arg6[%get3A_425, %get3A_426, %get3A_427] : memref<1x8x128xf32, #tpu.memory_space<vmem>>, vector<1x1x128xf32>
    %get3A_429 = vector.shape_cast %get3A_428 : vector<1x1x128xf32> to vector<1x128xf32>
    %add3A_430 = arith.addf %get3A_424, %get3A_429 : vector<1x128xf32>
    %reduce_sum3A_431 = arith.constant dense<0.000000e+00> : vector<128xf32>
    %reduce_sum3A_432 = vector.multi_reduction <add>, %select_n3A_419, %reduce_sum3A_431 [0] : vector<128x128xf32> to vector<128xf32>
    %broadcast_in_dim3A_433 = vector.shape_cast %reduce_sum3A_432 : vector<128xf32> to vector<1x128xf32>
    %add3A_434 = arith.addf %add3A_361, %broadcast_in_dim3A_433 : vector<1x128xf32>
    %dot_general3A_435 = arith.constant dense<0.000000e+00> : vector<1x128xf32>
    %dot_general3A_436 = tpu.matmul %add3A_430, %select_n3A_419, %dot_general3A_435 {dimension_numbers = #tpu.dot_dimension_numbers<[1], [0], [0], [1], [0, 0, 1, 1], [], []>, precision = #tpu.contract_precision<fp32>, transpose_lhs_hint = false} : vector<1x128xf32>, vector<128x128xf32>, vector<1x128xf32> -> vector<1x128xf32>
    %add3A_437 = arith.addf %add3A_364, %dot_general3A_436 : vector<1x128xf32>
    %get3A_438 = arith.constant 0 : index
    %get3A_439 = arith.constant 768 : index
    %get3A_440 = arith.constant 0 : index
    %get3A_441 = vector.load %arg2[%get3A_438, %get3A_439, %get3A_440] : memref<1x1024x128xf32, #tpu.memory_space<vmem>>, vector<1x128x128xf32>
    %get3A_442 = vector.shape_cast %get3A_441 : vector<1x128x128xf32> to vector<128x128xf32>
    %get3A_443 = arith.constant 0 : index
    %get3A_444 = arith.constant 768 : index
    %get3A_445 = arith.constant 0 : index
    %get3A_446 = vector.load %arg3[%get3A_443, %get3A_444, %get3A_445] : memref<1x1024x128xf32, #tpu.memory_space<vmem>>, vector<1x128x128xf32>
    %get3A_447 = vector.shape_cast %get3A_446 : vector<1x128x128xf32> to vector<128x128xf32>
    %add3A_448 = arith.addf %get3A_442, %get3A_447 : vector<128x128xf32>
    %get3A_449 = arith.constant 6 : index
    %get3A_450 = arith.constant 0 : index
    %get3A_451 = vector.load %arg4[%get3A_449, %get3A_450] : memref<8x128xf32, #tpu.memory_space<vmem>>, vector<1x128xf32>
    %mul3A_452 = vector.broadcast %get3A_451 : vector<1x128xf32> to vector<128x128xf32>
    %mul3A_453 = arith.mulf %convert_element_type3A_5, %mul3A_452 : vector<128x128xf32>
    %dot_general3A_454 = arith.constant dense<0.000000e+00> : vector<128x128xf32>
    %dot_general3A_455 = tpu.matmul %mul3A_453, %add3A_448, %dot_general3A_454 {dimension_numbers = #tpu.dot_dimension_numbers<[1], [0], [0], [1], [0, 0, 1, 1], [], []>, precision = #tpu.contract_precision<fp32>, transpose_lhs_hint = false} : vector<128x128xf32>, vector<128x128xf32>, vector<128x128xf32> -> vector<128x128xf32>
    %get3A_456 = arith.constant 0 : index
    %get3A_457 = arith.constant 0 : index
    %get3A_458 = vector.load %arg7[%get3A_456, %get3A_457] : memref<128x128xf32, #tpu.memory_space<vmem>>, vector<128x128xf32>
    %dot_general3A_459 = arith.constant dense<0.000000e+00> : vector<128x128xf32>
    %dot_general3A_460 = tpu.matmul %dot_general3A_455, %get3A_458, %dot_general3A_459 {dimension_numbers = #tpu.dot_dimension_numbers<[1], [1], [0], [0], [0, 0, 1, 0], [], []>, precision = #tpu.contract_precision<fp32>, transpose_lhs_hint = false} : vector<128x128xf32>, vector<128x128xf32>, vector<128x128xf32> -> vector<128x128xf32>
    %get3A_461 = arith.constant 768 : index
    %get3A_462 = arith.constant 0 : index
    %get3A_463 = vector.load %arg1[%get3A_461, %get3A_462] : memref<1024x128xf32, #tpu.memory_space<vmem>>, vector<128x128xf32>
    %get3A_464 = arith.constant 0 : index
    %get3A_465 = arith.constant 0 : index
    %get3A_466 = vector.load %arg9[%get3A_464, %get3A_465] : memref<128x128xf32, #tpu.memory_space<vmem>>, vector<128x128xf32>
    %dot_general3A_467 = arith.constant dense<0.000000e+00> : vector<128x128xf32>
    %dot_general3A_468 = tpu.matmul %get3A_463, %get3A_466, %dot_general3A_467 {dimension_numbers = #tpu.dot_dimension_numbers<[1], [1], [0], [0], [0, 0, 1, 0], [], []>, precision = #tpu.contract_precision<fp32>, transpose_lhs_hint = false} : vector<128x128xf32>, vector<128x128xf32>, vector<128x128xf32> -> vector<128x128xf32>
    %add3A_469 = arith.addf %dot_general3A_460, %dot_general3A_468 : vector<128x128xf32>
    %get3A_470 = arith.constant 0 : index
    %get3A_471 = arith.constant 0 : index
    %get3A_472 = vector.load %arg8[%get3A_470, %get3A_471] : memref<1x128xf32, #tpu.memory_space<vmem>>, vector<1x128xf32>
    %add3A_473 = vector.broadcast %get3A_472 : vector<1x128xf32> to vector<128x128xf32>
    %add3A_474 = arith.addf %add3A_469, %add3A_473 : vector<128x128xf32>
    %max3A_475 = arith.constant 0.000000e+00 : f32
    %max3A_476 = vector.broadcast %max3A_475 : f32 to vector<128x128xf32>
    %max3A_477 = arith.maximumf %add3A_474, %max3A_476 : vector<128x128xf32>
    %mul3A_478 = arith.constant 1024 : i32
    %mul3A_479 = arith.muli %arg0, %mul3A_478 : i32
    %add3A_480 = arith.constant 768 : i32
    %add3A_481 = arith.addi %mul3A_479, %add3A_480 : i32
    %iota3A_482 = tpu.iota {dimensions = array<i32: 0>} : vector<128x1xi32>
    %add3A_483 = vector.broadcast %add3A_481 : i32 to vector<128x1xi32>
    %add3A_484 = arith.addi %add3A_483, %iota3A_482 : vector<128x1xi32>
    %lt3A_485 = arith.constant 10000 : i32
    %lt3A_486 = vector.broadcast %lt3A_485 : i32 to vector<128x1xi32>
    %lt3A_487 = arith.cmpi slt, %add3A_484, %lt3A_486 : vector<128x1xi32>
    %jit3A_488 = arith.constant 0.000000e+00 : f32
    %broadcast_in_dim3A_489 = vector.shape_cast %lt3A_487 : vector<128x1xi1> to vector<128x1xi1>
    %broadcast_in_dim3A_490 = vector.broadcast %broadcast_in_dim3A_489 : vector<128x1xi1> to vector<128x128xi1>
    %broadcast_in_dim3A_491 = vector.broadcast %jit3A_488 : f32 to vector<128x128xf32>
    %select_n3A_492 = arith.select %broadcast_in_dim3A_490, %max3A_477, %broadcast_in_dim3A_491 : vector<128x128xi1>, vector<128x128xf32>
    %get3A_493 = arith.constant 0 : index
    %get3A_494 = arith.constant 6 : index
    %get3A_495 = arith.constant 0 : index
    %get3A_496 = vector.load %arg5[%get3A_493, %get3A_494, %get3A_495] : memref<1x8x128xf32, #tpu.memory_space<vmem>>, vector<1x1x128xf32>
    %get3A_497 = vector.shape_cast %get3A_496 : vector<1x1x128xf32> to vector<1x128xf32>
    %get3A_498 = arith.constant 0 : index
    %get3A_499 = arith.constant 6 : index
    %get3A_500 = arith.constant 0 : index
    %get3A_501 = vector.load %arg6[%get3A_498, %get3A_499, %get3A_500] : memref<1x8x128xf32, #tpu.memory_space<vmem>>, vector<1x1x128xf32>
    %get3A_502 = vector.shape_cast %get3A_501 : vector<1x1x128xf32> to vector<1x128xf32>
    %add3A_503 = arith.addf %get3A_497, %get3A_502 : vector<1x128xf32>
    %reduce_sum3A_504 = arith.constant dense<0.000000e+00> : vector<128xf32>
    %reduce_sum3A_505 = vector.multi_reduction <add>, %select_n3A_492, %reduce_sum3A_504 [0] : vector<128x128xf32> to vector<128xf32>
    %broadcast_in_dim3A_506 = vector.shape_cast %reduce_sum3A_505 : vector<128xf32> to vector<1x128xf32>
    %add3A_507 = arith.addf %add3A_434, %broadcast_in_dim3A_506 : vector<1x128xf32>
    %dot_general3A_508 = arith.constant dense<0.000000e+00> : vector<1x128xf32>
    %dot_general3A_509 = tpu.matmul %add3A_503, %select_n3A_492, %dot_general3A_508 {dimension_numbers = #tpu.dot_dimension_numbers<[1], [0], [0], [1], [0, 0, 1, 1], [], []>, precision = #tpu.contract_precision<fp32>, transpose_lhs_hint = false} : vector<1x128xf32>, vector<128x128xf32>, vector<1x128xf32> -> vector<1x128xf32>
    %add3A_510 = arith.addf %add3A_437, %dot_general3A_509 : vector<1x128xf32>
    %get3A_511 = arith.constant 0 : index
    %get3A_512 = arith.constant 896 : index
    %get3A_513 = arith.constant 0 : index
    %get3A_514 = vector.load %arg2[%get3A_511, %get3A_512, %get3A_513] : memref<1x1024x128xf32, #tpu.memory_space<vmem>>, vector<1x128x128xf32>
    %get3A_515 = vector.shape_cast %get3A_514 : vector<1x128x128xf32> to vector<128x128xf32>
    %get3A_516 = arith.constant 0 : index
    %get3A_517 = arith.constant 896 : index
    %get3A_518 = arith.constant 0 : index
    %get3A_519 = vector.load %arg3[%get3A_516, %get3A_517, %get3A_518] : memref<1x1024x128xf32, #tpu.memory_space<vmem>>, vector<1x128x128xf32>
    %get3A_520 = vector.shape_cast %get3A_519 : vector<1x128x128xf32> to vector<128x128xf32>
    %add3A_521 = arith.addf %get3A_515, %get3A_520 : vector<128x128xf32>
    %get3A_522 = arith.constant 7 : index
    %get3A_523 = arith.constant 0 : index
    %get3A_524 = vector.load %arg4[%get3A_522, %get3A_523] : memref<8x128xf32, #tpu.memory_space<vmem>>, vector<1x128xf32>
    %mul3A_525 = vector.broadcast %get3A_524 : vector<1x128xf32> to vector<128x128xf32>
    %mul3A_526 = arith.mulf %convert_element_type3A_5, %mul3A_525 : vector<128x128xf32>
    %dot_general3A_527 = arith.constant dense<0.000000e+00> : vector<128x128xf32>
    %dot_general3A_528 = tpu.matmul %mul3A_526, %add3A_521, %dot_general3A_527 {dimension_numbers = #tpu.dot_dimension_numbers<[1], [0], [0], [1], [0, 0, 1, 1], [], []>, precision = #tpu.contract_precision<fp32>, transpose_lhs_hint = false} : vector<128x128xf32>, vector<128x128xf32>, vector<128x128xf32> -> vector<128x128xf32>
    %get3A_529 = arith.constant 0 : index
    %get3A_530 = arith.constant 0 : index
    %get3A_531 = vector.load %arg7[%get3A_529, %get3A_530] : memref<128x128xf32, #tpu.memory_space<vmem>>, vector<128x128xf32>
    %dot_general3A_532 = arith.constant dense<0.000000e+00> : vector<128x128xf32>
    %dot_general3A_533 = tpu.matmul %dot_general3A_528, %get3A_531, %dot_general3A_532 {dimension_numbers = #tpu.dot_dimension_numbers<[1], [1], [0], [0], [0, 0, 1, 0], [], []>, precision = #tpu.contract_precision<fp32>, transpose_lhs_hint = false} : vector<128x128xf32>, vector<128x128xf32>, vector<128x128xf32> -> vector<128x128xf32>
    %get3A_534 = arith.constant 896 : index
    %get3A_535 = arith.constant 0 : index
    %get3A_536 = vector.load %arg1[%get3A_534, %get3A_535] : memref<1024x128xf32, #tpu.memory_space<vmem>>, vector<128x128xf32>
    %get3A_537 = arith.constant 0 : index
    %get3A_538 = arith.constant 0 : index
    %get3A_539 = vector.load %arg9[%get3A_537, %get3A_538] : memref<128x128xf32, #tpu.memory_space<vmem>>, vector<128x128xf32>
    %dot_general3A_540 = arith.constant dense<0.000000e+00> : vector<128x128xf32>
    %dot_general3A_541 = tpu.matmul %get3A_536, %get3A_539, %dot_general3A_540 {dimension_numbers = #tpu.dot_dimension_numbers<[1], [1], [0], [0], [0, 0, 1, 0], [], []>, precision = #tpu.contract_precision<fp32>, transpose_lhs_hint = false} : vector<128x128xf32>, vector<128x128xf32>, vector<128x128xf32> -> vector<128x128xf32>
    %add3A_542 = arith.addf %dot_general3A_533, %dot_general3A_541 : vector<128x128xf32>
    %get3A_543 = arith.constant 0 : index
    %get3A_544 = arith.constant 0 : index
    %get3A_545 = vector.load %arg8[%get3A_543, %get3A_544] : memref<1x128xf32, #tpu.memory_space<vmem>>, vector<1x128xf32>
    %add3A_546 = vector.broadcast %get3A_545 : vector<1x128xf32> to vector<128x128xf32>
    %add3A_547 = arith.addf %add3A_542, %add3A_546 : vector<128x128xf32>
    %max3A_548 = arith.constant 0.000000e+00 : f32
    %max3A_549 = vector.broadcast %max3A_548 : f32 to vector<128x128xf32>
    %max3A_550 = arith.maximumf %add3A_547, %max3A_549 : vector<128x128xf32>
    %mul3A_551 = arith.constant 1024 : i32
    %mul3A_552 = arith.muli %arg0, %mul3A_551 : i32
    %add3A_553 = arith.constant 896 : i32
    %add3A_554 = arith.addi %mul3A_552, %add3A_553 : i32
    %iota3A_555 = tpu.iota {dimensions = array<i32: 0>} : vector<128x1xi32>
    %add3A_556 = vector.broadcast %add3A_554 : i32 to vector<128x1xi32>
    %add3A_557 = arith.addi %add3A_556, %iota3A_555 : vector<128x1xi32>
    %lt3A_558 = arith.constant 10000 : i32
    %lt3A_559 = vector.broadcast %lt3A_558 : i32 to vector<128x1xi32>
    %lt3A_560 = arith.cmpi slt, %add3A_557, %lt3A_559 : vector<128x1xi32>
    %jit3A_561 = arith.constant 0.000000e+00 : f32
    %broadcast_in_dim3A_562 = vector.shape_cast %lt3A_560 : vector<128x1xi1> to vector<128x1xi1>
    %broadcast_in_dim3A_563 = vector.broadcast %broadcast_in_dim3A_562 : vector<128x1xi1> to vector<128x128xi1>
    %broadcast_in_dim3A_564 = vector.broadcast %jit3A_561 : f32 to vector<128x128xf32>
    %select_n3A_565 = arith.select %broadcast_in_dim3A_563, %max3A_550, %broadcast_in_dim3A_564 : vector<128x128xi1>, vector<128x128xf32>
    %get3A_566 = arith.constant 0 : index
    %get3A_567 = arith.constant 7 : index
    %get3A_568 = arith.constant 0 : index
    %get3A_569 = vector.load %arg5[%get3A_566, %get3A_567, %get3A_568] : memref<1x8x128xf32, #tpu.memory_space<vmem>>, vector<1x1x128xf32>
    %get3A_570 = vector.shape_cast %get3A_569 : vector<1x1x128xf32> to vector<1x128xf32>
    %get3A_571 = arith.constant 0 : index
    %get3A_572 = arith.constant 7 : index
    %get3A_573 = arith.constant 0 : index
    %get3A_574 = vector.load %arg6[%get3A_571, %get3A_572, %get3A_573] : memref<1x8x128xf32, #tpu.memory_space<vmem>>, vector<1x1x128xf32>
    %get3A_575 = vector.shape_cast %get3A_574 : vector<1x1x128xf32> to vector<1x128xf32>
    %add3A_576 = arith.addf %get3A_570, %get3A_575 : vector<1x128xf32>
    %reduce_sum3A_577 = arith.constant dense<0.000000e+00> : vector<128xf32>
    %reduce_sum3A_578 = vector.multi_reduction <add>, %select_n3A_565, %reduce_sum3A_577 [0] : vector<128x128xf32> to vector<128xf32>
    %broadcast_in_dim3A_579 = vector.shape_cast %reduce_sum3A_578 : vector<128xf32> to vector<1x128xf32>
    %add3A_580 = arith.addf %add3A_507, %broadcast_in_dim3A_579 : vector<1x128xf32>
    %dot_general3A_581 = arith.constant dense<0.000000e+00> : vector<1x128xf32>
    %dot_general3A_582 = tpu.matmul %add3A_576, %select_n3A_565, %dot_general3A_581 {dimension_numbers = #tpu.dot_dimension_numbers<[1], [0], [0], [1], [0, 0, 1, 1], [], []>, precision = #tpu.contract_precision<fp32>, transpose_lhs_hint = false} : vector<1x128xf32>, vector<128x128xf32>, vector<1x128xf32> -> vector<1x128xf32>
    %add3A_583 = arith.addf %add3A_510, %dot_general3A_582 : vector<1x128xf32>
    %get3A_584 = arith.constant 0 : index
    %get3A_585 = arith.constant 0 : index
    %get3A_586 = vector.load %arg14[%get3A_584, %get3A_585] : memref<1x128xf32, #tpu.memory_space<vmem>>, vector<1x128xf32>
    %add3A_587 = arith.addf %get3A_586, %add3A_580 : vector<1x128xf32>
    %swap3A = arith.constant 0 : index
    %swap3A_588 = arith.constant 0 : index
    %swap3A_589 = vector.load %arg14[%swap3A, %swap3A_588] : memref<1x128xf32, #tpu.memory_space<vmem>>, vector<1x128xf32>
    tpu.vector_store %arg14[%swap3A, %swap3A_588], %add3A_587 {strides = array<i32>} : memref<1x128xf32, #tpu.memory_space<vmem>>, vector<1x128xf32>,
    %get3A_590 = arith.constant 0 : index
    %get3A_591 = arith.constant 0 : index
    %get3A_592 = vector.load %arg15[%get3A_590, %get3A_591] : memref<1x128xf32, #tpu.memory_space<vmem>>, vector<1x128xf32>
    %add3A_593 = arith.addf %get3A_592, %add3A_583 : vector<1x128xf32>
    %swap3A_594 = arith.constant 0 : index
    %swap3A_595 = arith.constant 0 : index
    %swap3A_596 = vector.load %arg15[%swap3A_594, %swap3A_595] : memref<1x128xf32, #tpu.memory_space<vmem>>, vector<1x128xf32>
    tpu.vector_store %arg15[%swap3A_594, %swap3A_595], %add3A_593 {strides = array<i32>} : memref<1x128xf32, #tpu.memory_space<vmem>>, vector<1x128xf32>,
    %eq3A_597 = arith.constant 9 : i32
    %eq3A_598 = arith.cmpi eq, %arg0, %eq3A_597 : i32
    %convert_element_type3A_599 = arith.extui %eq3A_598 : i1 to i32
    %cond3A_600 = arith.constant 0 : i32
    %cond3A_601 = arith.cmpi ne, %convert_element_type3A_599, %cond3A_600 : i32
    scf.if %cond3A_601 {
      %get3A_602 = arith.constant 0 : index
      %get3A_603 = arith.constant 0 : index
      %get3A_604 = vector.load %arg15[%get3A_602, %get3A_603] : memref<1x128xf32, #tpu.memory_space<vmem>>, vector<1x128xf32>
      %mul3A_605 = arith.constant 9.99999974E-5 : f32
      %mul3A_606 = vector.broadcast %mul3A_605 : f32 to vector<1x128xf32>
      %mul3A_607 = arith.mulf %get3A_604, %mul3A_606 : vector<1x128xf32>
      %get3A_608 = arith.constant 0 : index
      %get3A_609 = arith.constant 0 : index
      %get3A_610 = vector.load %arg10[%get3A_608, %get3A_609] : memref<16x128xf32, #tpu.memory_space<vmem>>, vector<16x128xf32>
      %dot_general3A_611 = arith.constant dense<0.000000e+00> : vector<1x16xf32>
      %dot_general3A_612 = tpu.matmul %mul3A_607, %get3A_610, %dot_general3A_611 {dimension_numbers = #tpu.dot_dimension_numbers<[1], [1], [0], [0], [0, 0, 1, 0], [], []>, precision = #tpu.contract_precision<fp32>, transpose_lhs_hint = false} : vector<1x128xf32>, vector<16x128xf32>, vector<1x16xf32> -> vector<1x16xf32>
      %get3A_613 = arith.constant 0 : index
      %get3A_614 = arith.constant 0 : index
      %get3A_615 = vector.load %arg14[%get3A_613, %get3A_614] : memref<1x128xf32, #tpu.memory_space<vmem>>, vector<1x128xf32>
      %mul3A_616 = arith.constant 9.99999974E-5 : f32
      %mul3A_617 = vector.broadcast %mul3A_616 : f32 to vector<1x128xf32>
      %mul3A_618 = arith.mulf %get3A_615, %mul3A_617 : vector<1x128xf32>
      %get3A_619 = arith.constant 0 : index
      %get3A_620 = arith.constant 0 : index
      %get3A_621 = vector.load %arg12[%get3A_619, %get3A_620] : memref<16x128xf32, #tpu.memory_space<vmem>>, vector<16x128xf32>
      %dot_general3A_622 = arith.constant dense<0.000000e+00> : vector<1x16xf32>
      %dot_general3A_623 = tpu.matmul %mul3A_618, %get3A_621, %dot_general3A_622 {dimension_numbers = #tpu.dot_dimension_numbers<[1], [1], [0], [0], [0, 0, 1, 0], [], []>, precision = #tpu.contract_precision<fp32>, transpose_lhs_hint = false} : vector<1x128xf32>, vector<16x128xf32>, vector<1x16xf32> -> vector<1x16xf32>
      %add3A_624 = arith.addf %dot_general3A_612, %dot_general3A_623 : vector<1x16xf32>
      %get3A_625 = arith.constant 0 : index
      %get3A_626 = arith.constant 0 : index
      %get3A_627 = vector.load %arg11[%get3A_625, %get3A_626] : memref<1x16xf32, #tpu.memory_space<vmem>>, vector<1x16xf32>
      %add3A_628 = arith.addf %add3A_624, %get3A_627 : vector<1x16xf32>
      %reduce_max3A = arith.constant dense<0xFF800000> : vector<1xf32>
      %reduce_max3A_629 = vector.multi_reduction <maximumf>, %add3A_628, %reduce_max3A [1] : vector<1x16xf32> to vector<1xf32>
      %broadcast_in_dim3A_630 = vector.shape_cast %reduce_max3A_629 : vector<1xf32> to vector<1x1xf32>
      %sub3A = vector.broadcast %broadcast_in_dim3A_630 : vector<1x1xf32> to vector<1x16xf32>
      %sub3A_631 = arith.subf %add3A_628, %sub3A : vector<1x16xf32>
      %exp3A = math.exp %sub3A_631 : vector<1x16xf32>
      %reduce_sum3A_632 = arith.constant dense<0.000000e+00> : vector<1xf32>
      %reduce_sum3A_633 = vector.multi_reduction <add>, %exp3A, %reduce_sum3A_632 [1] : vector<1x16xf32> to vector<1xf32>
      %broadcast_in_dim3A_634 = vector.shape_cast %reduce_sum3A_633 : vector<1xf32> to vector<1x1xf32>
      %div3A = vector.broadcast %broadcast_in_dim3A_634 : vector<1x1xf32> to vector<1x16xf32>
      %div3A_635 = arith.divf %exp3A, %div3A : vector<1x16xf32>
      %swap3A_636 = arith.constant 0 : index
      %swap3A_637 = arith.constant 0 : index
      %swap3A_638 = vector.load %arg13[%swap3A_636, %swap3A_637] : memref<1x16xf32, #tpu.memory_space<vmem>>, vector<1x16xf32>
      tpu.vector_store %arg13[%swap3A_636, %swap3A_637], %div3A_635 {strides = array<i32>} : memref<1x16xf32, #tpu.memory_space<vmem>>, vector<1x16xf32>,
    } else {
    }
    return
  }
  func.func @transform_0(%arg0: i32) -> (i32, i32) {
    %c0_i32 = arith.constant 0 : i32
    %c0_i32_0 = arith.constant 0 : i32
    return %arg0, %c0_i32 : i32, i32
  }
  func.func @transform_1(%arg0: i32) -> (i32, i32, i32) {
    %c0_i32 = arith.constant 0 : i32
    %c0_i32_0 = arith.constant 0 : i32
    %c0_i32_1 = arith.constant 0 : i32
    return %c0_i32, %arg0, %c0_i32_0 : i32, i32, i32
  }
  func.func @transform_2(%arg0: i32) -> (i32, i32, i32) {
    %c1_i32 = arith.constant 1 : i32
    %c0_i32 = arith.constant 0 : i32
    %c0_i32_0 = arith.constant 0 : i32
    return %c1_i32, %arg0, %c0_i32 : i32, i32, i32
  }
  func.func @transform_3(%arg0: i32) -> (i32, i32) {
    %c0_i32 = arith.constant 0 : i32
    %c0_i32_0 = arith.constant 0 : i32
    return %arg0, %c0_i32 : i32, i32
  }
  func.func @transform_4(%arg0: i32) -> (i32, i32, i32) {
    %c0_i32 = arith.constant 0 : i32
    %c0_i32_0 = arith.constant 0 : i32
    %c0_i32_1 = arith.constant 0 : i32
    return %c0_i32, %arg0, %c0_i32_0 : i32, i32, i32
  }
  func.func @transform_5(%arg0: i32) -> (i32, i32, i32) {
    %c1_i32 = arith.constant 1 : i32
    %c0_i32 = arith.constant 0 : i32
    %c0_i32_0 = arith.constant 0 : i32
    return %c1_i32, %arg0, %c0_i32 : i32, i32, i32
  }
  func.func @transform_6(%arg0: i32) -> (i32, i32) {
    %c0_i32 = arith.constant 0 : i32
    %c0_i32_0 = arith.constant 0 : i32
    %c0_i32_1 = arith.constant 0 : i32
    return %c0_i32, %c0_i32_0 : i32, i32
  }
  func.func @transform_7(%arg0: i32) -> (i32, i32) {
    %c0_i32 = arith.constant 0 : i32
    %c0_i32_0 = arith.constant 0 : i32
    %c0_i32_1 = arith.constant 0 : i32
    return %c0_i32, %c0_i32_0 : i32, i32
  }
  func.func @transform_8(%arg0: i32) -> (i32, i32) {
    %c0_i32 = arith.constant 0 : i32
    %c0_i32_0 = arith.constant 0 : i32
    %c0_i32_1 = arith.constant 0 : i32
    return %c0_i32, %c0_i32_0 : i32, i32
  }
  func.func @transform_9(%arg0: i32) -> (i32, i32) {
    %c0_i32 = arith.constant 0 : i32
    %c0_i32_0 = arith.constant 0 : i32
    %c0_i32_1 = arith.constant 0 : i32
    return %c0_i32, %c0_i32_0 : i32, i32
  }
  func.func @transform_10(%arg0: i32) -> (i32, i32) {
    %c0_i32 = arith.constant 0 : i32
    %c0_i32_0 = arith.constant 0 : i32
    %c0_i32_1 = arith.constant 0 : i32
    return %c0_i32, %c0_i32_0 : i32, i32
  }
  func.func @transform_11(%arg0: i32) -> (i32, i32) {
    %c0_i32 = arith.constant 0 : i32
    %c0_i32_0 = arith.constant 0 : i32
    %c0_i32_1 = arith.constant 0 : i32
    return %c0_i32, %c0_i32_0 : i32, i32
  }
  func.func @transform_12(%arg0: i32) -> (i32, i32) {
    %c0_i32 = arith.constant 0 : i32
    %c0_i32_0 = arith.constant 0 : i32
    %c0_i32_1 = arith.constant 0 : i32
    return %c0_i32, %c0_i32_0 : i32, i32
  }
}

</mosaic_0001>

<sc_bundles>
// kernel: kernel.4.cloned.1.call-start
scs
__scs_entry_jumppad:
0x0: {  	(pc) =	sbr.rel $0x88, $3  }
0x1: {  	(tag) =	ssettag $0x0;
	lr =	simm.s32 $0x1  }
0x2: {  	[smem:$0x3F99] =	sst lr;
	_ =	strace $0xD0000000  }
0x3: {  	_ = 	snop  }
0x4: {  	_ = 	snop  }
0x5: {  	_ = 	snop  }
0x6: {  	_ = 	snop  }
0x7: {  	_ = 	snop  }
__scs_overlays_trampoline_lowered:
0x8: {  	[smem:$0x3FA8] =	sst s0  }
0x9: {  	[smem:$0x3FA9] =	sst s1  }
0xa: {  	[smem:$0x3FAA] =	sst s2  }
0xb: {  	[smem:$0x3FAB] =	sst s3  }
0xc: {  	[smem:$0x3FAC] =	sst s4  }
0xd: {  	[smem:$0x3FAD] =	sst s5  }
0xe: {  	[smem:$0x3FAE] =	sst s6  }
0xf: {  	[smem:$0x3FAF] =	sst s7  }
0x10: {  	[smem:$0x3FB0] =	sst s8  }
0x11: {  	[smem:$0x3FB1] =	sst s9;
	s0 =	simm.s32 @!p0 $0x0  }
0x12: {  	s1 =	sld [smem:$0x3F97];
	s0 =	simm.s32 @p0 $0x1  }
0x13: {  	[smem:$0x3FB2] =	sst s0;
	s0 =	simm.s32 @!p1 $0x0  }
0x14: {  	s2 =	sld [smem:$0x3F96];
	s0 =	simm.s32 @p1 $0x1  }
0x15: {  	[smem:$0x3FB3] =	sst s0;
	s0 =	simm.s32 @!p2 $0x0  }
0x16: {  	s3 =	sld [smem:$0x3FDB];
	s0 =	simm.s32 @p2 $0x1  }
0x17: {  	s4 =	simm.s32 $0x1BF5;
	[smem:$0x3FB5] =	sst s0  }
0x18: {  	s0 =	sld [smem:$0x3F98];
	_ =	swait.ge [sflag:s4], $0x0  }
0x19: {  	s7 =	sld [smem:$0x3F99]  }
0x1a: {  	s8 =	sadd.s32 $0xFFFFE003, lr  }
0x1b: {  	s9 =	sadd.s32 $0xFFFFFEF7, lr;
	s5 =	simm.s32 $0xFFFFFFFF;
	p2 =	slt.u32 s8, $0xFFFFF086  }
0x1c: {  	p1 =	slt.u32 s9, $0xF7A;
	s5 =	simm.s32 @!p2 $0x0  }
0x1d: {  	s5 =	simm.s32 @p1 $0x1;
	p0 =	seq.s32 s7, s2  }
0x1e: {  	s7 =	smul.u32 @!p0 $0xF7A, s2;
	p2 =	seq.s32 @!p0 s5, $0x0  }
0x1f: {  	s9 =	smul.u32 $0xF7A, s1;
	s8 =	simm.s32 @!p0 $0x1BF5;
	p2 =	por !p2, p0  }
0x20: {  	[sflag:s8] =	ssyncset.s32 @!p0 $0xFFFFF086;
	s6 =	sadd.s32 @!p0 s3, s7;
	s7 =	simm.s32 @!p0 $0x108  }
0x21: {  	s3 =	sadd.s32 s3, s9;
	s6 =	sadd.s32 @!p0 $0x88, s6;
	s7 =	simm.s32 @p2 $0x1082  }
0x22: {  	[simem:s7], [sflag:s8] =	dma.local @!p0 [hbm:s6], $0xF7A  }
0x23: {  	s9 =	sor.u32 $0xD0000000, s2;
	s6 =	simm.s32 $0x108;
	_ =	swait.ge @!p0 [sflag:s8], $0x0  }
0x24: {  	s3 =	sadd.s32 $0x88, s3;
	s6 =	simm.s32 @!p1 $0x1082;
	[sflag:s4] =	ssyncset.s32 $0xFFFFF086  }
0x25: {  	[simem:s6], [sflag:s4] =	dma.local [hbm:s3], $0xF7A  }
0x26: {  	[smem:$0x3F99] =	sst s1;
	(tag) =	ssettag s2;
	_ =	strace s9  }
0x27: {  	s1 =	sld [smem:$0x3FA9]  }
0x28: {  	s2 =	sld [smem:$0x3FAA]  }
0x29: {  	s4 =	sld [smem:$0x3FAC]  }
0x2a: {  	p0 =	seq.s32 s5, $0x0;
	s5 =	sld [smem:$0x3FAD]  }
0x2b: {  	s6 =	sld [smem:$0x3FAE]  }
0x2c: {  	s7 =	sld [smem:$0x3FAF]  }
0x2d: {  	s3 =	simm.s32 $0x108;
	s8 =	sld [smem:$0x3FB0]  }
0x2e: {  	s3 =	simm.s32 @!p0 $0x1082;
	s9 =	sld [smem:$0x3FB1]  }
0x2f: {  	lr =	sadd.s32 s0, s3;
	s0 =	sld [smem:$0x3FA8]  }
0x30: {  	s3 =	sld [smem:$0x3FAB]  }
0x31: {  	[smem:$0x3FB4] =	sst s10  }
0x32: {  	s10 =	sld [smem:$0x3FB2];
	_ =	sdelay $0x3  }
0x33: {  	p0 =	seq.s32 s10, $0x1;
	s10 =	sld [smem:$0x3FB4];
	_ =	sdelay $0x3  }
0x34: {  	[smem:$0x3FB4] =	sst s10  }
0x35: {  	s10 =	sld [smem:$0x3FB3];
	_ =	sdelay $0x3  }
0x36: {  	p1 =	seq.s32 s10, $0x1;
	s10 =	sld [smem:$0x3FB4];
	_ =	sdelay $0x3  }
0x37: {  	[smem:$0x3FB4] =	sst s10  }
0x38: {  	s10 =	sld [smem:$0x3FB5]  }
0x39: {  	_ = 	snop;
	(pc) =	sbr.ind lr, $3  }
0x3a: {  	_ = 	snop  }
0x3b: {  	_ = 	snop  }
0x3c: {  	p2 =	seq.s32 s10, $0x1;
	s10 =	sld [smem:$0x3FB4]  }
0x3d: {  	_ =	shalt  }
0x3e: {  	_ =	shalt  }
0x3f: {  	_ =	shalt  }
0x40: {  	_ =	shalt  }
0x41: {  	_ =	shalt  }
0x42: {  	_ =	shalt  }
0x43: {  	_ =	shalt  }
0x44: {  	_ =	shalt  }
0x45: {  	_ =	shalt  }
0x46: {  	_ =	shalt  }
0x47: {  	_ =	shalt  }
0x48: {  	_ =	shalt  }
0x49: {  	_ =	shalt  }
0x4a: {  	_ =	shalt  }
0x4b: {  	_ =	shalt  }
0x4c: {  	_ =	shalt  }
0x4d: {  	_ =	shalt  }
0x4e: {  	_ =	shalt  }
0x4f: {  	_ =	shalt  }
0x50: {  	_ =	shalt  }
0x51: {  	_ =	shalt  }
0x52: {  	_ =	shalt  }
0x53: {  	_ =	shalt  }
0x54: {  	_ =	shalt  }
0x55: {  	_ =	shalt  }
0x56: {  	_ =	shalt  }
0x57: {  	_ =	shalt  }
0x58: {  	_ =	shalt  }
0x59: {  	_ =	shalt  }
0x5a: {  	_ =	shalt  }
0x5b: {  	_ =	shalt  }
0x5c: {  	_ =	shalt  }
0x5d: {  	_ =	shalt  }
0x5e: {  	_ =	shalt  }
0x5f: {  	_ =	shalt  }
0x60: {  	_ =	shalt  }
0x61: {  	_ =	shalt  }
0x62: {  	_ =	shalt  }
0x63: {  	_ =	shalt  }
0x64: {  	_ =	shalt  }
0x65: {  	_ =	shalt  }
0x66: {  	_ =	shalt  }
0x67: {  	_ =	shalt  }
0x68: {  	_ =	shalt  }
0x69: {  	_ =	shalt  }
0x6a: {  	_ =	shalt  }
0x6b: {  	_ =	shalt  }
0x6c: {  	_ =	shalt  }
0x6d: {  	_ =	shalt  }
0x6e: {  	_ =	shalt  }
0x6f: {  	_ =	shalt  }
0x70: {  	_ =	shalt  }
0x71: {  	_ =	shalt  }
0x72: {  	_ =	shalt  }
0x73: {  	_ =	shalt  }
0x74: {  	_ =	shalt  }
0x75: {  	_ =	shalt  }
0x76: {  	_ =	shalt  }
0x77: {  	_ =	shalt  }
0x78: {  	_ =	shalt  }
0x79: {  	_ =	shalt  }
0x7a: {  	_ =	shalt  }
0x7b: {  	_ =	shalt  }
0x7c: {  	_ =	shalt  }
0x7d: {  	_ =	shalt  }
0x7e: {  	_ =	shalt  }
0x7f: {  	_ =	shalt  }
0x80: {  	_ =	shalt  }
0x81: {  	_ =	shalt  }
0x82: {  	_ =	shalt  }
0x83: {  	_ =	shalt  }
0x84: {  	_ =	shalt  }
0x85: {  	_ =	shalt  }
0x86: {  	_ =	shalt  }
0x87: {  	_ =	shalt  }
.Lfunc_end0:
.L_simem_size_0:
called_computation_lowered:
.L_overlay_start_0:
0x88: {  	s2 =	sld [smem:$0x3FD9]  }
0x89: {  	s3 =	sld [smem:$0x3FFE];
	_ =	sdelay $0x1  }
0x8a: {  	s1 =	srdreg.scid  }
0x8b: {  	s0 =	sand.u32 $0x1, s1  }
0x8c: {  	s16 =	sshll.u32 s0, $0xA;
	s2 =	sadd.s32 s3, s2  }
0x8d: {  	s2 =	sadd.s32 s2, s16  }
0x8e: {  	[smem:$0x3FC0] =	sst s2  }
0x8f: {  	_ = 	snop  }
0x90: {  	(tm) =	ssettm $0x1  }
0x91: {  	s17 =	sld [smem:$0x3FFB];
	_ =	sdelay $0x3  }
0x92: {  	_ =	strace s17  }
0x93: {  	s2 =	sld [smem:$0x3FFC];
	_ =	sdelay $0x3  }
0x94: {  	_ =	strace s2  }
0x95: {  	s2 =	sld [smem:$0x3FFD];
	_ =	sdelay $0x3  }
0x96: {  	_ =	strace s2  }
0x97: {  	_ =	strace $0x8FFFFFFF  }
0x98: {  	s18 =	sld [smem:$0x3FDB];
	_ =	sdelay $0x1  }
0x99: {  	s19 =	simm.s32 $_scs_section_size  }
0x9a: {  	s4 =	simm.s32 $_size__tile_overlayer_lowered;
	s5 =	simm.s32 $_tile_overlayer_lowered  }
0x9b: {  	s22 =	simm.s32 $0x1BFF;
	s21 =	sshll.u32 s5, $0x1;
	s2 =	sadd.s32 s19, s18  }
0x9c: {  	s6 =	simm.s32 $0x0;
	s20 =	sshll.u32 s4, $0x1;
	s4 =	sadd.s32 s21, s2  }
0x9d: {  	[timem:s6], [sflag:s22] =	dma.local [hbm:s4], s20  }
0x9e: {  	_ =	swait.ge [sflag:s22], s20  }
0x9f: {  	s3 =	ssub.s32 $0x0, s20;
	[sflag:s22] =	ssyncset.done $0x0  }
0xa0: {  	[sflag:s22] =	ssyncadd.s32 s3;
	_ =	sdelay $0x1  }
0xa1: {  	s23 =	simm.s32 $0x1B8B  }
0xa2: {  	_ =	swait.ge [sflag:s23], $0x1  }
0xa3: {  	[sflag:s23] =	ssyncset.done $0x0  }
0xa4: {  	s25 =	simm.s32 $0x1B8E;
	s24 =	sld [smem:$0x3FFE];
	[sflag:s23] =	ssyncadd.s32 $0xFFFFFFFF  }
0xa5: {  	s26 =	simm.s32 $execute0_lowered;
	[smem:$0x3FD2] =	sst s25  }
0xa6: {  	s4 =	sshll.u32 s26, $0x1;
	_ =	strace $0x80000046;
	[dreg:$0x1] =	wrdreg $0xFFFFFFFF  }
0xa7: {  	s28 =	simm.s32 $_size_execute0_lowered;
	s2 =	sadd.s32 s2, s4;
	[dreg:$0x0] =	wrdreg $0x0  }
0xa8: {  	s4 =	sshll.u32 s28, $0x1;
	[dreg:$0x2] =	wrdreg s2  }
0xa9: {  	[dreg:$0x3] =	wrdreg s4  }
0xaa: {  	[dreg:$0x4] =	wrdreg $0xC0  }
0xab: {  	_ =	task [dreg:s6], $0x5FFFF  }
0xac: {  	[dreg:$0x1] =	wrdreg $0xFFFFFFFF  }
0xad: {  	[dreg:$0x0] =	wrdreg $0x60  }
0xae: {  	[dreg:$0x2] =	wrdreg s24  }
0xaf: {  	[dreg:$0x3] =	wrdreg $0xAB000  }
0xb0: {  	[dreg:$0x4] =	wrdreg $0x1EB000  }
0xb1: {  	[dreg:$0x5] =	wrdreg $0x1ED800  }
0xb2: {  	[dreg:$0x6] =	wrdreg $0x9  }
0xb3: {  	_ =	task.clear_ibuf [dreg:s6], $0x7FFFF;
	_ =	strace $0x90000046  }
0xb4: {  	s29 =	simm.s32 $0x9;
	_ =	strace $0x80000048  }
0xb5: {  	_ =	swait.ge [sflag:s29], $0x1  }
0xb6: {  	[sflag:s29] =	ssyncadd.s32 $0xFFFFFFFF  }
0xb7: {  	_ =	strace $0x90000048  }
0xb8: {  	_ =	sfence  }
0xb9: {  	s30 =	sld [smem:$0x0];
	_ =	sdelay $0x2  }
0xba: {  	s31 =	sshll.u32 s1, $0xD;
	s1 =	sshrl.u32 s1, $0x2  }
0xbb: {  	s3 =	sand.u32 $0x4000, s31;
	s1 =	sadd.s32 s1, s30  }
0xbc: {  	s0 =	sor.u32 s3, s0;
	s1 =	sshll.u32 s1, $0x11  }
0xbd: {  	s0 =	sor.u32 s1, s0  }
0xbe: {  	s0 =	sadd.s32 $0x8F2B, s0  }
0xbf: {  	[sflag:s0] =	ssyncadd.remote.s32 $0x1  }
0xc0: {  	_ =	sfence.sel $0xFFFF  }
0xc1: {  	[dreg:$0x0] =	wrdreg $0xFFFFFFFF;
	(pc) =	sbr.abs _section_cstart, $3  }
0xc2: {  	[dreg:$0x1] =	wrdreg $0xFFFFFFFF  }
0xc3: {  	_ =	task.clear_ibuf [dreg:s6], $0x2FFFF;
	_ =	strace $0x9FFFFFFF  }
0xc4: {  	(tm) =	ssettm $0x7FFFFFFF  }
0xc5: {  	_ =	shalt  }
tec
execute0_lowered:
.L_overlay_start_1:
0x0: {  	(tag) =	ssettag $0x1  }
0x1: {  	s0 =	rddreg [dreg:$0x0]  }
0x2: {  	s1 =	rddreg [dreg:$0x1]  }
0x3: {  	s2 =	srdreg.scid;
	s3 =	rddreg [dreg:$0x2]  }
0x4: {  	s16 =	stileid.u32;
	s4 =	rddreg [dreg:$0x3];
	s5 =	simm.s32 $0x0  }
0x5: {  	s28 =	simm.s32 $0x6;
	s29 =	simm.s32 $0xA880;
	s8 =	smul.u32 $0x280, s16  }
0x6: {  	s30 =	simm.s32 $0x1400;
	s31 =	simm.s32 $0x80;
	s13 =	smul.u32 $0x50000, s16  }
0x7: {  	s2 =	sand.u32 $0x1, s2;
	[smem:$0x7FF] =	sst s5;
	s25 =	smul.u32 $0x5000, s16  }
0x8: {  	s9 =	sadd.s32 $0xC000, s0;
	s11 =	sadd.s32 $0x2000, s0;
	s6 =	smul.u32 $0x2800, s2  }
0x9: {  	_ =	strace $0x80000047;
	s12 =	ssub.s32 $0x2, s2;
	s24 =	sshll.u32 s2, $0x4  }
0xa: {  	p0 =	sne.s32 s2, $0x0;
	s2 =	simm.s32 $0xA800;
	s22 =	sshrl.u32 s8, $0x3  }
0xb: {  	s14 =	sshrl.u32 s12, $0x1;
	s23 =	sshrl.u32 s13, $0x2;
	s13 =	sshrl.u32 s25, $0x3  }
0xc: {  	s7 =	sadd.s32 s8, s6;
	s6 =	sadd.s32 $0x16000, s0;
	s13 =	sadd.s32 s11, s13  }
0xd: {  	s10 =	sshll.u32 s7, $0x4;
	s7 =	sshrl.u32 s7, $0x3;
	s19 =	sadd.s32 $0x280, s13  }
0xe: {  	[dreg:$0x9] =	wrdreg s13;
	s10 =	sadd.s32 s10, s0;
	s15 =	sadd.s32 s7, s0  }
0xf: {  	s0 =	sadd.s32 s22, s0;
	[dreg:$0xa] =	wrdreg s19;
	s22 =	sadd.s32 $0x500, s13  }
0x10: {  	s7 =	sadd.s32 s23, s1;
	s23 =	sadd.s32 $0x780, s13;
	[dreg:$0xb] =	wrdreg s22  }
0x11: {  	s20 =	ssub.s32 s12, s14;
	s26 =	sadd.s32 $0x4000, s7;
	[dreg:$0xc] =	wrdreg s23  }
0x12: {  	s12 =	sor.u32 s16, s24;
	s16 =	sadd.s32 $0x8000, s7;
	[dreg:$0x5] =	wrdreg s26  }
0x13: {  	s14 =	sadd.s32 s8, s4;
	s17 =	sadd.s32 $0xC000, s7;
	[dreg:$0x6] =	wrdreg s16  }
0x14: {  	s18 =	sadd.s32 $0x10000, s7;
	s0 =	sadd.s32 $0x8EA00, s0;
	[dreg:$0x7] =	wrdreg s17  }
0x15: {  	s24 =	sadd.s32 $0x3E000, s10;
	s25 =	sadd.s32 $0x8E000, s15;
	[dreg:$0x8] =	wrdreg s18  }
0x16: {  	s23 =	simm.s32 $0x2780;
	s10 =	simm.s32 $0x6800;
	[dreg:$0xd] =	wrdreg s0  }
0x17: {  	s22 =	simm.s32 $0x1;
	s15 =	simm.s32 $0x2;
	[dreg:$0xe] =	wrdreg s24  }
0x18: {  	s16 =	smul.u32 $0x2800, s12;
	s12 =	sadd.s32 s8, s3;
	[dreg:$0xf] =	wrdreg s25  }
0x19: {  	s26 =	smax.u32 s20, $0x1;
	s24 =	simm.s32 $0x3;
	s0 =	simm.s32 $0x4  }
0x1a: {  	s25 =	simm.s32 $0x0;
	[dreg:$0x10] =	wrdreg s26;
	s21 =	sshrl.u32 s16, $0x3  }
0x1b: {  	s26 =	simm.s32 $0x2800;
	s16 =	sadd.s32 s9, s21;
	s8 =	sadd.s32 $0x280, s21  }
0x1c: {  	s17 =	sadd.s32 s11, s21;
	s21 =	simm.s32 $0x5;
	s18 =	sadd.s32 s9, s8  }
0x1d: {  	v0 =	vimm.f32 $0.0e+00;
	v1 =	vimm.f32 $1.000000000e+00;
	s19 =	sadd.s32 s11, s8;
	s9 =	simm.s32 $0x1480;
	s11 =	simm.s32 $0x2700  }
.LBB2_1:
0x1e: {  	s20 =	simm.s32 $0x0;
	s13 =	simm.s32 $0x200  }
.LBB2_2:
0x1f: {  	p1 =	sne.s32 s13, $0xFE00;
	[tilespmem:s20+$0x2870] =	vst v0  }
0x20: {  	[tilespmem:s20+$0x2800] =	vst v0  }
0x21: {  	[tilespmem:s20+$0x2810] =	vst v0  }
.Ltmp0:
0x22: {  	[tilespmem:s20+$0x2820] =	vst v0;
	(pc) =	sbr.rel @p1 .LBB2_2-.Ltmp0, $4  }
0x23: {  	[tilespmem:s20+$0x2830] =	vst v0  }
0x24: {  	[tilespmem:s20+$0x2840] =	vst v0  }
0x25: {  	[tilespmem:s20+$0x2850] =	vst v0  }
0x26: {  	[tilespmem:s20+$0x2860] =	vst v0;
	s20 =	sshra.s32 s13, $0x2;
	s13 =	sadd.s32 $0x200, s13  }
0x27: {  	[tilespmem:s20+$0x2870] =	vst v0  }
0x28: {  	[tilespmem:s20+$0x2800] =	vst v0  }
0x29: {  	[tilespmem:s20+$0x2810] =	vst v0  }
0x2a: {  	[tilespmem:s20+$0x2820] =	vst v0  }
0x2b: {  	[tilespmem:s20+$0x2830] =	vst v0  }
0x2c: {  	[tilespmem:s20+$0x2840] =	vst v0  }
0x2d: {  	[tilespmem:s20+$0x2850] =	vst v0  }
0x2e: {  	[tilespmem:s20+$0x2860] =	vst v0  }
0x2f: {  	[tilespmem:$0xA880] =	vst v0  }
0x30: {  	[tilespmem:$0xA890] =	vst v0  }
0x31: {  	[tilespmem:$0xA8A0] =	vst v0  }
0x32: {  	[tilespmem:$0xA8B0] =	vst v0  }
0x33: {  	[tilespmem:$0xA8C0] =	vst v0  }
0x34: {  	[tilespmem:$0xA8D0] =	vst v0  }
0x35: {  	[tilespmem:$0xA8E0] =	vst v0  }
0x36: {  	[tilespmem:$0xA8F0] =	vst v0  }
0x37: {  	[tilespmem:$0xA900] =	vst v0  }
0x38: {  	[tilespmem:$0xA910] =	vst v0  }
0x39: {  	[tilespmem:$0xA920] =	vst v0  }
0x3a: {  	[tilespmem:$0xA930] =	vst v0  }
0x3b: {  	[tilespmem:$0xA940] =	vst v0  }
0x3c: {  	[tilespmem:$0xA950] =	vst v0  }
0x3d: {  	[tilespmem:$0xA960] =	vst v0  }
0x3e: {  	[tilespmem:$0xA970] =	vst v0  }
0x3f: {  	[tilespmem:$0xA980] =	vst v0  }
0x40: {  	[tilespmem:$0xA990] =	vst v0  }
0x41: {  	[tilespmem:$0xA9A0] =	vst v0  }
0x42: {  	[tilespmem:$0xA9B0] =	vst v0  }
0x43: {  	[tilespmem:$0xA9C0] =	vst v0  }
0x44: {  	[tilespmem:$0xA9D0] =	vst v0  }
0x45: {  	[tilespmem:$0xA9E0] =	vst v0  }
0x46: {  	[tilespmem:$0xA9F0] =	vst v0  }
0x47: {  	[tilespmem:$0xAA00] =	vst v0  }
0x48: {  	[tilespmem:$0xAA10] =	vst v0  }
0x49: {  	[tilespmem:$0xAA20] =	vst v0  }
0x4a: {  	[tilespmem:$0xAA30] =	vst v0  }
0x4b: {  	[tilespmem:$0xAA40] =	vst v0  }
0x4c: {  	[tilespmem:$0xAA50] =	vst v0  }
0x4d: {  	[tilespmem:$0xAA60] =	vst v0  }
0x4e: {  	[tilespmem:$0xAA70] =	vst v0  }
0x4f: {  	[tilespmem:$0xAA80] =	vst v0  }
0x50: {  	[tilespmem:$0xAA90] =	vst v0  }
0x51: {  	[tilespmem:$0xAAA0] =	vst v0  }
0x52: {  	[tilespmem:$0xAAB0] =	vst v0  }
0x53: {  	[tilespmem:$0xAAC0] =	vst v0  }
0x54: {  	[tilespmem:$0xAAD0] =	vst v0  }
0x55: {  	[tilespmem:$0xAAE0] =	vst v0  }
0x56: {  	[tilespmem:$0xAAF0] =	vst v0  }
0x57: {  	[spmem:s7] =	stream.linear.scatter [tilespmem:s26], [sflag:$0x6], $0x4000, $0x38;
	[tilespmem:$0x1F000] =	vst v63  }
0x58: {  	_ =	swait.ge [sflag:s28], $0x4000  }
0x59: {  	[sflag:s28] =	ssyncset.done $0x0  }
0x5a: {  	s8 =	rddreg [dreg:$0x5];
	[sflag:s28] =	ssyncadd.s32 $0xFFFFC000  }
0x5b: {  	[spmem:s8] =	stream.linear.scatter [tilespmem:s26], [sflag:$0x6], $0x4000, $0x38;
	[tilespmem:$0x1F000] =	vst v63  }
0x5c: {  	_ =	swait.ge [sflag:s28], $0x4000  }
0x5d: {  	[sflag:s28] =	ssyncset.done $0x0  }
0x5e: {  	s20 =	rddreg [dreg:$0x6];
	[sflag:s28] =	ssyncadd.s32 $0xFFFFC000  }
0x5f: {  	[spmem:s20] =	stream.linear.scatter [tilespmem:s26], [sflag:$0x6], $0x4000, $0x38;
	[tilespmem:$0x1F000] =	vst v63  }
0x60: {  	_ =	swait.ge [sflag:s28], $0x4000  }
0x61: {  	[sflag:s28] =	ssyncset.done $0x0  }
0x62: {  	s13 =	rddreg [dreg:$0x7];
	[sflag:s28] =	ssyncadd.s32 $0xFFFFC000  }
0x63: {  	[spmem:s13] =	stream.linear.scatter [tilespmem:s26], [sflag:$0x6], $0x4000, $0x38;
	[tilespmem:$0x1F000] =	vst v63  }
0x64: {  	_ =	swait.ge [sflag:s28], $0x4000  }
0x65: {  	[sflag:s28] =	ssyncset.done $0x0  }
0x66: {  	s20 =	rddreg [dreg:$0x8];
	[sflag:s28] =	ssyncadd.s32 $0xFFFFC000  }
0x67: {  	[spmem:s20] =	stream.linear.scatter [tilespmem:s26], [sflag:$0x6], $0x4000, $0x38;
	[tilespmem:$0x1F000] =	vst v63  }
0x68: {  	_ =	swait.ge [sflag:s28], $0x4000  }
0x69: {  	[sflag:s28] =	ssyncset.done $0x0  }
0x6a: {  	[sflag:s28] =	ssyncadd.s32 $0xFFFFC000  }
0x6b: {  	[spmem:s12] =	stream.linear.scatter [tilespmem:s29], [sflag:$0x6], $0x280, $0x38;
	[tilespmem:$0x1F000] =	vst v63  }
0x6c: {  	_ =	swait.ge [sflag:s28], $0x280  }
0x6d: {  	[sflag:s28] =	ssyncset.done $0x0  }
0x6e: {  	[sflag:s28] =	ssyncadd.s32 $0xFFFFFD80  }
0x6f: {  	[spmem:s14] =	stream.linear.scatter [tilespmem:s29], [sflag:$0x6], $0x280, $0x38;
	[tilespmem:$0x1F000] =	vst v63  }
0x70: {  	_ =	swait.ge [sflag:s28], $0x280  }
0x71: {  	[sflag:s28] =	ssyncset.done $0x0  }
0x72: {  	[sflag:s28] =	ssyncadd.s32 $0xFFFFFD80  }
0x73: {  	[tilespmem:$0xA800] =	vst v1  }
0x74: {  	[tilespmem:$0xA810] =	vst v1  }
0x75: {  	[tilespmem:$0xA820] =	vst v1  }
0x76: {  	[tilespmem:$0xA830] =	vst v1  }
0x77: {  	[tilespmem:$0xA840] =	vst v1  }
0x78: {  	[tilespmem:$0xA850] =	vst v1  }
0x79: {  	[tilespmem:$0xA860] =	vst v1  }
0x7a: {  	[tilespmem:$0xA870] =	vst v1  }
0x7b: {  	[bflag:$0x0] =	sbarrier.arrive $0xFFFF  }
0x7c: {  	s13 =	rddreg [dreg:$0x9]  }
0x7d: {  	[tilespmem:s30], [sflag:$0x6] =	stream.linear.gather [hbm4b:s13+s5], $0x1400, $0x38;
	[tilespmem:$0x1F000] =	vst v63  }
0x7e: {  	_ =	swait.ge [sflag:s28], $0x1400  }
0x7f: {  	[sflag:s28] =	ssyncset.done $0x0  }
0x80: {  	[sflag:s28] =	ssyncadd.s32 $0xFFFFEC00  }
0x81: {  	[spmem:s3] =	stream.indirect.scatter.add.f32 [tilespmem:s2], [sflag:$0x5], $0x1, s30, s31, $0xb8;
	[tilespmem:$0x1F000] =	vst v63  }
0x82: {  	_ = 	snop  }
0x83: {  	[spmem:s3] =	stream.indirect.scatter.add.f32 [tilespmem:s2], [sflag:$0x5], $0x1, s9, s31, $0xb8;
	[tilespmem:$0x1F000] =	vst v63  }
0x84: {  	s20 =	simm.s32 $0x1500  }
0x85: {  	[spmem:s3] =	stream.indirect.scatter.add.f32 [tilespmem:s2], [sflag:$0x5], $0x1, s20, s31, $0xb8;
	[tilespmem:$0x1F000] =	vst v63  }
0x86: {  	s13 =	simm.s32 $0x1580  }
0x87: {  	[spmem:s3] =	stream.indirect.scatter.add.f32 [tilespmem:s2], [sflag:$0x5], $0x1, s13, s31, $0xb8;
	[tilespmem:$0x1F000] =	vst v63  }
0x88: {  	s20 =	simm.s32 $0x1600  }
0x89: {  	[spmem:s3] =	stream.indirect.scatter.add.f32 [tilespmem:s2], [sflag:$0x5], $0x1, s20, s31, $0xb8;
	[tilespmem:$0x1F000] =	vst v63  }
0x8a: {  	s13 =	simm.s32 $0x1680  }
0x8b: {  	[spmem:s3] =	stream.indirect.scatter.add.f32 [tilespmem:s2], [sflag:$0x5], $0x1, s13, s31, $0xb8;
	[tilespmem:$0x1F000] =	vst v63  }
0x8c: {  	s20 =	simm.s32 $0x1700  }
0x8d: {  	[spmem:s3] =	stream.indirect.scatter.add.f32 [tilespmem:s2], [sflag:$0x5], $0x1, s20, s31, $0xb8;
	[tilespmem:$0x1F000] =	vst v63  }
0x8e: {  	s13 =	simm.s32 $0x1780  }
0x8f: {  	[spmem:s3] =	stream.indirect.scatter.add.f32 [tilespmem:s2], [sflag:$0x5], $0x1, s13, s31, $0xb8;
	[tilespmem:$0x1F000] =	vst v63  }
0x90: {  	s20 =	simm.s32 $0x1800  }
0x91: {  	[spmem:s3] =	stream.indirect.scatter.add.f32 [tilespmem:s2], [sflag:$0x5], $0x1, s20, s31, $0xb8;
	[tilespmem:$0x1F000] =	vst v63  }
0x92: {  	s13 =	simm.s32 $0x1880  }
0x93: {  	[spmem:s3] =	stream.indirect.scatter.add.f32 [tilespmem:s2], [sflag:$0x5], $0x1, s13, s31, $0xb8;
	[tilespmem:$0x1F000] =	vst v63  }
0x94: {  	s20 =	simm.s32 $0x1900  }
0x95: {  	[spmem:s3] =	stream.indirect.scatter.add.f32 [tilespmem:s2], [sflag:$0x5], $0x1, s20, s31, $0xb8;
	[tilespmem:$0x1F000] =	vst v63  }
0x96: {  	s13 =	simm.s32 $0x1980  }
0x97: {  	[spmem:s3] =	stream.indirect.scatter.add.f32 [tilespmem:s2], [sflag:$0x5], $0x1, s13, s31, $0xb8;
	[tilespmem:$0x1F000] =	vst v63  }
0x98: {  	s20 =	simm.s32 $0x1A00  }
0x99: {  	[spmem:s3] =	stream.indirect.scatter.add.f32 [tilespmem:s2], [sflag:$0x5], $0x1, s20, s31, $0xb8;
	[tilespmem:$0x1F000] =	vst v63  }
0x9a: {  	s13 =	simm.s32 $0x1A80  }
0x9b: {  	[spmem:s3] =	stream.indirect.scatter.add.f32 [tilespmem:s2], [sflag:$0x5], $0x1, s13, s31, $0xb8;
	[tilespmem:$0x1F000] =	vst v63  }
0x9c: {  	s20 =	simm.s32 $0x1B00  }
0x9d: {  	[spmem:s3] =	stream.indirect.scatter.add.f32 [tilespmem:s2], [sflag:$0x5], $0x1, s20, s31, $0xb8;
	[tilespmem:$0x1F000] =	vst v63  }
0x9e: {  	s13 =	simm.s32 $0x1B80  }
0x9f: {  	[spmem:s3] =	stream.indirect.scatter.add.f32 [tilespmem:s2], [sflag:$0x5], $0x1, s13, s31, $0xb8;
	[tilespmem:$0x1F000] =	vst v63  }
0xa0: {  	s20 =	simm.s32 $0x1C00  }
0xa1: {  	[spmem:s3] =	stream.indirect.scatter.add.f32 [tilespmem:s2], [sflag:$0x5], $0x1, s20, s31, $0xb8;
	[tilespmem:$0x1F000] =	vst v63  }
0xa2: {  	s13 =	simm.s32 $0x1C80  }
0xa3: {  	[spmem:s3] =	stream.indirect.scatter.add.f32 [tilespmem:s2], [sflag:$0x5], $0x1, s13, s31, $0xb8;
	[tilespmem:$0x1F000] =	vst v63  }
0xa4: {  	s20 =	simm.s32 $0x1D00  }
0xa5: {  	[spmem:s3] =	stream.indirect.scatter.add.f32 [tilespmem:s2], [sflag:$0x5], $0x1, s20, s31, $0xb8;
	[tilespmem:$0x1F000] =	vst v63  }
0xa6: {  	s13 =	simm.s32 $0x1D80  }
0xa7: {  	[spmem:s3] =	stream.indirect.scatter.add.f32 [tilespmem:s2], [sflag:$0x5], $0x1, s13, s31, $0xb8;
	[tilespmem:$0x1F000] =	vst v63  }
0xa8: {  	s20 =	simm.s32 $0x1E00  }
0xa9: {  	[spmem:s3] =	stream.indirect.scatter.add.f32 [tilespmem:s2], [sflag:$0x5], $0x1, s20, s31, $0xb8;
	[tilespmem:$0x1F000] =	vst v63  }
0xaa: {  	s13 =	simm.s32 $0x1E80  }
0xab: {  	[spmem:s3] =	stream.indirect.scatter.add.f32 [tilespmem:s2], [sflag:$0x5], $0x1, s13, s31, $0xb8;
	[tilespmem:$0x1F000] =	vst v63  }
0xac: {  	s20 =	simm.s32 $0x1F00  }
0xad: {  	[spmem:s3] =	stream.indirect.scatter.add.f32 [tilespmem:s2], [sflag:$0x5], $0x1, s20, s31, $0xb8;
	[tilespmem:$0x1F000] =	vst v63  }
0xae: {  	s13 =	simm.s32 $0x1F80  }
0xaf: {  	[spmem:s3] =	stream.indirect.scatter.add.f32 [tilespmem:s2], [sflag:$0x5], $0x1, s13, s31, $0xb8;
	[tilespmem:$0x1F000] =	vst v63  }
0xb0: {  	s20 =	simm.s32 $0x2000  }
0xb1: {  	[spmem:s3] =	stream.indirect.scatter.add.f32 [tilespmem:s2], [sflag:$0x5], $0x1, s20, s31, $0xb8;
	[tilespmem:$0x1F000] =	vst v63  }
0xb2: {  	s13 =	simm.s32 $0x2080  }
0xb3: {  	[spmem:s3] =	stream.indirect.scatter.add.f32 [tilespmem:s2], [sflag:$0x5], $0x1, s13, s31, $0xb8;
	[tilespmem:$0x1F000] =	vst v63  }
0xb4: {  	s20 =	simm.s32 $0x2100  }
0xb5: {  	[spmem:s3] =	stream.indirect.scatter.add.f32 [tilespmem:s2], [sflag:$0x5], $0x1, s20, s31, $0xb8;
	[tilespmem:$0x1F000] =	vst v63  }
0xb6: {  	s13 =	simm.s32 $0x2180  }
0xb7: {  	[spmem:s3] =	stream.indirect.scatter.add.f32 [tilespmem:s2], [sflag:$0x5], $0x1, s13, s31, $0xb8;
	[tilespmem:$0x1F000] =	vst v63  }
0xb8: {  	s20 =	simm.s32 $0x2200  }
0xb9: {  	[spmem:s3] =	stream.indirect.scatter.add.f32 [tilespmem:s2], [sflag:$0x5], $0x1, s20, s31, $0xb8;
	[tilespmem:$0x1F000] =	vst v63  }
0xba: {  	s13 =	simm.s32 $0x2280  }
0xbb: {  	[spmem:s3] =	stream.indirect.scatter.add.f32 [tilespmem:s2], [sflag:$0x5], $0x1, s13, s31, $0xb8;
	[tilespmem:$0x1F000] =	vst v63  }
0xbc: {  	s20 =	simm.s32 $0x2300  }
0xbd: {  	[spmem:s3] =	stream.indirect.scatter.add.f32 [tilespmem:s2], [sflag:$0x5], $0x1, s20, s31, $0xb8;
	[tilespmem:$0x1F000] =	vst v63  }
0xbe: {  	s13 =	simm.s32 $0x2380  }
0xbf: {  	[spmem:s3] =	stream.indirect.scatter.add.f32 [tilespmem:s2], [sflag:$0x5], $0x1, s13, s31, $0xb8;
	[tilespmem:$0x1F000] =	vst v63  }
0xc0: {  	s20 =	simm.s32 $0x2400  }
0xc1: {  	[spmem:s3] =	stream.indirect.scatter.add.f32 [tilespmem:s2], [sflag:$0x5], $0x1, s20, s31, $0xb8;
	[tilespmem:$0x1F000] =	vst v63  }
0xc2: {  	s13 =	simm.s32 $0x2480  }
0xc3: {  	[spmem:s3] =	stream.indirect.scatter.add.f32 [tilespmem:s2], [sflag:$0x5], $0x1, s13, s31, $0xb8;
	[tilespmem:$0x1F000] =	vst v63  }
0xc4: {  	s20 =	simm.s32 $0x2500  }
0xc5: {  	[spmem:s3] =	stream.indirect.scatter.add.f32 [tilespmem:s2], [sflag:$0x5], $0x1, s20, s31, $0xb8;
	[tilespmem:$0x1F000] =	vst v63  }
0xc6: {  	s13 =	simm.s32 $0x2580  }
0xc7: {  	[spmem:s3] =	stream.indirect.scatter.add.f32 [tilespmem:s2], [sflag:$0x5], $0x1, s13, s31, $0xb8;
	[tilespmem:$0x1F000] =	vst v63  }
0xc8: {  	s20 =	simm.s32 $0x2600  }
0xc9: {  	[spmem:s3] =	stream.indirect.scatter.add.f32 [tilespmem:s2], [sflag:$0x5], $0x1, s20, s31, $0xb8;
	[tilespmem:$0x1F000] =	vst v63  }
0xca: {  	s13 =	simm.s32 $0x2680  }
0xcb: {  	[spmem:s3] =	stream.indirect.scatter.add.f32 [tilespmem:s2], [sflag:$0x5], $0x1, s13, s31, $0xb8;
	[tilespmem:$0x1F000] =	vst v63  }
0xcc: {  	_ = 	snop  }
0xcd: {  	[spmem:s3] =	stream.indirect.scatter.add.f32 [tilespmem:s2], [sflag:$0x5], $0x1, s11, s31, $0xb8;
	[tilespmem:$0x1F000] =	vst v63  }
0xce: {  	_ = 	snop  }
0xcf: {  	[spmem:s3] =	stream.indirect.scatter.add.f32 [tilespmem:s2], [sflag:$0x5], $0x1, s23, s31, $0xb8;
	[tilespmem:$0x1F000] =	vst v63  }
0xd0: {  	s20 =	rddreg [dreg:$0xa]  }
0xd1: {  	[tilespmem:s5], [sflag:$0x6] =	stream.linear.gather [hbm4b:s20+s5], $0x1400, $0x38;
	[tilespmem:$0x1F000] =	vst v63  }
0xd2: {  	_ =	swait.ge [sflag:s28], $0x1400  }
0xd3: {  	[sflag:s28] =	ssyncset.done $0x0  }
0xd4: {  	[sflag:s28] =	ssyncadd.s32 $0xFFFFEC00  }
0xd5: {  	[spmem:s3] =	stream.indirect.scatter.add.f32 [tilespmem:s2], [sflag:$0x5], $0x1, s5, s31, $0xb8;
	[tilespmem:$0x1F000] =	vst v63  }
0xd6: {  	_ = 	snop  }
0xd7: {  	[spmem:s3] =	stream.indirect.scatter.add.f32 [tilespmem:s2], [sflag:$0x5], $0x1, s31, s31, $0xb8;
	[tilespmem:$0x1F000] =	vst v63  }
0xd8: {  	s13 =	simm.s32 $0x100  }
0xd9: {  	[spmem:s3] =	stream.indirect.scatter.add.f32 [tilespmem:s2], [sflag:$0x5], $0x1, s13, s31, $0xb8;
	[tilespmem:$0x1F000] =	vst v63  }
0xda: {  	s20 =	simm.s32 $0x180  }
0xdb: {  	[spmem:s3] =	stream.indirect.scatter.add.f32 [tilespmem:s2], [sflag:$0x5], $0x1, s20, s31, $0xb8;
	[tilespmem:$0x1F000] =	vst v63  }
0xdc: {  	s13 =	simm.s32 $0x200  }
0xdd: {  	[spmem:s3] =	stream.indirect.scatter.add.f32 [tilespmem:s2], [sflag:$0x5], $0x1, s13, s31, $0xb8;
	[tilespmem:$0x1F000] =	vst v63  }
0xde: {  	s20 =	simm.s32 $0x280  }
0xdf: {  	[spmem:s3] =	stream.indirect.scatter.add.f32 [tilespmem:s2], [sflag:$0x5], $0x1, s20, s31, $0xb8;
	[tilespmem:$0x1F000] =	vst v63  }
0xe0: {  	s13 =	simm.s32 $0x300  }
0xe1: {  	[spmem:s3] =	stream.indirect.scatter.add.f32 [tilespmem:s2], [sflag:$0x5], $0x1, s13, s31, $0xb8;
	[tilespmem:$0x1F000] =	vst v63  }
0xe2: {  	s20 =	simm.s32 $0x380  }
0xe3: {  	[spmem:s3] =	stream.indirect.scatter.add.f32 [tilespmem:s2], [sflag:$0x5], $0x1, s20, s31, $0xb8;
	[tilespmem:$0x1F000] =	vst v63  }
0xe4: {  	s13 =	simm.s32 $0x400  }
0xe5: {  	[spmem:s3] =	stream.indirect.scatter.add.f32 [tilespmem:s2], [sflag:$0x5], $0x1, s13, s31, $0xb8;
	[tilespmem:$0x1F000] =	vst v63  }
0xe6: {  	s20 =	simm.s32 $0x480  }
0xe7: {  	[spmem:s3] =	stream.indirect.scatter.add.f32 [tilespmem:s2], [sflag:$0x5], $0x1, s20, s31, $0xb8;
	[tilespmem:$0x1F000] =	vst v63  }
0xe8: {  	s13 =	simm.s32 $0x500  }
0xe9: {  	[spmem:s3] =	stream.indirect.scatter.add.f32 [tilespmem:s2], [sflag:$0x5], $0x1, s13, s31, $0xb8;
	[tilespmem:$0x1F000] =	vst v63  }
0xea: {  	s20 =	simm.s32 $0x580  }
0xeb: {  	[spmem:s3] =	stream.indirect.scatter.add.f32 [tilespmem:s2], [sflag:$0x5], $0x1, s20, s31, $0xb8;
	[tilespmem:$0x1F000] =	vst v63  }
0xec: {  	s13 =	simm.s32 $0x600  }
0xed: {  	[spmem:s3] =	stream.indirect.scatter.add.f32 [tilespmem:s2], [sflag:$0x5], $0x1, s13, s31, $0xb8;
	[tilespmem:$0x1F000] =	vst v63  }
0xee: {  	s20 =	simm.s32 $0x680  }
0xef: {  	[spmem:s3] =	stream.indirect.scatter.add.f32 [tilespmem:s2], [sflag:$0x5], $0x1, s20, s31, $0xb8;
	[tilespmem:$0x1F000] =	vst v63  }
0xf0: {  	s13 =	simm.s32 $0x700  }
0xf1: {  	[spmem:s3] =	stream.indirect.scatter.add.f32 [tilespmem:s2], [sflag:$0x5], $0x1, s13, s31, $0xb8;
	[tilespmem:$0x1F000] =	vst v63  }
0xf2: {  	s20 =	simm.s32 $0x780  }
0xf3: {  	[spmem:s3] =	stream.indirect.scatter.add.f32 [tilespmem:s2], [sflag:$0x5], $0x1, s20, s31, $0xb8;
	[tilespmem:$0x1F000] =	vst v63  }
0xf4: {  	s13 =	simm.s32 $0x800  }
0xf5: {  	[spmem:s3] =	stream.indirect.scatter.add.f32 [tilespmem:s2], [sflag:$0x5], $0x1, s13, s31, $0xb8;
	[tilespmem:$0x1F000] =	vst v63  }
0xf6: {  	s20 =	simm.s32 $0x880  }
0xf7: {  	[spmem:s3] =	stream.indirect.scatter.add.f32 [tilespmem:s2], [sflag:$0x5], $0x1, s20, s31, $0xb8;
	[tilespmem:$0x1F000] =	vst v63  }
0xf8: {  	s13 =	simm.s32 $0x900  }
0xf9: {  	[spmem:s3] =	stream.indirect.scatter.add.f32 [tilespmem:s2], [sflag:$0x5], $0x1, s13, s31, $0xb8;
	[tilespmem:$0x1F000] =	vst v63  }
0xfa: {  	s20 =	simm.s32 $0x980  }
0xfb: {  	[spmem:s3] =	stream.indirect.scatter.add.f32 [tilespmem:s2], [sflag:$0x5], $0x1, s20, s31, $0xb8;
	[tilespmem:$0x1F000] =	vst v63  }
0xfc: {  	s13 =	simm.s32 $0xA00  }
0xfd: {  	[spmem:s3] =	stream.indirect.scatter.add.f32 [tilespmem:s2], [sflag:$0x5], $0x1, s13, s31, $0xb8;
	[tilespmem:$0x1F000] =	vst v63  }
0xfe: {  	s20 =	simm.s32 $0xA80  }
0xff: {  	[spmem:s3] =	stream.indirect.scatter.add.f32 [tilespmem:s2], [sflag:$0x5], $0x1, s20, s31, $0xb8;
	[tilespmem:$0x1F000] =	vst v63  }
0x100: {  	s13 =	simm.s32 $0xB00  }
0x101: {  	[spmem:s3] =	stream.indirect.scatter.add.f32 [tilespmem:s2], [sflag:$0x5], $0x1, s13, s31, $0xb8;
	[tilespmem:$0x1F000] =	vst v63  }
0x102: {  	s20 =	simm.s32 $0xB80  }
0x103: {  	[spmem:s3] =	stream.indirect.scatter.add.f32 [tilespmem:s2], [sflag:$0x5], $0x1, s20, s31, $0xb8;
	[tilespmem:$0x1F000] =	vst v63  }
0x104: {  	s13 =	simm.s32 $0xC00  }
0x105: {  	[spmem:s3] =	stream.indirect.scatter.add.f32 [tilespmem:s2], [sflag:$0x5], $0x1, s13, s31, $0xb8;
	[tilespmem:$0x1F000] =	vst v63  }
0x106: {  	s20 =	simm.s32 $0xC80  }
0x107: {  	[spmem:s3] =	stream.indirect.scatter.add.f32 [tilespmem:s2], [sflag:$0x5], $0x1, s20, s31, $0xb8;
	[tilespmem:$0x1F000] =	vst v63  }
0x108: {  	s13 =	simm.s32 $0xD00  }
0x109: {  	[spmem:s3] =	stream.indirect.scatter.add.f32 [tilespmem:s2], [sflag:$0x5], $0x1, s13, s31, $0xb8;
	[tilespmem:$0x1F000] =	vst v63  }
0x10a: {  	s20 =	simm.s32 $0xD80  }
0x10b: {  	[spmem:s3] =	stream.indirect.scatter.add.f32 [tilespmem:s2], [sflag:$0x5], $0x1, s20, s31, $0xb8;
	[tilespmem:$0x1F000] =	vst v63  }
0x10c: {  	s13 =	simm.s32 $0xE00  }
0x10d: {  	[spmem:s3] =	stream.indirect.scatter.add.f32 [tilespmem:s2], [sflag:$0x5], $0x1, s13, s31, $0xb8;
	[tilespmem:$0x1F000] =	vst v63  }
0x10e: {  	s20 =	simm.s32 $0xE80  }
0x10f: {  	[spmem:s3] =	stream.indirect.scatter.add.f32 [tilespmem:s2], [sflag:$0x5], $0x1, s20, s31, $0xb8;
	[tilespmem:$0x1F000] =	vst v63  }
0x110: {  	s13 =	simm.s32 $0xF00  }
0x111: {  	[spmem:s3] =	stream.indirect.scatter.add.f32 [tilespmem:s2], [sflag:$0x5], $0x1, s13, s31, $0xb8;
	[tilespmem:$0x1F000] =	vst v63  }
0x112: {  	s20 =	simm.s32 $0xF80  }
0x113: {  	[spmem:s3] =	stream.indirect.scatter.add.f32 [tilespmem:s2], [sflag:$0x5], $0x1, s20, s31, $0xb8;
	[tilespmem:$0x1F000] =	vst v63  }
0x114: {  	s13 =	simm.s32 $0x1000  }
0x115: {  	[spmem:s3] =	stream.indirect.scatter.add.f32 [tilespmem:s2], [sflag:$0x5], $0x1, s13, s31, $0xb8;
	[tilespmem:$0x1F000] =	vst v63  }
0x116: {  	s20 =	simm.s32 $0x1080  }
0x117: {  	[spmem:s3] =	stream.indirect.scatter.add.f32 [tilespmem:s2], [sflag:$0x5], $0x1, s20, s31, $0xb8;
	[tilespmem:$0x1F000] =	vst v63  }
0x118: {  	s13 =	simm.s32 $0x1100  }
0x119: {  	[spmem:s3] =	stream.indirect.scatter.add.f32 [tilespmem:s2], [sflag:$0x5], $0x1, s13, s31, $0xb8;
	[tilespmem:$0x1F000] =	vst v63  }
0x11a: {  	s20 =	simm.s32 $0x1180  }
0x11b: {  	[spmem:s3] =	stream.indirect.scatter.add.f32 [tilespmem:s2], [sflag:$0x5], $0x1, s20, s31, $0xb8;
	[tilespmem:$0x1F000] =	vst v63  }
0x11c: {  	s13 =	simm.s32 $0x1200  }
0x11d: {  	[spmem:s3] =	stream.indirect.scatter.add.f32 [tilespmem:s2], [sflag:$0x5], $0x1, s13, s31, $0xb8;
	[tilespmem:$0x1F000] =	vst v63  }
0x11e: {  	s20 =	simm.s32 $0x1280  }
0x11f: {  	[spmem:s3] =	stream.indirect.scatter.add.f32 [tilespmem:s2], [sflag:$0x5], $0x1, s20, s31, $0xb8;
	[tilespmem:$0x1F000] =	vst v63  }
0x120: {  	s13 =	simm.s32 $0x1300  }
0x121: {  	[spmem:s3] =	stream.indirect.scatter.add.f32 [tilespmem:s2], [sflag:$0x5], $0x1, s13, s31, $0xb8;
	[tilespmem:$0x1F000] =	vst v63  }
0x122: {  	s20 =	simm.s32 $0x1380  }
0x123: {  	[spmem:s3] =	stream.indirect.scatter.add.f32 [tilespmem:s2], [sflag:$0x5], $0x1, s20, s31, $0xb8;
	[tilespmem:$0x1F000] =	vst v63  }
0x124: {  	_ =	swait.ge [sflag:s21], $0x80  }
0x125: {  	s13 =	simm.s32 $0x27;
	[sflag:s21] =	ssyncset.done $0x0  }
.LBB2_4:
0x126: {  	p1 =	sne.s32 s13, $0x1;
	s13 =	sadd.s32 $0xFFFFFFFF, s13;
	[sflag:s21] =	ssyncadd.s32 $0xFFFFFF80  }
.Ltmp1:
0x127: {  	(pc) =	sbr.rel @p1 .LBB2_4-.Ltmp1, $3  }
0x128: {  	_ =	sdelay $0x1  }
0x129: {  	_ =	swait.ge [sflag:s21], $0x80  }
0x12a: {  	[sflag:s21] =	ssyncset.done $0x0  }
0x12b: {  	[sflag:s21] =	ssyncadd.s32 $0xFFFFFF80;
	s8 =	rddreg [dreg:$0xb]  }
0x12c: {  	[tilespmem:s30], [sflag:$0x6] =	stream.linear.gather [hbm4b:s8+s5], $0x1400, $0x38;
	[tilespmem:$0x1F000] =	vst v63  }
0x12d: {  	_ =	swait.ge [sflag:s28], $0x1400  }
0x12e: {  	[sflag:s28] =	ssyncset.done $0x0  }
0x12f: {  	[sflag:s28] =	ssyncadd.s32 $0xFFFFEC00  }
0x130: {  	[spmem:s3] =	stream.indirect.scatter.add.f32 [tilespmem:s2], [sflag:$0x5], $0x1, s30, s31, $0xb8;
	[tilespmem:$0x1F000] =	vst v63  }
0x131: {  	_ = 	snop  }
0x132: {  	[spmem:s3] =	stream.indirect.scatter.add.f32 [tilespmem:s2], [sflag:$0x5], $0x1, s9, s31, $0xb8;
	[tilespmem:$0x1F000] =	vst v63  }
0x133: {  	s9 =	simm.s32 $0x1500  }
0x134: {  	[spmem:s3] =	stream.indirect.scatter.add.f32 [tilespmem:s2], [sflag:$0x5], $0x1, s9, s31, $0xb8;
	[tilespmem:$0x1F000] =	vst v63  }
0x135: {  	s13 =	simm.s32 $0x1580  }
0x136: {  	[spmem:s3] =	stream.indirect.scatter.add.f32 [tilespmem:s2], [sflag:$0x5], $0x1, s13, s31, $0xb8;
	[tilespmem:$0x1F000] =	vst v63  }
0x137: {  	s20 =	simm.s32 $0x1600  }
0x138: {  	[spmem:s3] =	stream.indirect.scatter.add.f32 [tilespmem:s2], [sflag:$0x5], $0x1, s20, s31, $0xb8;
	[tilespmem:$0x1F000] =	vst v63  }
0x139: {  	s9 =	simm.s32 $0x1680  }
0x13a: {  	[spmem:s3] =	stream.indirect.scatter.add.f32 [tilespmem:s2], [sflag:$0x5], $0x1, s9, s31, $0xb8;
	[tilespmem:$0x1F000] =	vst v63  }
0x13b: {  	s13 =	simm.s32 $0x1700  }
0x13c: {  	[spmem:s3] =	stream.indirect.scatter.add.f32 [tilespmem:s2], [sflag:$0x5], $0x1, s13, s31, $0xb8;
	[tilespmem:$0x1F000] =	vst v63  }
0x13d: {  	s20 =	simm.s32 $0x1780  }
0x13e: {  	[spmem:s3] =	stream.indirect.scatter.add.f32 [tilespmem:s2], [sflag:$0x5], $0x1, s20, s31, $0xb8;
	[tilespmem:$0x1F000] =	vst v63  }
0x13f: {  	s9 =	simm.s32 $0x1800  }
0x140: {  	[spmem:s3] =	stream.indirect.scatter.add.f32 [tilespmem:s2], [sflag:$0x5], $0x1, s9, s31, $0xb8;
	[tilespmem:$0x1F000] =	vst v63  }
0x141: {  	s13 =	simm.s32 $0x1880  }
0x142: {  	[spmem:s3] =	stream.indirect.scatter.add.f32 [tilespmem:s2], [sflag:$0x5], $0x1, s13, s31, $0xb8;
	[tilespmem:$0x1F000] =	vst v63  }
0x143: {  	s20 =	simm.s32 $0x1900  }
0x144: {  	[spmem:s3] =	stream.indirect.scatter.add.f32 [tilespmem:s2], [sflag:$0x5], $0x1, s20, s31, $0xb8;
	[tilespmem:$0x1F000] =	vst v63  }
0x145: {  	s9 =	simm.s32 $0x1980  }
0x146: {  	[spmem:s3] =	stream.indirect.scatter.add.f32 [tilespmem:s2], [sflag:$0x5], $0x1, s9, s31, $0xb8;
	[tilespmem:$0x1F000] =	vst v63  }
0x147: {  	s13 =	simm.s32 $0x1A00  }
0x148: {  	[spmem:s3] =	stream.indirect.scatter.add.f32 [tilespmem:s2], [sflag:$0x5], $0x1, s13, s31, $0xb8;
	[tilespmem:$0x1F000] =	vst v63  }
0x149: {  	s20 =	simm.s32 $0x1A80  }
0x14a: {  	[spmem:s3] =	stream.indirect.scatter.add.f32 [tilespmem:s2], [sflag:$0x5], $0x1, s20, s31, $0xb8;
	[tilespmem:$0x1F000] =	vst v63  }
0x14b: {  	s9 =	simm.s32 $0x1B00  }
0x14c: {  	[spmem:s3] =	stream.indirect.scatter.add.f32 [tilespmem:s2], [sflag:$0x5], $0x1, s9, s31, $0xb8;
	[tilespmem:$0x1F000] =	vst v63  }
0x14d: {  	s13 =	simm.s32 $0x1B80  }
0x14e: {  	[spmem:s3] =	stream.indirect.scatter.add.f32 [tilespmem:s2], [sflag:$0x5], $0x1, s13, s31, $0xb8;
	[tilespmem:$0x1F000] =	vst v63  }
0x14f: {  	s20 =	simm.s32 $0x1C00  }
0x150: {  	[spmem:s3] =	stream.indirect.scatter.add.f32 [tilespmem:s2], [sflag:$0x5], $0x1, s20, s31, $0xb8;
	[tilespmem:$0x1F000] =	vst v63  }
0x151: {  	s9 =	simm.s32 $0x1C80  }
0x152: {  	[spmem:s3] =	stream.indirect.scatter.add.f32 [tilespmem:s2], [sflag:$0x5], $0x1, s9, s31, $0xb8;
	[tilespmem:$0x1F000] =	vst v63  }
0x153: {  	s13 =	simm.s32 $0x1D00  }
0x154: {  	[spmem:s3] =	stream.indirect.scatter.add.f32 [tilespmem:s2], [sflag:$0x5], $0x1, s13, s31, $0xb8;
	[tilespmem:$0x1F000] =	vst v63  }
0x155: {  	s20 =	simm.s32 $0x1D80  }
0x156: {  	[spmem:s3] =	stream.indirect.scatter.add.f32 [tilespmem:s2], [sflag:$0x5], $0x1, s20, s31, $0xb8;
	[tilespmem:$0x1F000] =	vst v63  }
0x157: {  	s9 =	simm.s32 $0x1E00  }
0x158: {  	[spmem:s3] =	stream.indirect.scatter.add.f32 [tilespmem:s2], [sflag:$0x5], $0x1, s9, s31, $0xb8;
	[tilespmem:$0x1F000] =	vst v63  }
0x159: {  	s13 =	simm.s32 $0x1E80  }
0x15a: {  	[spmem:s3] =	stream.indirect.scatter.add.f32 [tilespmem:s2], [sflag:$0x5], $0x1, s13, s31, $0xb8;
	[tilespmem:$0x1F000] =	vst v63  }
0x15b: {  	s20 =	simm.s32 $0x1F00  }
0x15c: {  	[spmem:s3] =	stream.indirect.scatter.add.f32 [tilespmem:s2], [sflag:$0x5], $0x1, s20, s31, $0xb8;
	[tilespmem:$0x1F000] =	vst v63  }
0x15d: {  	s9 =	simm.s32 $0x1F80  }
0x15e: {  	[spmem:s3] =	stream.indirect.scatter.add.f32 [tilespmem:s2], [sflag:$0x5], $0x1, s9, s31, $0xb8;
	[tilespmem:$0x1F000] =	vst v63  }
0x15f: {  	s13 =	simm.s32 $0x2000  }
0x160: {  	[spmem:s3] =	stream.indirect.scatter.add.f32 [tilespmem:s2], [sflag:$0x5], $0x1, s13, s31, $0xb8;
	[tilespmem:$0x1F000] =	vst v63  }
0x161: {  	s20 =	simm.s32 $0x2080  }
0x162: {  	[spmem:s3] =	stream.indirect.scatter.add.f32 [tilespmem:s2], [sflag:$0x5], $0x1, s20, s31, $0xb8;
	[tilespmem:$0x1F000] =	vst v63  }
0x163: {  	s9 =	simm.s32 $0x2100  }
0x164: {  	[spmem:s3] =	stream.indirect.scatter.add.f32 [tilespmem:s2], [sflag:$0x5], $0x1, s9, s31, $0xb8;
	[tilespmem:$0x1F000] =	vst v63  }
0x165: {  	s13 =	simm.s32 $0x2180  }
0x166: {  	[spmem:s3] =	stream.indirect.scatter.add.f32 [tilespmem:s2], [sflag:$0x5], $0x1, s13, s31, $0xb8;
	[tilespmem:$0x1F000] =	vst v63  }
0x167: {  	s20 =	simm.s32 $0x2200  }
0x168: {  	[spmem:s3] =	stream.indirect.scatter.add.f32 [tilespmem:s2], [sflag:$0x5], $0x1, s20, s31, $0xb8;
	[tilespmem:$0x1F000] =	vst v63  }
0x169: {  	s9 =	simm.s32 $0x2280  }
0x16a: {  	[spmem:s3] =	stream.indirect.scatter.add.f32 [tilespmem:s2], [sflag:$0x5], $0x1, s9, s31, $0xb8;
	[tilespmem:$0x1F000] =	vst v63  }
0x16b: {  	s13 =	simm.s32 $0x2300  }
0x16c: {  	[spmem:s3] =	stream.indirect.scatter.add.f32 [tilespmem:s2], [sflag:$0x5], $0x1, s13, s31, $0xb8;
	[tilespmem:$0x1F000] =	vst v63  }
0x16d: {  	s20 =	simm.s32 $0x2380  }
0x16e: {  	[spmem:s3] =	stream.indirect.scatter.add.f32 [tilespmem:s2], [sflag:$0x5], $0x1, s20, s31, $0xb8;
	[tilespmem:$0x1F000] =	vst v63  }
0x16f: {  	s9 =	simm.s32 $0x2400  }
0x170: {  	[spmem:s3] =	stream.indirect.scatter.add.f32 [tilespmem:s2], [sflag:$0x5], $0x1, s9, s31, $0xb8;
	[tilespmem:$0x1F000] =	vst v63  }
0x171: {  	s13 =	simm.s32 $0x2480  }
0x172: {  	[spmem:s3] =	stream.indirect.scatter.add.f32 [tilespmem:s2], [sflag:$0x5], $0x1, s13, s31, $0xb8;
	[tilespmem:$0x1F000] =	vst v63  }
0x173: {  	s20 =	simm.s32 $0x2500  }
0x174: {  	[spmem:s3] =	stream.indirect.scatter.add.f32 [tilespmem:s2], [sflag:$0x5], $0x1, s20, s31, $0xb8;
	[tilespmem:$0x1F000] =	vst v63  }
0x175: {  	s9 =	simm.s32 $0x2580  }
0x176: {  	[spmem:s3] =	stream.indirect.scatter.add.f32 [tilespmem:s2], [sflag:$0x5], $0x1, s9, s31, $0xb8;
	[tilespmem:$0x1F000] =	vst v63  }
0x177: {  	s13 =	simm.s32 $0x2600  }
0x178: {  	[spmem:s3] =	stream.indirect.scatter.add.f32 [tilespmem:s2], [sflag:$0x5], $0x1, s13, s31, $0xb8;
	[tilespmem:$0x1F000] =	vst v63  }
0x179: {  	s20 =	simm.s32 $0x2680  }
0x17a: {  	[spmem:s3] =	stream.indirect.scatter.add.f32 [tilespmem:s2], [sflag:$0x5], $0x1, s20, s31, $0xb8;
	[tilespmem:$0x1F000] =	vst v63  }
0x17b: {  	_ = 	snop  }
0x17c: {  	[spmem:s3] =	stream.indirect.scatter.add.f32 [tilespmem:s2], [sflag:$0x5], $0x1, s11, s31, $0xb8;
	[tilespmem:$0x1F000] =	vst v63  }
0x17d: {  	_ = 	snop  }
0x17e: {  	[spmem:s3] =	stream.indirect.scatter.add.f32 [tilespmem:s2], [sflag:$0x5], $0x1, s23, s31, $0xb8;
	[tilespmem:$0x1F000] =	vst v63  }
0x17f: {  	_ =	swait.ge [sflag:s21], $0x80  }
0x180: {  	s13 =	simm.s32 $0x27;
	[sflag:s21] =	ssyncset.done $0x0  }
.LBB2_6:
0x181: {  	p1 =	sne.s32 s13, $0x1;
	s13 =	sadd.s32 $0xFFFFFFFF, s13;
	[sflag:s21] =	ssyncadd.s32 $0xFFFFFF80  }
.Ltmp2:
0x182: {  	(pc) =	sbr.rel @p1 .LBB2_6-.Ltmp2, $3  }
0x183: {  	_ =	sdelay $0x1  }
0x184: {  	_ =	swait.ge [sflag:s21], $0x80  }
0x185: {  	[sflag:s21] =	ssyncset.done $0x0  }
0x186: {  	[sflag:s21] =	ssyncadd.s32 $0xFFFFFF80;
	s8 =	rddreg [dreg:$0xc]  }
0x187: {  	[tilespmem:s5], [sflag:$0x6] =	stream.linear.gather [hbm4b:s8+s5], $0x1400, $0x38;
	[tilespmem:$0x1F000] =	vst v63  }
0x188: {  	_ =	swait.ge [sflag:s28], $0x1400  }
0x189: {  	[sflag:s28] =	ssyncset.done $0x0  }
0x18a: {  	[sflag:s28] =	ssyncadd.s32 $0xFFFFEC00  }
0x18b: {  	[spmem:s3] =	stream.indirect.scatter.add.f32 [tilespmem:s2], [sflag:$0x5], $0x1, s5, s31, $0xb8;
	[tilespmem:$0x1F000] =	vst v63  }
0x18c: {  	_ = 	snop  }
0x18d: {  	[spmem:s3] =	stream.indirect.scatter.add.f32 [tilespmem:s2], [sflag:$0x5], $0x1, s31, s31, $0xb8;
	[tilespmem:$0x1F000] =	vst v63  }
0x18e: {  	s13 =	simm.s32 $0x100  }
0x18f: {  	[spmem:s3] =	stream.indirect.scatter.add.f32 [tilespmem:s2], [sflag:$0x5], $0x1, s13, s31, $0xb8;
	[tilespmem:$0x1F000] =	vst v63  }
0x190: {  	s20 =	simm.s32 $0x180  }
0x191: {  	[spmem:s3] =	stream.indirect.scatter.add.f32 [tilespmem:s2], [sflag:$0x5], $0x1, s20, s31, $0xb8;
	[tilespmem:$0x1F000] =	vst v63  }
0x192: {  	s9 =	simm.s32 $0x200  }
0x193: {  	[spmem:s3] =	stream.indirect.scatter.add.f32 [tilespmem:s2], [sflag:$0x5], $0x1, s9, s31, $0xb8;
	[tilespmem:$0x1F000] =	vst v63  }
0x194: {  	s13 =	simm.s32 $0x280  }
0x195: {  	[spmem:s3] =	stream.indirect.scatter.add.f32 [tilespmem:s2], [sflag:$0x5], $0x1, s13, s31, $0xb8;
	[tilespmem:$0x1F000] =	vst v63  }
0x196: {  	s20 =	simm.s32 $0x300  }
0x197: {  	[spmem:s3] =	stream.indirect.scatter.add.f32 [tilespmem:s2], [sflag:$0x5], $0x1, s20, s31, $0xb8;
	[tilespmem:$0x1F000] =	vst v63  }
0x198: {  	s9 =	simm.s32 $0x380  }
0x199: {  	[spmem:s3] =	stream.indirect.scatter.add.f32 [tilespmem:s2], [sflag:$0x5], $0x1, s9, s31, $0xb8;
	[tilespmem:$0x1F000] =	vst v63  }
0x19a: {  	s13 =	simm.s32 $0x400  }
0x19b: {  	[spmem:s3] =	stream.indirect.scatter.add.f32 [tilespmem:s2], [sflag:$0x5], $0x1, s13, s31, $0xb8;
	[tilespmem:$0x1F000] =	vst v63  }
0x19c: {  	s20 =	simm.s32 $0x480  }
0x19d: {  	[spmem:s3] =	stream.indirect.scatter.add.f32 [tilespmem:s2], [sflag:$0x5], $0x1, s20, s31, $0xb8;
	[tilespmem:$0x1F000] =	vst v63  }
0x19e: {  	s9 =	simm.s32 $0x500  }
0x19f: {  	[spmem:s3] =	stream.indirect.scatter.add.f32 [tilespmem:s2], [sflag:$0x5], $0x1, s9, s31, $0xb8;
	[tilespmem:$0x1F000] =	vst v63  }
0x1a0: {  	s13 =	simm.s32 $0x580  }
0x1a1: {  	[spmem:s3] =	stream.indirect.scatter.add.f32 [tilespmem:s2], [sflag:$0x5], $0x1, s13, s31, $0xb8;
	[tilespmem:$0x1F000] =	vst v63  }
0x1a2: {  	s20 =	simm.s32 $0x600  }
0x1a3: {  	[spmem:s3] =	stream.indirect.scatter.add.f32 [tilespmem:s2], [sflag:$0x5], $0x1, s20, s31, $0xb8;
	[tilespmem:$0x1F000] =	vst v63  }
0x1a4: {  	s9 =	simm.s32 $0x680  }
0x1a5: {  	[spmem:s3] =	stream.indirect.scatter.add.f32 [tilespmem:s2], [sflag:$0x5], $0x1, s9, s31, $0xb8;
	[tilespmem:$0x1F000] =	vst v63  }
0x1a6: {  	s13 =	simm.s32 $0x700  }
0x1a7: {  	[spmem:s3] =	stream.indirect.scatter.add.f32 [tilespmem:s2], [sflag:$0x5], $0x1, s13, s31, $0xb8;
	[tilespmem:$0x1F000] =	vst v63  }
0x1a8: {  	s20 =	simm.s32 $0x780  }
0x1a9: {  	[spmem:s3] =	stream.indirect.scatter.add.f32 [tilespmem:s2], [sflag:$0x5], $0x1, s20, s31, $0xb8;
	[tilespmem:$0x1F000] =	vst v63  }
0x1aa: {  	s9 =	simm.s32 $0x800  }
0x1ab: {  	[spmem:s3] =	stream.indirect.scatter.add.f32 [tilespmem:s2], [sflag:$0x5], $0x1, s9, s31, $0xb8;
	[tilespmem:$0x1F000] =	vst v63  }
0x1ac: {  	s13 =	simm.s32 $0x880  }
0x1ad: {  	[spmem:s3] =	stream.indirect.scatter.add.f32 [tilespmem:s2], [sflag:$0x5], $0x1, s13, s31, $0xb8;
	[tilespmem:$0x1F000] =	vst v63  }
0x1ae: {  	s20 =	simm.s32 $0x900  }
0x1af: {  	[spmem:s3] =	stream.indirect.scatter.add.f32 [tilespmem:s2], [sflag:$0x5], $0x1, s20, s31, $0xb8;
	[tilespmem:$0x1F000] =	vst v63  }
0x1b0: {  	s9 =	simm.s32 $0x980  }
0x1b1: {  	[spmem:s3] =	stream.indirect.scatter.add.f32 [tilespmem:s2], [sflag:$0x5], $0x1, s9, s31, $0xb8;
	[tilespmem:$0x1F000] =	vst v63  }
0x1b2: {  	s13 =	simm.s32 $0xA00  }
0x1b3: {  	[spmem:s3] =	stream.indirect.scatter.add.f32 [tilespmem:s2], [sflag:$0x5], $0x1, s13, s31, $0xb8;
	[tilespmem:$0x1F000] =	vst v63  }
0x1b4: {  	s20 =	simm.s32 $0xA80  }
0x1b5: {  	[spmem:s3] =	stream.indirect.scatter.add.f32 [tilespmem:s2], [sflag:$0x5], $0x1, s20, s31, $0xb8;
	[tilespmem:$0x1F000] =	vst v63  }
0x1b6: {  	s9 =	simm.s32 $0xB00  }
0x1b7: {  	[spmem:s3] =	stream.indirect.scatter.add.f32 [tilespmem:s2], [sflag:$0x5], $0x1, s9, s31, $0xb8;
	[tilespmem:$0x1F000] =	vst v63  }
0x1b8: {  	s13 =	simm.s32 $0xB80  }
0x1b9: {  	[spmem:s3] =	stream.indirect.scatter.add.f32 [tilespmem:s2], [sflag:$0x5], $0x1, s13, s31, $0xb8;
	[tilespmem:$0x1F000] =	vst v63  }
0x1ba: {  	s20 =	simm.s32 $0xC00  }
0x1bb: {  	[spmem:s3] =	stream.indirect.scatter.add.f32 [tilespmem:s2], [sflag:$0x5], $0x1, s20, s31, $0xb8;
	[tilespmem:$0x1F000] =	vst v63  }
0x1bc: {  	s9 =	simm.s32 $0xC80  }
0x1bd: {  	[spmem:s3] =	stream.indirect.scatter.add.f32 [tilespmem:s2], [sflag:$0x5], $0x1, s9, s31, $0xb8;
	[tilespmem:$0x1F000] =	vst v63  }
0x1be: {  	s13 =	simm.s32 $0xD00  }
0x1bf: {  	[spmem:s3] =	stream.indirect.scatter.add.f32 [tilespmem:s2], [sflag:$0x5], $0x1, s13, s31, $0xb8;
	[tilespmem:$0x1F000] =	vst v63  }
0x1c0: {  	s20 =	simm.s32 $0xD80  }
0x1c1: {  	[spmem:s3] =	stream.indirect.scatter.add.f32 [tilespmem:s2], [sflag:$0x5], $0x1, s20, s31, $0xb8;
	[tilespmem:$0x1F000] =	vst v63  }
0x1c2: {  	s9 =	simm.s32 $0xE00  }
0x1c3: {  	[spmem:s3] =	stream.indirect.scatter.add.f32 [tilespmem:s2], [sflag:$0x5], $0x1, s9, s31, $0xb8;
	[tilespmem:$0x1F000] =	vst v63  }
0x1c4: {  	s13 =	simm.s32 $0xE80  }
0x1c5: {  	[spmem:s3] =	stream.indirect.scatter.add.f32 [tilespmem:s2], [sflag:$0x5], $0x1, s13, s31, $0xb8;
	[tilespmem:$0x1F000] =	vst v63  }
0x1c6: {  	s20 =	simm.s32 $0xF00  }
0x1c7: {  	[spmem:s3] =	stream.indirect.scatter.add.f32 [tilespmem:s2], [sflag:$0x5], $0x1, s20, s31, $0xb8;
	[tilespmem:$0x1F000] =	vst v63  }
0x1c8: {  	s9 =	simm.s32 $0xF80  }
0x1c9: {  	[spmem:s3] =	stream.indirect.scatter.add.f32 [tilespmem:s2], [sflag:$0x5], $0x1, s9, s31, $0xb8;
	[tilespmem:$0x1F000] =	vst v63  }
0x1ca: {  	s13 =	simm.s32 $0x1000  }
0x1cb: {  	[spmem:s3] =	stream.indirect.scatter.add.f32 [tilespmem:s2], [sflag:$0x5], $0x1, s13, s31, $0xb8;
	[tilespmem:$0x1F000] =	vst v63  }
0x1cc: {  	s20 =	simm.s32 $0x1080  }
0x1cd: {  	[spmem:s3] =	stream.indirect.scatter.add.f32 [tilespmem:s2], [sflag:$0x5], $0x1, s20, s31, $0xb8;
	[tilespmem:$0x1F000] =	vst v63  }
0x1ce: {  	s9 =	simm.s32 $0x1100  }
0x1cf: {  	[spmem:s3] =	stream.indirect.scatter.add.f32 [tilespmem:s2], [sflag:$0x5], $0x1, s9, s31, $0xb8;
	[tilespmem:$0x1F000] =	vst v63  }
0x1d0: {  	s13 =	simm.s32 $0x1180  }
0x1d1: {  	[spmem:s3] =	stream.indirect.scatter.add.f32 [tilespmem:s2], [sflag:$0x5], $0x1, s13, s31, $0xb8;
	[tilespmem:$0x1F000] =	vst v63  }
0x1d2: {  	s20 =	simm.s32 $0x1200  }
0x1d3: {  	[spmem:s3] =	stream.indirect.scatter.add.f32 [tilespmem:s2], [sflag:$0x5], $0x1, s20, s31, $0xb8;
	[tilespmem:$0x1F000] =	vst v63  }
0x1d4: {  	s9 =	simm.s32 $0x1280  }
0x1d5: {  	[spmem:s3] =	stream.indirect.scatter.add.f32 [tilespmem:s2], [sflag:$0x5], $0x1, s9, s31, $0xb8;
	[tilespmem:$0x1F000] =	vst v63  }
0x1d6: {  	s13 =	simm.s32 $0x1300  }
0x1d7: {  	[spmem:s3] =	stream.indirect.scatter.add.f32 [tilespmem:s2], [sflag:$0x5], $0x1, s13, s31, $0xb8;
	[tilespmem:$0x1F000] =	vst v63  }
0x1d8: {  	s20 =	simm.s32 $0x1380  }
0x1d9: {  	[spmem:s3] =	stream.indirect.scatter.add.f32 [tilespmem:s2], [sflag:$0x5], $0x1, s20, s31, $0xb8;
	[tilespmem:$0x1F000] =	vst v63  }
0x1da: {  	_ =	swait.ge [sflag:s21], $0x80  }
0x1db: {  	s13 =	simm.s32 $0x4F;
	[sflag:s21] =	ssyncset.done $0x0  }
.LBB2_8:
0x1dc: {  	p1 =	sne.s32 s13, $0x1;
	s13 =	sadd.s32 $0xFFFFFFFF, s13;
	[sflag:s21] =	ssyncadd.s32 $0xFFFFFF80  }
.Ltmp3:
0x1dd: {  	(pc) =	sbr.rel @p1 .LBB2_8-.Ltmp3, $3  }
0x1de: {  	_ =	sdelay $0x1  }
0x1df: {  	_ =	swait.ge [sflag:s21], $0x80  }
0x1e0: {  	[sflag:s21] =	ssyncset.done $0x0  }
0x1e1: {  	[sflag:s21] =	ssyncadd.s32 $0xFFFFFF80;
	s8 =	simm.s32 $0x0  }
0x1e2: {  	[tilespmem:s8], [sflag:$0x6] =	stream.linear.gather [hbm4b:s16+s8], $0x1400, $0x38;
	[tilespmem:$0x1F000] =	vst v63  }
0x1e3: {  	_ =	swait.ge [sflag:s28], $0x1400  }
0x1e4: {  	[sflag:s28] =	ssyncset.done $0x0  }
0x1e5: {  	[sflag:s28] =	ssyncadd.s32 $0xFFFFEC00  }
0x1e6: {  	[tilespmem:s30], [sflag:$0x6] =	stream.linear.gather [hbm4b:s17+s8], $0x1400, $0x38;
	[tilespmem:$0x1F000] =	vst v63  }
0x1e7: {  	_ =	swait.ge [sflag:s28], $0x1400  }
0x1e8: {  	[sflag:s28] =	ssyncset.done $0x0  }
0x1e9: {  	[sflag:s28] =	ssyncadd.s32 $0xFFFFEC00  }
0x1ea: {  	[tilespmem:s26], [sflag:$0x1] =	stream.indirect.gather [hbm4b:s6+s31], $0x80, s8, s31, $0xb8;
	[tilespmem:$0x1F000] =	vst v63  }
0x1eb: {  	_ = 	snop  }
0x1ec: {  	[tilespmem:s10], [sflag:$0x2] =	stream.indirect.gather [hbm4b:s6+s31], $0x80, s31, s31, $0xb8;
	[tilespmem:$0x1F000] =	vst v63  }
0x1ed: {  	_ =	swait.ge [sflag:s22], $0x4000  }
0x1ee: {  	[sflag:s22] =	ssyncset.done $0x0  }
0x1ef: {  	s9 =	simm.s32 $0x1400;
	[sflag:s22] =	ssyncadd.s32 $0xFFFFC000  }
0x1f0: {  	[spmem:s1] =	stream.indirect.scatter.add.f32 [tilespmem:s26], [sflag:$0x3], $0x80, s9, s31, $0xb8;
	[tilespmem:$0x1F000] =	vst v63  }
0x1f1: {  	_ =	swait.ge [sflag:s15], $0x4000  }
0x1f2: {  	[sflag:s15] =	ssyncset.done $0x0  }
0x1f3: {  	s13 =	simm.s32 $0x1480;
	[sflag:s15] =	ssyncadd.s32 $0xFFFFC000  }
0x1f4: {  	[spmem:s1] =	stream.indirect.scatter.add.f32 [tilespmem:s10], [sflag:$0x4], $0x80, s13, s31, $0xb8;
	[tilespmem:$0x1F000] =	vst v63  }
0x1f5: {  	_ =	swait.ge [sflag:s24], $0x4000  }
0x1f6: {  	[sflag:s24] =	ssyncset.done $0x0  }
0x1f7: {  	s20 =	simm.s32 $0x100;
	[sflag:s24] =	ssyncadd.s32 $0xFFFFC000  }
0x1f8: {  	[tilespmem:s26], [sflag:$0x1] =	stream.indirect.gather [hbm4b:s6+s31], $0x80, s20, s31, $0xb8;
	[tilespmem:$0x1F000] =	vst v63  }
0x1f9: {  	_ =	swait.ge [sflag:s0], $0x4000  }
0x1fa: {  	[sflag:s0] =	ssyncset.done $0x0  }
0x1fb: {  	s8 =	simm.s32 $0x180;
	s20 =	simm.s32 $0x400;
	[sflag:s0] =	ssyncadd.s32 $0xFFFFC000  }
.LBB2_10:
0x1fc: {  	[tilespmem:s10], [sflag:$0x2] =	stream.indirect.gather [hbm4b:s6+s31], $0x80, s8, s31, $0xb8;
	[tilespmem:$0x1F000] =	vst v63  }
0x1fd: {  	s8 =	smov.u32 s20  }
0x1fe: {  	p1 =	sne.s32 s20, $0x4800;
	s20 =	sadd.s32 $0x400, s20;
	_ =	swait.ge [sflag:s22], $0x4000  }
0x1ff: {  	s8 =	sshra.s32 s8, $0x2;
	[sflag:s22] =	ssyncset.done $0x0  }
0x200: {  	s9 =	sadd.s32 $0x1400, s8;
	[sflag:s22] =	ssyncadd.s32 $0xFFFFC000  }
0x201: {  	[spmem:s1] =	stream.indirect.scatter.add.f32 [tilespmem:s26], [sflag:$0x3], $0x80, s9, s31, $0xb8;
	[tilespmem:$0x1F000] =	vst v63  }
0x202: {  	_ =	swait.ge [sflag:s15], $0x4000  }
0x203: {  	[sflag:s15] =	ssyncset.done $0x0  }
0x204: {  	s9 =	sadd.s32 $0x1480, s8;
	[sflag:s15] =	ssyncadd.s32 $0xFFFFC000  }
0x205: {  	[spmem:s1] =	stream.indirect.scatter.add.f32 [tilespmem:s10], [sflag:$0x4], $0x80, s9, s31, $0xb8;
	[tilespmem:$0x1F000] =	vst v63  }
0x206: {  	_ =	swait.ge [sflag:s24], $0x4000  }
0x207: {  	[sflag:s24] =	ssyncset.done $0x0  }
.Ltmp4:
0x208: {  	s9 =	sadd.s32 $0x100, s8;
	[sflag:s24] =	ssyncadd.s32 $0xFFFFC000;
	(pc) =	sbr.rel @p1 .LBB2_10-.Ltmp4, $4  }
0x209: {  	[tilespmem:s26], [sflag:$0x1] =	stream.indirect.gather [hbm4b:s6+s31], $0x80, s9, s31, $0xb8;
	[tilespmem:$0x1F000] =	vst v63  }
0x20a: {  	_ =	swait.ge [sflag:s0], $0x4000  }
0x20b: {  	[sflag:s0] =	ssyncset.done $0x0  }
0x20c: {  	s8 =	sadd.s32 $0x180, s8;
	[sflag:s0] =	ssyncadd.s32 $0xFFFFC000  }
0x20d: {  	[tilespmem:s10], [sflag:$0x2] =	stream.indirect.gather [hbm4b:s6+s31], $0x80, s8, s31, $0xb8;
	[tilespmem:$0x1F000] =	vst v63  }
0x20e: {  	_ =	swait.ge [sflag:s22], $0x4000  }
0x20f: {  	[sflag:s22] =	ssyncset.done $0x0  }
0x210: {  	[sflag:s22] =	ssyncadd.s32 $0xFFFFC000  }
0x211: {  	[spmem:s1] =	stream.indirect.scatter.add.f32 [tilespmem:s26], [sflag:$0x3], $0x80, s11, s31, $0xb8;
	[tilespmem:$0x1F000] =	vst v63  }
0x212: {  	_ =	swait.ge [sflag:s15], $0x4000  }
0x213: {  	[sflag:s15] =	ssyncset.done $0x0  }
0x214: {  	[sflag:s15] =	ssyncadd.s32 $0xFFFFC000  }
0x215: {  	[spmem:s1] =	stream.indirect.scatter.add.f32 [tilespmem:s10], [sflag:$0x4], $0x80, s23, s31, $0xb8;
	[tilespmem:$0x1F000] =	vst v63  }
0x216: {  	_ =	swait.ge [sflag:s24], $0x4000  }
0x217: {  	[sflag:s24] =	ssyncset.done $0x0  }
0x218: {  	[sflag:s24] =	ssyncadd.s32 $0xFFFFC000  }
0x219: {  	_ =	swait.ge [sflag:s0], $0x4000  }
0x21a: {  	[sflag:s0] =	ssyncset.done $0x0  }
0x21b: {  	s20 =	simm.s32 $0x0;
	[sflag:s0] =	ssyncadd.s32 $0xFFFFC000  }
0x21c: {  	[tilespmem:s20], [sflag:$0x6] =	stream.linear.gather [hbm4b:s18+s20], $0x1400, $0x38;
	[tilespmem:$0x1F000] =	vst v63  }
0x21d: {  	_ =	swait.ge [sflag:s28], $0x1400  }
0x21e: {  	[sflag:s28] =	ssyncset.done $0x0  }
0x21f: {  	[sflag:s28] =	ssyncadd.s32 $0xFFFFEC00  }
0x220: {  	[tilespmem:s30], [sflag:$0x6] =	stream.linear.gather [hbm4b:s19+s20], $0x1400, $0x38;
	[tilespmem:$0x1F000] =	vst v63  }
0x221: {  	_ =	swait.ge [sflag:s28], $0x1400  }
0x222: {  	[sflag:s28] =	ssyncset.done $0x0  }
0x223: {  	[sflag:s28] =	ssyncadd.s32 $0xFFFFEC00  }
0x224: {  	[tilespmem:s26], [sflag:$0x1] =	stream.indirect.gather [hbm4b:s6+s31], $0x80, s20, s31, $0xb8;
	[tilespmem:$0x1F000] =	vst v63  }
0x225: {  	_ = 	snop  }
0x226: {  	[tilespmem:s10], [sflag:$0x2] =	stream.indirect.gather [hbm4b:s6+s31], $0x80, s31, s31, $0xb8;
	[tilespmem:$0x1F000] =	vst v63  }
0x227: {  	_ =	swait.ge [sflag:s22], $0x4000  }
0x228: {  	[sflag:s22] =	ssyncset.done $0x0  }
0x229: {  	s9 =	simm.s32 $0x1400;
	[sflag:s22] =	ssyncadd.s32 $0xFFFFC000  }
0x22a: {  	[spmem:s1] =	stream.indirect.scatter.add.f32 [tilespmem:s26], [sflag:$0x3], $0x80, s9, s31, $0xb8;
	[tilespmem:$0x1F000] =	vst v63  }
0x22b: {  	_ =	swait.ge [sflag:s15], $0x4000  }
0x22c: {  	[sflag:s15] =	ssyncset.done $0x0  }
0x22d: {  	s13 =	simm.s32 $0x1480;
	[sflag:s15] =	ssyncadd.s32 $0xFFFFC000  }
0x22e: {  	[spmem:s1] =	stream.indirect.scatter.add.f32 [tilespmem:s10], [sflag:$0x4], $0x80, s13, s31, $0xb8;
	[tilespmem:$0x1F000] =	vst v63  }
0x22f: {  	_ =	swait.ge [sflag:s24], $0x4000  }
0x230: {  	[sflag:s24] =	ssyncset.done $0x0  }
0x231: {  	s20 =	simm.s32 $0x100;
	[sflag:s24] =	ssyncadd.s32 $0xFFFFC000  }
0x232: {  	[tilespmem:s26], [sflag:$0x1] =	stream.indirect.gather [hbm4b:s6+s31], $0x80, s20, s31, $0xb8;
	[tilespmem:$0x1F000] =	vst v63  }
0x233: {  	_ =	swait.ge [sflag:s0], $0x4000  }
0x234: {  	[sflag:s0] =	ssyncset.done $0x0  }
0x235: {  	s8 =	simm.s32 $0x180;
	s20 =	simm.s32 $0x400;
	[sflag:s0] =	ssyncadd.s32 $0xFFFFC000  }
.LBB2_12:
0x236: {  	[tilespmem:s10], [sflag:$0x2] =	stream.indirect.gather [hbm4b:s6+s31], $0x80, s8, s31, $0xb8;
	[tilespmem:$0x1F000] =	vst v63  }
0x237: {  	s8 =	smov.u32 s20  }
0x238: {  	p1 =	sne.s32 s20, $0x4800;
	s20 =	sadd.s32 $0x400, s20;
	_ =	swait.ge [sflag:s22], $0x4000  }
0x239: {  	s8 =	sshra.s32 s8, $0x2;
	[sflag:s22] =	ssyncset.done $0x0  }
0x23a: {  	s9 =	sadd.s32 $0x1400, s8;
	[sflag:s22] =	ssyncadd.s32 $0xFFFFC000  }
0x23b: {  	[spmem:s1] =	stream.indirect.scatter.add.f32 [tilespmem:s26], [sflag:$0x3], $0x80, s9, s31, $0xb8;
	[tilespmem:$0x1F000] =	vst v63  }
0x23c: {  	_ =	swait.ge [sflag:s15], $0x4000  }
0x23d: {  	[sflag:s15] =	ssyncset.done $0x0  }
0x23e: {  	s9 =	sadd.s32 $0x1480, s8;
	[sflag:s15] =	ssyncadd.s32 $0xFFFFC000  }
0x23f: {  	[spmem:s1] =	stream.indirect.scatter.add.f32 [tilespmem:s10], [sflag:$0x4], $0x80, s9, s31, $0xb8;
	[tilespmem:$0x1F000] =	vst v63  }
0x240: {  	_ =	swait.ge [sflag:s24], $0x4000  }
0x241: {  	[sflag:s24] =	ssyncset.done $0x0  }
.Ltmp5:
0x242: {  	s9 =	sadd.s32 $0x100, s8;
	[sflag:s24] =	ssyncadd.s32 $0xFFFFC000;
	(pc) =	sbr.rel @p1 .LBB2_12-.Ltmp5, $4  }
0x243: {  	[tilespmem:s26], [sflag:$0x1] =	stream.indirect.gather [hbm4b:s6+s31], $0x80, s9, s31, $0xb8;
	[tilespmem:$0x1F000] =	vst v63  }
0x244: {  	_ =	swait.ge [sflag:s0], $0x4000  }
0x245: {  	[sflag:s0] =	ssyncset.done $0x0  }
0x246: {  	s8 =	sadd.s32 $0x180, s8;
	[sflag:s0] =	ssyncadd.s32 $0xFFFFC000  }
0x247: {  	[tilespmem:s10], [sflag:$0x2] =	stream.indirect.gather [hbm4b:s6+s31], $0x80, s8, s31, $0xb8;
	[tilespmem:$0x1F000] =	vst v63  }
0x248: {  	_ =	swait.ge [sflag:s22], $0x4000  }
0x249: {  	[sflag:s22] =	ssyncset.done $0x0  }
0x24a: {  	[sflag:s22] =	ssyncadd.s32 $0xFFFFC000  }
0x24b: {  	[spmem:s1] =	stream.indirect.scatter.add.f32 [tilespmem:s26], [sflag:$0x3], $0x80, s11, s31, $0xb8;
	[tilespmem:$0x1F000] =	vst v63  }
0x24c: {  	_ =	swait.ge [sflag:s15], $0x4000  }
0x24d: {  	[sflag:s15] =	ssyncset.done $0x0  }
0x24e: {  	[sflag:s15] =	ssyncadd.s32 $0xFFFFC000  }
0x24f: {  	[spmem:s1] =	stream.indirect.scatter.add.f32 [tilespmem:s10], [sflag:$0x4], $0x80, s23, s31, $0xb8;
	[tilespmem:$0x1F000] =	vst v63  }
0x250: {  	_ =	swait.ge [sflag:s24], $0x4000  }
0x251: {  	[sflag:s24] =	ssyncset.done $0x0  }
0x252: {  	[sflag:s24] =	ssyncadd.s32 $0xFFFFC000  }
0x253: {  	_ =	swait.ge [sflag:s0], $0x4000  }
0x254: {  	[sflag:s0] =	ssyncset.done $0x0  }
0x255: {  	[sflag:s0] =	ssyncadd.s32 $0xFFFFC000  }
0x256: {  	[bflag:$0x0] =	sbarrier.arrive $0xFFFF  }
0x257: {  	[tilespmem:s29], [sflag:$0x6] =	stream.linear.gather [spmem:s12], $0x280, $0x38;
	[tilespmem:$0x1F000] =	vst v63  }
0x258: {  	_ =	swait.ge [sflag:s28], $0x280  }
0x259: {  	[sflag:s28] =	ssyncset.done $0x0  }
0x25a: {  	s20 =	simm.s32 $0x0;
	s13 =	simm.s32 $0x40;
	[sflag:s28] =	ssyncadd.s32 $0xFFFFFD80  }
.LBB2_14:
0x25b: {  	p1 =	sne.s32 s13, $0x9C0;
	v2 =	vld [tilespmem:s20+$0xA880];
	_ =	sdelay $0x4  }
0x25c: {  	v2 =	vmax.f32 v2, $1.000000000e+00  }
0x25d: {  	(erf) = vrcp.f32 v2;
	_ =	sdelay $0x5  }
.Ltmp6:
0x25e: {  	(pc) =	sbr.rel @p1 .LBB2_14-.Ltmp6, $3  }
0x25f: {  	_ =	sdelay $0x1  }
0x260: {  	v2 =	vpop (erf)  }
0x261: {  	[tilespmem:s20+$0xA880] =	vst v2;
	s20 =	sshra.s32 s13, $0x2;
	s13 =	sadd.s32 $0x40, s13  }
0x262: {  	v2 =	vld [tilespmem:s20+$0xA880];
	_ =	sdelay $0x4  }
0x263: {  	v2 =	vmax.f32 v2, $1.000000000e+00  }
0x264: {  	(erf) = vrcp.f32 v2;
	_ =	sdelay $0x8  }
0x265: {  	v2 =	vpop (erf)  }
0x266: {  	[tilespmem:s20+$0xA880] =	vst v2  }
0x267: {  	[spmem:s12] =	stream.linear.scatter [tilespmem:s29], [sflag:$0x6], $0x280, $0x38;
	[tilespmem:$0x1F000] =	vst v63  }
0x268: {  	_ =	swait.ge [sflag:s28], $0x280  }
0x269: {  	s8 =	simm.s32 @!p0 $0x0;
	[sflag:s28] =	ssyncset.done $0x0  }
0x26a: {  	s9 =	simm.s32 @!p0 $0xA880;
	s13 =	rddreg [dreg:$0xd];
	[sflag:s28] =	ssyncadd.s32 $0xFFFFFD80  }
0x26b: {  	[hbm4b:s13+s8] =	stream.linear.scatter @!p0 [tilespmem:s9], [sflag:$0x6], $0x280, $0x38;
	[tilespmem:$0x1F000] =	vst v63  }
0x26c: {  	s8 =	simm.s32 @!p0 $0x6  }
0x26d: {  	_ =	swait.ge @!p0 [sflag:s8], $0x280  }
0x26e: {  	[sflag:s8] =	ssyncset.done @!p0 $0x0  }
0x26f: {  	[sflag:s8] =	ssyncadd.s32 @!p0 $0xFFFFFD80  }
0x270: {  	s20 =	simm.s32 $0x0;
	[bflag:$0x0] =	sbarrier.arrive $0xFFFF  }
0x271: {  	[tilespmem:s20], [sflag:$0x6] =	stream.linear.gather [hbm4b:s16+s20], $0x1400, $0x38;
	[tilespmem:$0x1F000] =	vst v63  }
0x272: {  	_ =	swait.ge [sflag:s28], $0x1400  }
0x273: {  	[sflag:s28] =	ssyncset.done $0x0  }
0x274: {  	[sflag:s28] =	ssyncadd.s32 $0xFFFFEC00  }
0x275: {  	[tilespmem:s30], [sflag:$0x6] =	stream.linear.gather [hbm4b:s17+s20], $0x1400, $0x38;
	[tilespmem:$0x1F000] =	vst v63  }
0x276: {  	_ =	swait.ge [sflag:s28], $0x1400  }
0x277: {  	s13 =	simm.s32 $0x200;
	s9 =	simm.s32 $0x1400;
	[sflag:s28] =	ssyncset.done $0x0  }
0x278: {  	s8 =	simm.s32 $0x2800;
	s20 =	simm.s32 $0x0;
	[sflag:s28] =	ssyncadd.s32 $0xFFFFEC00  }
.LBB2_16:
0x279: {  	[tilespmem:s8], [sflag:$0x5] =	stream.indirect.gather [spmem:s3], $0x1, s9, s31, $0xb8;
	[tilespmem:$0x1F000] =	vst v63  }
0x27a: {  	s8 =	smov.u32 s13;
	p1 =	sne.s32 s13, $0x4E00  }
.Ltmp7:
0x27b: {  	s13 =	sadd.s32 $0x200, s13;
	(pc) =	sbr.rel @p1 .LBB2_16-.Ltmp7, $3  }
0x27c: {  	_ =	sdelay $0x1  }
0x27d: {  	s9 =	sshra.s32 s8, $0x2  }
0x27e: {  	s8 =	sadd.s32 $0x2800, s9;
	s9 =	sadd.s32 $0x1400, s9  }
0x27f: {  	[tilespmem:s8], [sflag:$0x5] =	stream.indirect.gather [spmem:s3], $0x1, s9, s31, $0xb8;
	[tilespmem:$0x1F000] =	vst v63  }
0x280: {  	_ =	swait.ge [sflag:s21], $0x80  }
0x281: {  	[sflag:s21] =	ssyncset.done $0x0  }
0x282: {  	s13 =	simm.s32 $0x200;
	s8 =	simm.s32 $0x2800;
	[sflag:s21] =	ssyncadd.s32 $0xFFFFFF80  }
.LBB2_18:
0x283: {  	[spmem:s4] =	stream.indirect.scatter.add.f32 [tilespmem:s8], [sflag:$0x3], $0x1, s20, s31, $0xb8;
	[tilespmem:$0x1F000] =	vst v63  }
0x284: {  	s8 =	smov.u32 s13;
	p1 =	sne.s32 s13, $0x4E00  }
.Ltmp8:
0x285: {  	s13 =	sadd.s32 $0x200, s13;
	(pc) =	sbr.rel @p1 .LBB2_18-.Ltmp8, $4  }
0x286: {  	_ = 	snop  }
0x287: {  	_ =	swait.ge [sflag:s21], $0x80  }
0x288: {  	s20 =	sshra.s32 s8, $0x2;
	[sflag:s21] =	ssyncset.done $0x0  }
0x289: {  	s8 =	sadd.s32 $0x2800, s20;
	[sflag:s21] =	ssyncadd.s32 $0xFFFFFF80  }
0x28a: {  	[spmem:s4] =	stream.indirect.scatter.add.f32 [tilespmem:s8], [sflag:$0x3], $0x1, s20, s31, $0xb8;
	[tilespmem:$0x1F000] =	vst v63  }
0x28b: {  	_ =	swait.ge [sflag:s24], $0x80  }
0x28c: {  	s13 =	simm.s32 $0x27;
	[sflag:s24] =	ssyncset.done $0x0  }
.LBB2_20:
0x28d: {  	p1 =	sne.s32 s13, $0x1;
	s13 =	sadd.s32 $0xFFFFFFFF, s13;
	[sflag:s24] =	ssyncadd.s32 $0xFFFFFF80  }
.Ltmp9:
0x28e: {  	(pc) =	sbr.rel @p1 .LBB2_20-.Ltmp9, $3  }
0x28f: {  	_ =	sdelay $0x1  }
0x290: {  	_ =	swait.ge [sflag:s24], $0x80  }
0x291: {  	[sflag:s24] =	ssyncset.done $0x0  }
0x292: {  	[sflag:s24] =	ssyncadd.s32 $0xFFFFFF80;
	s8 =	simm.s32 $0x0  }
0x293: {  	[tilespmem:s8], [sflag:$0x6] =	stream.linear.gather [hbm4b:s18+s8], $0x1400, $0x38;
	[tilespmem:$0x1F000] =	vst v63  }
0x294: {  	_ =	swait.ge [sflag:s28], $0x1400  }
0x295: {  	[sflag:s28] =	ssyncset.done $0x0  }
0x296: {  	[sflag:s28] =	ssyncadd.s32 $0xFFFFEC00  }
0x297: {  	[tilespmem:s30], [sflag:$0x6] =	stream.linear.gather [hbm4b:s19+s8], $0x1400, $0x38;
	[tilespmem:$0x1F000] =	vst v63  }
0x298: {  	_ =	swait.ge [sflag:s28], $0x1400  }
0x299: {  	s13 =	simm.s32 $0x200;
	s20 =	simm.s32 $0x0;
	[sflag:s28] =	ssyncset.done $0x0  }
0x29a: {  	s9 =	simm.s32 $0x1400;
	s8 =	simm.s32 $0x2800;
	[sflag:s28] =	ssyncadd.s32 $0xFFFFEC00  }
.LBB2_22:
0x29b: {  	[tilespmem:s8], [sflag:$0x5] =	stream.indirect.gather [spmem:s3], $0x1, s9, s31, $0xb8;
	[tilespmem:$0x1F000] =	vst v63  }
0x29c: {  	s8 =	smov.u32 s13;
	p1 =	sne.s32 s13, $0x4E00  }
.Ltmp10:
0x29d: {  	s13 =	sadd.s32 $0x200, s13;
	(pc) =	sbr.rel @p1 .LBB2_22-.Ltmp10, $3  }
0x29e: {  	_ =	sdelay $0x1  }
0x29f: {  	s9 =	sshra.s32 s8, $0x2  }
0x2a0: {  	s8 =	sadd.s32 $0x2800, s9;
	s9 =	sadd.s32 $0x1400, s9  }
0x2a1: {  	[tilespmem:s8], [sflag:$0x5] =	stream.indirect.gather [spmem:s3], $0x1, s9, s31, $0xb8;
	[tilespmem:$0x1F000] =	vst v63  }
0x2a2: {  	_ =	swait.ge [sflag:s21], $0x80  }
0x2a3: {  	[sflag:s21] =	ssyncset.done $0x0  }
0x2a4: {  	s13 =	simm.s32 $0x200;
	s8 =	simm.s32 $0x2800;
	[sflag:s21] =	ssyncadd.s32 $0xFFFFFF80  }
.LBB2_24:
0x2a5: {  	[spmem:s4] =	stream.indirect.scatter.add.f32 [tilespmem:s8], [sflag:$0x3], $0x1, s20, s31, $0xb8;
	[tilespmem:$0x1F000] =	vst v63  }
0x2a6: {  	s8 =	smov.u32 s13;
	p1 =	sne.s32 s13, $0x4E00  }
.Ltmp11:
0x2a7: {  	s13 =	sadd.s32 $0x200, s13;
	(pc) =	sbr.rel @p1 .LBB2_24-.Ltmp11, $4  }
0x2a8: {  	_ = 	snop  }
0x2a9: {  	_ =	swait.ge [sflag:s21], $0x80  }
0x2aa: {  	s20 =	sshra.s32 s8, $0x2;
	[sflag:s21] =	ssyncset.done $0x0  }
0x2ab: {  	s8 =	sadd.s32 $0x2800, s20;
	[sflag:s21] =	ssyncadd.s32 $0xFFFFFF80  }
0x2ac: {  	[spmem:s4] =	stream.indirect.scatter.add.f32 [tilespmem:s8], [sflag:$0x3], $0x1, s20, s31, $0xb8;
	[tilespmem:$0x1F000] =	vst v63  }
0x2ad: {  	_ =	swait.ge [sflag:s24], $0x80  }
0x2ae: {  	s13 =	simm.s32 $0x27;
	[sflag:s24] =	ssyncset.done $0x0  }
.LBB2_26:
0x2af: {  	p1 =	sne.s32 s13, $0x1;
	s13 =	sadd.s32 $0xFFFFFFFF, s13;
	[sflag:s24] =	ssyncadd.s32 $0xFFFFFF80  }
.Ltmp12:
0x2b0: {  	(pc) =	sbr.rel @p1 .LBB2_26-.Ltmp12, $3  }
0x2b1: {  	_ =	sdelay $0x1  }
0x2b2: {  	_ =	swait.ge [sflag:s24], $0x80  }
0x2b3: {  	[sflag:s24] =	ssyncset.done $0x0  }
0x2b4: {  	[sflag:s24] =	ssyncadd.s32 $0xFFFFFF80;
	s8 =	stileid.u32  }
0x2b5: {  	s8 =	sshll.u32 s8, $0x6;
	[bflag:$0x0] =	sbarrier.arrive $0xFFFF  }
0x2b6: {  	s9 =	sshrl.u32 s7, $0x3;
	s8 =	sor.u32 $0x1C06, s8;
	s13 =	rddreg [dreg:$0xe]  }
0x2b7: {  	[hbm:s13], [sflag:s8] =	dma.local [spmem:s9], $0x2800  }
0x2b8: {  	_ =	swait.ge [sflag:s28], $0x2800  }
0x2b9: {  	[sflag:s28] =	ssyncset.done $0x0  }
0x2ba: {  	s13 =	sshrl.u32 s14, $0x3;
	s20 =	rddreg [dreg:$0xf];
	[sflag:s28] =	ssyncadd.s32 $0xFFFFD800  }
0x2bb: {  	[hbm:s20], [sflag:s8] =	dma.local [spmem:s13], $0x50  }
0x2bc: {  	_ =	swait.ge [sflag:s28], $0x50  }
0x2bd: {  	s25 =	sadd.s32 $0x1, s25;
	s20 =	rddreg [dreg:$0x10]  }
0x2be: {  	p1 =	sne.s32 s25, s20  }
.Ltmp13:
0x2bf: {  	_ = 	snop;
	(pc) =	sbr.rel @p1 .LBB2_1-.Ltmp13, $3  }
0x2c0: {  	_ =	sdelay $0x1  }
0x2c1: {  	[sflag:s28] =	ssyncset.done $0x0  }
0x2c2: {  	s9 =	simm.s32 $0x1480;
	[sflag:s28] =	ssyncadd.s32 $0xFFFFFFB0  }
0x2c3: {  	_ =	sfence.sel $0x180000  }
0x2c4: {  	[bflag:$0x0] =	sbarrier.arrive $0xFFFF  }
0x2c5: {  	_ =	strace $0x90000047  }
0x2c6: {  	s0 =	stileid.u32;
	[bflag:$0x2] =	sbarrier.arrive $0xFFFF  }
0x2c7: {  	p0 =	sne.s32 s0, $0x0;
	s0 =	rddreg [dreg:$0x4]  }
0x2c8: {  	s0 =	sadd.s32 @!p0 $0x100000, s0  }
0x2c9: {  	[sflag:s0] =	ssyncadd.tile.s32 @!p0 $0x1;
	_ =	shalt  }
.Lfunc_end2:
_tile_overlayer_lowered:
.L_overlay_start_2:
0x2ca: {  	(tag) =	ssettag $0x2  }
0x2cb: {  	s0 =	rddreg [dreg:$0x0];
	s2 =	stileid.u32  }
0x2cc: {  	s1 =	rddreg [dreg:$0x1];
	p0 =	sne.s32 s2, $0x0  }
0x2cd: {  	s3 =	rddreg [dreg:$0x2];
	[bflag:$0x3] =	sbarrier.arrive $0xFFFF;
	s2 =	simm.s32 @!p0 $0x1C06  }
0x2ce: {  	[timem:s3], [sflag:s2] =	dma.local @!p0 [hbm:s0], s1  }
0x2cf: {  	s0 =	simm.s32 @!p0 $0x6  }
0x2d0: {  	_ =	swait.ge @!p0 [sflag:s0], s1  }
0x2d1: {  	s1 =	ssub.s32 @!p0 $0x0, s1;
	[sflag:s0] =	ssyncset.done @!p0 $0x0  }
0x2d2: {  	[sflag:s0] =	ssyncadd.s32 @!p0 s1  }
0x2d3: {  	[bflag:$0x3] =	sbarrier.arrive $0xFFFF  }
0x2d4: {  	_ =	shalt  }

</sc_bundles>
